<compile_context>
chip_gen: v7x
topology: tpu7x:2x2x1
jax: 0.10.2.dev20260603
libtpu: 0.0.44.dev20260713+nightly
codegen_flags: <defaults>
</compile_context>

<pallas_src>
import functools

import jax
import jax.numpy as jnp
from jax import lax
from jax.experimental import pallas as pl
from jax.experimental.pallas import tpu as pltpu
from jax.experimental.pallas import tpu_sc as plsc

_B, _C, _D, _P = 32, 128, 128, 64
_L = 16
_NPG = _P // _L
_NDG = _D // _L
_UNROLL = 8
_PARAMS = _D + _L


def _round_bf16(v):
    u = plsc.bitcast(v, jnp.int32)
    r = u + jnp.int32(0x7FFF) + ((u >> 16) & 1)
    r = r & jnp.int32(-65536)
    return plsc.bitcast(r, jnp.float32)


def _sc_body(nc, xc_hbm, par_hbm, out_hbm, tile_v, par_v, obuf_v):
    b = lax.axis_index("s") * nc + lax.axis_index("c")
    pltpu.sync_copy(par_hbm, par_v.at[pl.ds(0, _D + 1)])
    pltpu.sync_copy(xc_hbm.at[b], tile_v)
    bias = par_v[pl.ds(_D - _L + 1, _L)][_L - 1]
    iota = lax.broadcasted_iota(jnp.int32, (_L,), 0)

    def score_body(i, accs):
        d0 = i * _UNROLL
        a = list(accs)
        wv = _round_bf16(par_v[pl.ds(d0, _L)])
        base = d0 * _P
        for k in range(_UNROLL):
            w = wv[k]
            for g in range(_NPG):
                a[g] = a[g] + w * _round_bf16(
                    tile_v[pl.ds(base + k * _P + g * _L, _L)])
        return tuple(a)

    zero = jnp.zeros((_L,), jnp.float32)
    accs = lax.fori_loop(0, _D // _UNROLL, score_body, (zero,) * _NPG)
    ts = [(a + bias) + jnp.float32(1000000.0) for a in accs]

    one = jnp.ones((_L,), jnp.int32)
    izero = jnp.zeros((_L,), jnp.int32)
    r = [izero] * _NPG
    for gq in range(_NPG):
        for k in range(_L):
            tq = ts[gq][k]
            later = iota > k
            for g in range(_NPG):
                gt = tq > ts[g]
                if g < gq:
                    cond = gt
                elif g > gq:
                    cond = gt | (tq == ts[g])
                else:
                    cond = gt | ((tq == ts[g]) & later)
                r[g] = r[g] + jnp.where(cond, one, izero)

    def scat_body(d, carry):
        dv = jnp.broadcast_to(d, (_L,))
        base = d * _P
        for g in range(_NPG):
            row = tile_v[pl.ds(base + g * _L, _L)]
            plsc.store_scatter(obuf_v, [r[g], dv], row)
        return carry

    lax.fori_loop(0, _D, scat_body, 0)
    pltpu.sync_copy(obuf_v, out_hbm.at[b])


def _make_call(interpret=False):
    nc, ns = 2, 16
    mesh = plsc.VectorSubcoreMesh(
        core_axis_name="c", subcore_axis_name="s", num_cores=nc, num_subcores=ns
    )
    return pl.kernel(
        functools.partial(_sc_body, nc),
        out_type=jax.ShapeDtypeStruct((_B, _P, _D), jnp.float32),
        mesh=mesh,
        scratch_types=[
            pltpu.VMEM((_D * _P,), jnp.float32),
            pltpu.VMEM((_PARAMS,), jnp.float32),
            pltpu.VMEM((_P, _D), jnp.float32),
        ],
        compiler_params=pltpu.CompilerParams(needs_layout_passes=False),
        interpret=interpret,
        name="patch_selector_sc",
    )


def kernel(x, channel_idx, W, b):
    params = jnp.concatenate([W.reshape(-1).astype(jnp.float32),
                              jnp.asarray(b, jnp.float32).reshape(-1)])
    ci = jnp.asarray(channel_idx, jnp.int32)
    xc = lax.squeeze(lax.dynamic_slice_in_dim(x, ci, 1, axis=1), (1,))
    xc = xc.reshape(_B, _D * _P)
    return _make_call()(xc, params)

# --- scband reference (transcript-rebuilt; emitter-appended) ---
"""Pipeline reference for scband-patch-selector-81535659147921 (READ-ONLY COPY).

The authoritative reference and input builder live on the scoring server;
editing this copy changes nothing except your own understanding.
"""

import jax, jax.numpy as jnp
import numpy as np


def setup_inputs(seed: int = 0) -> dict:
    key = jax.random.key(seed)
    k1, k2, k3 = jax.random.split(key, 3)
    B, C, D, P = 32, 128, 128, 64
    x = jax.random.normal(k1, (B, C, D, P), dtype=jnp.float32)
    channel_idx = 3  # python int scalar forward arg
    # score_layer: nn.Linear(d_model=128, 1) -> weight [1, D], bias [1]
    bound = 1.0 / np.sqrt(D)
    W = jax.random.uniform(k2, (1, D), dtype=jnp.float32, minval=-bound, maxval=bound)
    b = jax.random.uniform(k3, (1,), dtype=jnp.float32, minval=-bound, maxval=bound)
    return {"x": x, "channel_idx": channel_idx, "W": W, "b": b}


def reference(x, channel_idx, W, b):
    B, C, D, P = x.shape
    # permute(0,1,3,2).reshape(B, C*P, D)
    patches = jnp.transpose(x, (0, 1, 3, 2)).reshape(B, C * P, D)
    # score_layer(patches).squeeze(-1)
    scores = (patches @ W.T + b)[..., 0]  # [B, C*P]
    channel_of_pos = jnp.arange(C * P) // P  # [C*P]
    mask = channel_of_pos == channel_idx
    scores = scores + jnp.where(mask, 1000000.0, 0.0)[None, :]
    _, top_idx = jax.lax.top_k(scores, P)  # [B, P], descending like torch.topk
    # gather(patches, 1, idx_expanded)
    selected = jnp.take_along_axis(patches, top_idx[:, :, None], axis=1)  # [B, P, D]
    return selected

if __name__ == "__main__":
    import jax
    _d = setup_inputs()
    print(jax.jit(kernel)(*tuple(_d.values())))

</pallas_src>

<mosaic_0001>
#map = affine_map<(d0, d1) -> (0, 0)>
#map1 = affine_map<(d0, d1) -> (0)>
#map2 = affine_map<(d0, d1) -> (0, 0, 0)>
module attributes {stable_mosaic.version = 14 : i64} {
  func.func @patch_selector_sc(%arg0: i32, %arg1: i32, %arg2: memref<32x8192xf32, #tpu.memory_space<hbm>>, %arg3: memref<129xf32, #tpu.memory_space<hbm>>, %arg4: memref<32x64x128xf32, #tpu.memory_space<hbm>>, %arg5: memref<8192xf32, #tpu.memory_space<vmem>>, %arg6: memref<144xf32, #tpu.memory_space<vmem>>, %arg7: memref<64x128xf32, #tpu.memory_space<vmem>>) attributes {dimension_semantics = [#tpu.dimension_semantics<core_parallel>, #tpu.dimension_semantics<subcore_parallel>], iteration_bounds = array<i64: 2, 16>, scalar_prefetch = 0 : i64, scratch_operands = 3 : i64, tpu.core_type = #tpu.core_type<sc_vector_subcore>, window_params = [{transform_indices = #map}, {transform_indices = #map1}, {transform_indices = #map2}]} {
    %mul3A = arith.constant 2 : i32
    %mul3A_0 = arith.muli %arg1, %mul3A : i32
    %add3A = arith.addi %mul3A_0, %arg0 : i32
    "tpu.region"() ({
      %run_scoped3A = tpu.sem_alloc : memref<!tpu.dma_semaphore, #tpu.memory_space<semaphore_mem>>
      %dma_start3A = arith.constant 0 : i32
      %dma_start3A_1921 = tpu.memref_slice %arg6[%dma_start3A] : memref<144xf32, #tpu.memory_space<vmem>> -> memref<129xf32, #tpu.memory_space<vmem>>
      %dma_start3A_1922 = arith.constant 0 : i32
      %dma_start3A_1923 = tpu.memref_slice %arg6[%dma_start3A_1922] : memref<144xf32, #tpu.memory_space<vmem>> -> memref<129xf32, #tpu.memory_space<vmem>>
      tpu.enqueue_dma source(%arg3 : memref<129xf32, #tpu.memory_space<hbm>>) target(%dma_start3A_1923 : memref<129xf32, #tpu.memory_space<vmem>>) target_semaphore(%run_scoped3A : memref<!tpu.dma_semaphore, #tpu.memory_space<semaphore_mem>>)
      %dma_wait3A = arith.constant 0 : i32
      %dma_wait3A_1924 = tpu.memref_slice %arg6[%dma_wait3A] : memref<144xf32, #tpu.memory_space<vmem>> -> memref<129xf32, #tpu.memory_space<vmem>>
      %dma_wait3A_1925 = arith.constant 0 : i32
      %dma_wait3A_1926 = tpu.memref_slice %arg6[%dma_wait3A_1925] : memref<144xf32, #tpu.memory_space<vmem>> -> memref<129xf32, #tpu.memory_space<vmem>>
      tpu.wait_dma2 semaphore(%run_scoped3A : memref<!tpu.dma_semaphore, #tpu.memory_space<semaphore_mem>>) src(%arg3 : memref<129xf32, #tpu.memory_space<hbm>>) dst(%dma_wait3A_1926 : memref<129xf32, #tpu.memory_space<vmem>>)
      tpu.yield
    }) : () -> ()
    "tpu.region"() ({
      %run_scoped3A = tpu.sem_alloc : memref<!tpu.dma_semaphore, #tpu.memory_space<semaphore_mem>>
      %dma_start3A = arith.constant 0 : i32
      %dma_start3A_1921 = tpu.memref_slice %arg2[%add3A, %dma_start3A] : memref<32x8192xf32, #tpu.memory_space<hbm>> -> memref<1x8192xf32, #tpu.memory_space<hbm>>
      %dma_start3A_1922 = tpu.memref_squeeze %dma_start3A_1921 : memref<1x8192xf32, #tpu.memory_space<hbm>> -> memref<8192xf32, #tpu.memory_space<hbm>>
      %dma_start3A_1923 = arith.constant 0 : i32
      %dma_start3A_1924 = tpu.memref_slice %arg2[%add3A, %dma_start3A_1923] : memref<32x8192xf32, #tpu.memory_space<hbm>> -> memref<1x8192xf32, #tpu.memory_space<hbm>>
      %dma_start3A_1925 = tpu.memref_squeeze %dma_start3A_1924 : memref<1x8192xf32, #tpu.memory_space<hbm>> -> memref<8192xf32, #tpu.memory_space<hbm>>
      tpu.enqueue_dma source(%dma_start3A_1925 : memref<8192xf32, #tpu.memory_space<hbm>>) target(%arg5 : memref<8192xf32, #tpu.memory_space<vmem>>) target_semaphore(%run_scoped3A : memref<!tpu.dma_semaphore, #tpu.memory_space<semaphore_mem>>)
      %dma_wait3A = arith.constant 0 : i32
      %dma_wait3A_1926 = tpu.memref_slice %arg2[%add3A, %dma_wait3A] : memref<32x8192xf32, #tpu.memory_space<hbm>> -> memref<1x8192xf32, #tpu.memory_space<hbm>>
      %dma_wait3A_1927 = tpu.memref_squeeze %dma_wait3A_1926 : memref<1x8192xf32, #tpu.memory_space<hbm>> -> memref<8192xf32, #tpu.memory_space<hbm>>
      %dma_wait3A_1928 = arith.constant 0 : i32
      %dma_wait3A_1929 = tpu.memref_slice %arg2[%add3A, %dma_wait3A_1928] : memref<32x8192xf32, #tpu.memory_space<hbm>> -> memref<1x8192xf32, #tpu.memory_space<hbm>>
      %dma_wait3A_1930 = tpu.memref_squeeze %dma_wait3A_1929 : memref<1x8192xf32, #tpu.memory_space<hbm>> -> memref<8192xf32, #tpu.memory_space<hbm>>
      tpu.wait_dma2 semaphore(%run_scoped3A : memref<!tpu.dma_semaphore, #tpu.memory_space<semaphore_mem>>) src(%dma_wait3A_1930 : memref<8192xf32, #tpu.memory_space<hbm>>) dst(%arg5 : memref<8192xf32, #tpu.memory_space<vmem>>)
      tpu.yield
    }) : () -> ()
    %get3A = arith.constant 113 : index
    %get3A_1 = tpu.vector_load %arg6[%get3A] {strides = array<i32>} : memref<144xf32, #tpu.memory_space<vmem>>, vector<16xf32>,
    %slice3A = vector.extract_strided_slice %get3A_1 {offsets = [15], sizes = [1], strides = [1]} : vector<16xf32> to vector<1xf32>
    %squeeze3A = vector.extract %slice3A[0] : f32 from vector<1xf32>
    %iota3A = tpu.iota {dimensions = array<i32: 0>} : vector<16xi32>
    %broadcast_in_dim3A = arith.constant 0.000000e+00 : f32
    %broadcast_in_dim3A_2 = vector.broadcast %broadcast_in_dim3A : f32 to vector<16xf32>
    %scan3A = arith.constant 0 : i32
    %scan3A_3 = arith.constant 16 : i32
    %scan3A_4 = arith.addi %scan3A, %scan3A_3 : i32
    %scan3A_5 = arith.constant 1 : i32
    %scan3A_6:4 = scf.for %scan3A_1921 = %scan3A to %scan3A_4 step %scan3A_5 iter_args(%scan3A_1922 = %broadcast_in_dim3A_2, %scan3A_1923 = %broadcast_in_dim3A_2, %scan3A_1924 = %broadcast_in_dim3A_2, %scan3A_1925 = %broadcast_in_dim3A_2) -> (vector<16xf32>, vector<16xf32>, vector<16xf32>, vector<16xf32>)  : i32 {
      %mul3A_1926 = arith.constant 8 : i32
      %mul3A_1927 = arith.muli %scan3A_1921, %mul3A_1926 : i32
      %get3A_1928 = arith.index_cast %mul3A_1927 : i32 to index
      %get3A_1929 = tpu.vector_load %arg6[%get3A_1928] {strides = array<i32>} : memref<144xf32, #tpu.memory_space<vmem>>, vector<16xf32>,
      %bitcast3A = vector.bitcast %get3A_1929 : vector<16xf32> to vector<16xi32>
      %add3A_1930 = arith.constant 32767 : i32
      %add3A_1931 = vector.broadcast %add3A_1930 : i32 to vector<16xi32>
      %add3A_1932 = arith.addi %bitcast3A, %add3A_1931 : vector<16xi32>
      %shift_right_arithmetic3A = arith.constant 16 : i32
      %shift_right_arithmetic3A_1933 = vector.broadcast %shift_right_arithmetic3A : i32 to vector<16xi32>
      %shift_right_arithmetic3A_1934 = arith.shrsi %bitcast3A, %shift_right_arithmetic3A_1933 : vector<16xi32>
      %and3A_1935 = arith.constant 1 : i32
      %and3A_1936 = vector.broadcast %and3A_1935 : i32 to vector<16xi32>
      %and3A_1937 = arith.andi %shift_right_arithmetic3A_1934, %and3A_1936 : vector<16xi32>
      %add3A_1938 = arith.addi %add3A_1932, %and3A_1937 : vector<16xi32>
      %and3A_1939 = arith.constant -65536 : i32
      %and3A_1940 = vector.broadcast %and3A_1939 : i32 to vector<16xi32>
      %and3A_1941 = arith.andi %add3A_1938, %and3A_1940 : vector<16xi32>
      %bitcast3A_1942 = vector.bitcast %and3A_1941 : vector<16xi32> to vector<16xf32>
      %mul3A_1943 = arith.constant 64 : i32
      %mul3A_1944 = arith.muli %mul3A_1927, %mul3A_1943 : i32
      %slice3A_1945 = vector.extract_strided_slice %bitcast3A_1942 {offsets = [0], sizes = [1], strides = [1]} : vector<16xf32> to vector<1xf32>
      %squeeze3A_1946 = vector.extract %slice3A_1945[0] : f32 from vector<1xf32>
      %add3A_1947 = arith.constant 0 : i32
      %add3A_1948 = arith.addi %mul3A_1944, %add3A_1947 : i32
      %add3A_1949 = arith.constant 0 : i32
      %add3A_1950 = arith.addi %add3A_1948, %add3A_1949 : i32
      %get3A_1951 = arith.index_cast %add3A_1950 : i32 to index
      %get3A_1952 = tpu.vector_load %arg5[%get3A_1951] {strides = array<i32>} : memref<8192xf32, #tpu.memory_space<vmem>>, vector<16xf32>,
      %bitcast3A_1953 = vector.bitcast %get3A_1952 : vector<16xf32> to vector<16xi32>
      %add3A_1954 = arith.constant 32767 : i32
      %add3A_1955 = vector.broadcast %add3A_1954 : i32 to vector<16xi32>
      %add3A_1956 = arith.addi %bitcast3A_1953, %add3A_1955 : vector<16xi32>
      %shift_right_arithmetic3A_1957 = arith.constant 16 : i32
      %shift_right_arithmetic3A_1958 = vector.broadcast %shift_right_arithmetic3A_1957 : i32 to vector<16xi32>
      %shift_right_arithmetic3A_1959 = arith.shrsi %bitcast3A_1953, %shift_right_arithmetic3A_1958 : vector<16xi32>
      %and3A_1960 = arith.constant 1 : i32
      %and3A_1961 = vector.broadcast %and3A_1960 : i32 to vector<16xi32>
      %and3A_1962 = arith.andi %shift_right_arithmetic3A_1959, %and3A_1961 : vector<16xi32>
      %add3A_1963 = arith.addi %add3A_1956, %and3A_1962 : vector<16xi32>
      %and3A_1964 = arith.constant -65536 : i32
      %and3A_1965 = vector.broadcast %and3A_1964 : i32 to vector<16xi32>
      %and3A_1966 = arith.andi %add3A_1963, %and3A_1965 : vector<16xi32>
      %bitcast3A_1967 = vector.bitcast %and3A_1966 : vector<16xi32> to vector<16xf32>
      %mul3A_1968 = vector.broadcast %squeeze3A_1946 : f32 to vector<16xf32>
      %mul3A_1969 = arith.mulf %mul3A_1968, %bitcast3A_1967 : vector<16xf32>
      %add3A_1970 = arith.addf %scan3A_1922, %mul3A_1969 : vector<16xf32>
      %add3A_1971 = arith.constant 0 : i32
      %add3A_1972 = arith.addi %mul3A_1944, %add3A_1971 : i32
      %add3A_1973 = arith.constant 16 : i32
      %add3A_1974 = arith.addi %add3A_1972, %add3A_1973 : i32
      %get3A_1975 = arith.index_cast %add3A_1974 : i32 to index
      %get3A_1976 = tpu.vector_load %arg5[%get3A_1975] {strides = array<i32>} : memref<8192xf32, #tpu.memory_space<vmem>>, vector<16xf32>,
      %bitcast3A_1977 = vector.bitcast %get3A_1976 : vector<16xf32> to vector<16xi32>
      %add3A_1978 = arith.constant 32767 : i32
      %add3A_1979 = vector.broadcast %add3A_1978 : i32 to vector<16xi32>
      %add3A_1980 = arith.addi %bitcast3A_1977, %add3A_1979 : vector<16xi32>
      %shift_right_arithmetic3A_1981 = arith.constant 16 : i32
      %shift_right_arithmetic3A_1982 = vector.broadcast %shift_right_arithmetic3A_1981 : i32 to vector<16xi32>
      %shift_right_arithmetic3A_1983 = arith.shrsi %bitcast3A_1977, %shift_right_arithmetic3A_1982 : vector<16xi32>
      %and3A_1984 = arith.constant 1 : i32
      %and3A_1985 = vector.broadcast %and3A_1984 : i32 to vector<16xi32>
      %and3A_1986 = arith.andi %shift_right_arithmetic3A_1983, %and3A_1985 : vector<16xi32>
      %add3A_1987 = arith.addi %add3A_1980, %and3A_1986 : vector<16xi32>
      %and3A_1988 = arith.constant -65536 : i32
      %and3A_1989 = vector.broadcast %and3A_1988 : i32 to vector<16xi32>
      %and3A_1990 = arith.andi %add3A_1987, %and3A_1989 : vector<16xi32>
      %bitcast3A_1991 = vector.bitcast %and3A_1990 : vector<16xi32> to vector<16xf32>
      %mul3A_1992 = vector.broadcast %squeeze3A_1946 : f32 to vector<16xf32>
      %mul3A_1993 = arith.mulf %mul3A_1992, %bitcast3A_1991 : vector<16xf32>
      %add3A_1994 = arith.addf %scan3A_1923, %mul3A_1993 : vector<16xf32>
      %add3A_1995 = arith.constant 0 : i32
      %add3A_1996 = arith.addi %mul3A_1944, %add3A_1995 : i32
      %add3A_1997 = arith.constant 32 : i32
      %add3A_1998 = arith.addi %add3A_1996, %add3A_1997 : i32
      %get3A_1999 = arith.index_cast %add3A_1998 : i32 to index
      %get3A_2000 = tpu.vector_load %arg5[%get3A_1999] {strides = array<i32>} : memref<8192xf32, #tpu.memory_space<vmem>>, vector<16xf32>,
      %bitcast3A_2001 = vector.bitcast %get3A_2000 : vector<16xf32> to vector<16xi32>
      %add3A_2002 = arith.constant 32767 : i32
      %add3A_2003 = vector.broadcast %add3A_2002 : i32 to vector<16xi32>
      %add3A_2004 = arith.addi %bitcast3A_2001, %add3A_2003 : vector<16xi32>
      %shift_right_arithmetic3A_2005 = arith.constant 16 : i32
      %shift_right_arithmetic3A_2006 = vector.broadcast %shift_right_arithmetic3A_2005 : i32 to vector<16xi32>
      %shift_right_arithmetic3A_2007 = arith.shrsi %bitcast3A_2001, %shift_right_arithmetic3A_2006 : vector<16xi32>
      %and3A_2008 = arith.constant 1 : i32
      %and3A_2009 = vector.broadcast %and3A_2008 : i32 to vector<16xi32>
      %and3A_2010 = arith.andi %shift_right_arithmetic3A_2007, %and3A_2009 : vector<16xi32>
      %add3A_2011 = arith.addi %add3A_2004, %and3A_2010 : vector<16xi32>
      %and3A_2012 = arith.constant -65536 : i32
      %and3A_2013 = vector.broadcast %and3A_2012 : i32 to vector<16xi32>
      %and3A_2014 = arith.andi %add3A_2011, %and3A_2013 : vector<16xi32>
      %bitcast3A_2015 = vector.bitcast %and3A_2014 : vector<16xi32> to vector<16xf32>
      %mul3A_2016 = vector.broadcast %squeeze3A_1946 : f32 to vector<16xf32>
      %mul3A_2017 = arith.mulf %mul3A_2016, %bitcast3A_2015 : vector<16xf32>
      %add3A_2018 = arith.addf %scan3A_1924, %mul3A_2017 : vector<16xf32>
      %add3A_2019 = arith.constant 0 : i32
      %add3A_2020 = arith.addi %mul3A_1944, %add3A_2019 : i32
      %add3A_2021 = arith.constant 48 : i32
      %add3A_2022 = arith.addi %add3A_2020, %add3A_2021 : i32
      %get3A_2023 = arith.index_cast %add3A_2022 : i32 to index
      %get3A_2024 = tpu.vector_load %arg5[%get3A_2023] {strides = array<i32>} : memref<8192xf32, #tpu.memory_space<vmem>>, vector<16xf32>,
      %bitcast3A_2025 = vector.bitcast %get3A_2024 : vector<16xf32> to vector<16xi32>
      %add3A_2026 = arith.constant 32767 : i32
      %add3A_2027 = vector.broadcast %add3A_2026 : i32 to vector<16xi32>
      %add3A_2028 = arith.addi %bitcast3A_2025, %add3A_2027 : vector<16xi32>
      %shift_right_arithmetic3A_2029 = arith.constant 16 : i32
      %shift_right_arithmetic3A_2030 = vector.broadcast %shift_right_arithmetic3A_2029 : i32 to vector<16xi32>
      %shift_right_arithmetic3A_2031 = arith.shrsi %bitcast3A_2025, %shift_right_arithmetic3A_2030 : vector<16xi32>
      %and3A_2032 = arith.constant 1 : i32
      %and3A_2033 = vector.broadcast %and3A_2032 : i32 to vector<16xi32>
      %and3A_2034 = arith.andi %shift_right_arithmetic3A_2031, %and3A_2033 : vector<16xi32>
      %add3A_2035 = arith.addi %add3A_2028, %and3A_2034 : vector<16xi32>
      %and3A_2036 = arith.constant -65536 : i32
      %and3A_2037 = vector.broadcast %and3A_2036 : i32 to vector<16xi32>
      %and3A_2038 = arith.andi %add3A_2035, %and3A_2037 : vector<16xi32>
      %bitcast3A_2039 = vector.bitcast %and3A_2038 : vector<16xi32> to vector<16xf32>
      %mul3A_2040 = vector.broadcast %squeeze3A_1946 : f32 to vector<16xf32>
      %mul3A_2041 = arith.mulf %mul3A_2040, %bitcast3A_2039 : vector<16xf32>
      %add3A_2042 = arith.addf %scan3A_1925, %mul3A_2041 : vector<16xf32>
      %slice3A_2043 = vector.extract_strided_slice %bitcast3A_1942 {offsets = [1], sizes = [1], strides = [1]} : vector<16xf32> to vector<1xf32>
      %squeeze3A_2044 = vector.extract %slice3A_2043[0] : f32 from vector<1xf32>
      %add3A_2045 = arith.constant 64 : i32
      %add3A_2046 = arith.addi %mul3A_1944, %add3A_2045 : i32
      %add3A_2047 = arith.constant 0 : i32
      %add3A_2048 = arith.addi %add3A_2046, %add3A_2047 : i32
      %get3A_2049 = arith.index_cast %add3A_2048 : i32 to index
      %get3A_2050 = tpu.vector_load %arg5[%get3A_2049] {strides = array<i32>} : memref<8192xf32, #tpu.memory_space<vmem>>, vector<16xf32>,
      %bitcast3A_2051 = vector.bitcast %get3A_2050 : vector<16xf32> to vector<16xi32>
      %add3A_2052 = arith.constant 32767 : i32
      %add3A_2053 = vector.broadcast %add3A_2052 : i32 to vector<16xi32>
      %add3A_2054 = arith.addi %bitcast3A_2051, %add3A_2053 : vector<16xi32>
      %shift_right_arithmetic3A_2055 = arith.constant 16 : i32
      %shift_right_arithmetic3A_2056 = vector.broadcast %shift_right_arithmetic3A_2055 : i32 to vector<16xi32>
      %shift_right_arithmetic3A_2057 = arith.shrsi %bitcast3A_2051, %shift_right_arithmetic3A_2056 : vector<16xi32>
      %and3A_2058 = arith.constant 1 : i32
      %and3A_2059 = vector.broadcast %and3A_2058 : i32 to vector<16xi32>
      %and3A_2060 = arith.andi %shift_right_arithmetic3A_2057, %and3A_2059 : vector<16xi32>
      %add3A_2061 = arith.addi %add3A_2054, %and3A_2060 : vector<16xi32>
      %and3A_2062 = arith.constant -65536 : i32
      %and3A_2063 = vector.broadcast %and3A_2062 : i32 to vector<16xi32>
      %and3A_2064 = arith.andi %add3A_2061, %and3A_2063 : vector<16xi32>
      %bitcast3A_2065 = vector.bitcast %and3A_2064 : vector<16xi32> to vector<16xf32>
      %mul3A_2066 = vector.broadcast %squeeze3A_2044 : f32 to vector<16xf32>
      %mul3A_2067 = arith.mulf %mul3A_2066, %bitcast3A_2065 : vector<16xf32>
      %add3A_2068 = arith.addf %add3A_1970, %mul3A_2067 : vector<16xf32>
      %add3A_2069 = arith.constant 64 : i32
      %add3A_2070 = arith.addi %mul3A_1944, %add3A_2069 : i32
      %add3A_2071 = arith.constant 16 : i32
      %add3A_2072 = arith.addi %add3A_2070, %add3A_2071 : i32
      %get3A_2073 = arith.index_cast %add3A_2072 : i32 to index
      %get3A_2074 = tpu.vector_load %arg5[%get3A_2073] {strides = array<i32>} : memref<8192xf32, #tpu.memory_space<vmem>>, vector<16xf32>,
      %bitcast3A_2075 = vector.bitcast %get3A_2074 : vector<16xf32> to vector<16xi32>
      %add3A_2076 = arith.constant 32767 : i32
      %add3A_2077 = vector.broadcast %add3A_2076 : i32 to vector<16xi32>
      %add3A_2078 = arith.addi %bitcast3A_2075, %add3A_2077 : vector<16xi32>
      %shift_right_arithmetic3A_2079 = arith.constant 16 : i32
      %shift_right_arithmetic3A_2080 = vector.broadcast %shift_right_arithmetic3A_2079 : i32 to vector<16xi32>
      %shift_right_arithmetic3A_2081 = arith.shrsi %bitcast3A_2075, %shift_right_arithmetic3A_2080 : vector<16xi32>
      %and3A_2082 = arith.constant 1 : i32
      %and3A_2083 = vector.broadcast %and3A_2082 : i32 to vector<16xi32>
      %and3A_2084 = arith.andi %shift_right_arithmetic3A_2081, %and3A_2083 : vector<16xi32>
      %add3A_2085 = arith.addi %add3A_2078, %and3A_2084 : vector<16xi32>
      %and3A_2086 = arith.constant -65536 : i32
      %and3A_2087 = vector.broadcast %and3A_2086 : i32 to vector<16xi32>
      %and3A_2088 = arith.andi %add3A_2085, %and3A_2087 : vector<16xi32>
      %bitcast3A_2089 = vector.bitcast %and3A_2088 : vector<16xi32> to vector<16xf32>
      %mul3A_2090 = vector.broadcast %squeeze3A_2044 : f32 to vector<16xf32>
      %mul3A_2091 = arith.mulf %mul3A_2090, %bitcast3A_2089 : vector<16xf32>
      %add3A_2092 = arith.addf %add3A_1994, %mul3A_2091 : vector<16xf32>
      %add3A_2093 = arith.constant 64 : i32
      %add3A_2094 = arith.addi %mul3A_1944, %add3A_2093 : i32
      %add3A_2095 = arith.constant 32 : i32
      %add3A_2096 = arith.addi %add3A_2094, %add3A_2095 : i32
      %get3A_2097 = arith.index_cast %add3A_2096 : i32 to index
      %get3A_2098 = tpu.vector_load %arg5[%get3A_2097] {strides = array<i32>} : memref<8192xf32, #tpu.memory_space<vmem>>, vector<16xf32>,
      %bitcast3A_2099 = vector.bitcast %get3A_2098 : vector<16xf32> to vector<16xi32>
      %add3A_2100 = arith.constant 32767 : i32
      %add3A_2101 = vector.broadcast %add3A_2100 : i32 to vector<16xi32>
      %add3A_2102 = arith.addi %bitcast3A_2099, %add3A_2101 : vector<16xi32>
      %shift_right_arithmetic3A_2103 = arith.constant 16 : i32
      %shift_right_arithmetic3A_2104 = vector.broadcast %shift_right_arithmetic3A_2103 : i32 to vector<16xi32>
      %shift_right_arithmetic3A_2105 = arith.shrsi %bitcast3A_2099, %shift_right_arithmetic3A_2104 : vector<16xi32>
      %and3A_2106 = arith.constant 1 : i32
      %and3A_2107 = vector.broadcast %and3A_2106 : i32 to vector<16xi32>
      %and3A_2108 = arith.andi %shift_right_arithmetic3A_2105, %and3A_2107 : vector<16xi32>
      %add3A_2109 = arith.addi %add3A_2102, %and3A_2108 : vector<16xi32>
      %and3A_2110 = arith.constant -65536 : i32
      %and3A_2111 = vector.broadcast %and3A_2110 : i32 to vector<16xi32>
      %and3A_2112 = arith.andi %add3A_2109, %and3A_2111 : vector<16xi32>
      %bitcast3A_2113 = vector.bitcast %and3A_2112 : vector<16xi32> to vector<16xf32>
      %mul3A_2114 = vector.broadcast %squeeze3A_2044 : f32 to vector<16xf32>
      %mul3A_2115 = arith.mulf %mul3A_2114, %bitcast3A_2113 : vector<16xf32>
      %add3A_2116 = arith.addf %add3A_2018, %mul3A_2115 : vector<16xf32>
      %add3A_2117 = arith.constant 64 : i32
      %add3A_2118 = arith.addi %mul3A_1944, %add3A_2117 : i32
      %add3A_2119 = arith.constant 48 : i32
      %add3A_2120 = arith.addi %add3A_2118, %add3A_2119 : i32
      %get3A_2121 = arith.index_cast %add3A_2120 : i32 to index
      %get3A_2122 = tpu.vector_load %arg5[%get3A_2121] {strides = array<i32>} : memref<8192xf32, #tpu.memory_space<vmem>>, vector<16xf32>,
      %bitcast3A_2123 = vector.bitcast %get3A_2122 : vector<16xf32> to vector<16xi32>
      %add3A_2124 = arith.constant 32767 : i32
      %add3A_2125 = vector.broadcast %add3A_2124 : i32 to vector<16xi32>
      %add3A_2126 = arith.addi %bitcast3A_2123, %add3A_2125 : vector<16xi32>
      %shift_right_arithmetic3A_2127 = arith.constant 16 : i32
      %shift_right_arithmetic3A_2128 = vector.broadcast %shift_right_arithmetic3A_2127 : i32 to vector<16xi32>
      %shift_right_arithmetic3A_2129 = arith.shrsi %bitcast3A_2123, %shift_right_arithmetic3A_2128 : vector<16xi32>
      %and3A_2130 = arith.constant 1 : i32
      %and3A_2131 = vector.broadcast %and3A_2130 : i32 to vector<16xi32>
      %and3A_2132 = arith.andi %shift_right_arithmetic3A_2129, %and3A_2131 : vector<16xi32>
      %add3A_2133 = arith.addi %add3A_2126, %and3A_2132 : vector<16xi32>
      %and3A_2134 = arith.constant -65536 : i32
      %and3A_2135 = vector.broadcast %and3A_2134 : i32 to vector<16xi32>
      %and3A_2136 = arith.andi %add3A_2133, %and3A_2135 : vector<16xi32>
      %bitcast3A_2137 = vector.bitcast %and3A_2136 : vector<16xi32> to vector<16xf32>
      %mul3A_2138 = vector.broadcast %squeeze3A_2044 : f32 to vector<16xf32>
      %mul3A_2139 = arith.mulf %mul3A_2138, %bitcast3A_2137 : vector<16xf32>
      %add3A_2140 = arith.addf %add3A_2042, %mul3A_2139 : vector<16xf32>
      %slice3A_2141 = vector.extract_strided_slice %bitcast3A_1942 {offsets = [2], sizes = [1], strides = [1]} : vector<16xf32> to vector<1xf32>
      %squeeze3A_2142 = vector.extract %slice3A_2141[0] : f32 from vector<1xf32>
      %add3A_2143 = arith.constant 128 : i32
      %add3A_2144 = arith.addi %mul3A_1944, %add3A_2143 : i32
      %add3A_2145 = arith.constant 0 : i32
      %add3A_2146 = arith.addi %add3A_2144, %add3A_2145 : i32
      %get3A_2147 = arith.index_cast %add3A_2146 : i32 to index
      %get3A_2148 = tpu.vector_load %arg5[%get3A_2147] {strides = array<i32>} : memref<8192xf32, #tpu.memory_space<vmem>>, vector<16xf32>,
      %bitcast3A_2149 = vector.bitcast %get3A_2148 : vector<16xf32> to vector<16xi32>
      %add3A_2150 = arith.constant 32767 : i32
      %add3A_2151 = vector.broadcast %add3A_2150 : i32 to vector<16xi32>
      %add3A_2152 = arith.addi %bitcast3A_2149, %add3A_2151 : vector<16xi32>
      %shift_right_arithmetic3A_2153 = arith.constant 16 : i32
      %shift_right_arithmetic3A_2154 = vector.broadcast %shift_right_arithmetic3A_2153 : i32 to vector<16xi32>
      %shift_right_arithmetic3A_2155 = arith.shrsi %bitcast3A_2149, %shift_right_arithmetic3A_2154 : vector<16xi32>
      %and3A_2156 = arith.constant 1 : i32
      %and3A_2157 = vector.broadcast %and3A_2156 : i32 to vector<16xi32>
      %and3A_2158 = arith.andi %shift_right_arithmetic3A_2155, %and3A_2157 : vector<16xi32>
      %add3A_2159 = arith.addi %add3A_2152, %and3A_2158 : vector<16xi32>
      %and3A_2160 = arith.constant -65536 : i32
      %and3A_2161 = vector.broadcast %and3A_2160 : i32 to vector<16xi32>
      %and3A_2162 = arith.andi %add3A_2159, %and3A_2161 : vector<16xi32>
      %bitcast3A_2163 = vector.bitcast %and3A_2162 : vector<16xi32> to vector<16xf32>
      %mul3A_2164 = vector.broadcast %squeeze3A_2142 : f32 to vector<16xf32>
      %mul3A_2165 = arith.mulf %mul3A_2164, %bitcast3A_2163 : vector<16xf32>
      %add3A_2166 = arith.addf %add3A_2068, %mul3A_2165 : vector<16xf32>
      %add3A_2167 = arith.constant 128 : i32
      %add3A_2168 = arith.addi %mul3A_1944, %add3A_2167 : i32
      %add3A_2169 = arith.constant 16 : i32
      %add3A_2170 = arith.addi %add3A_2168, %add3A_2169 : i32
      %get3A_2171 = arith.index_cast %add3A_2170 : i32 to index
      %get3A_2172 = tpu.vector_load %arg5[%get3A_2171] {strides = array<i32>} : memref<8192xf32, #tpu.memory_space<vmem>>, vector<16xf32>,
      %bitcast3A_2173 = vector.bitcast %get3A_2172 : vector<16xf32> to vector<16xi32>
      %add3A_2174 = arith.constant 32767 : i32
      %add3A_2175 = vector.broadcast %add3A_2174 : i32 to vector<16xi32>
      %add3A_2176 = arith.addi %bitcast3A_2173, %add3A_2175 : vector<16xi32>
      %shift_right_arithmetic3A_2177 = arith.constant 16 : i32
      %shift_right_arithmetic3A_2178 = vector.broadcast %shift_right_arithmetic3A_2177 : i32 to vector<16xi32>
      %shift_right_arithmetic3A_2179 = arith.shrsi %bitcast3A_2173, %shift_right_arithmetic3A_2178 : vector<16xi32>
      %and3A_2180 = arith.constant 1 : i32
      %and3A_2181 = vector.broadcast %and3A_2180 : i32 to vector<16xi32>
      %and3A_2182 = arith.andi %shift_right_arithmetic3A_2179, %and3A_2181 : vector<16xi32>
      %add3A_2183 = arith.addi %add3A_2176, %and3A_2182 : vector<16xi32>
      %and3A_2184 = arith.constant -65536 : i32
      %and3A_2185 = vector.broadcast %and3A_2184 : i32 to vector<16xi32>
      %and3A_2186 = arith.andi %add3A_2183, %and3A_2185 : vector<16xi32>
      %bitcast3A_2187 = vector.bitcast %and3A_2186 : vector<16xi32> to vector<16xf32>
      %mul3A_2188 = vector.broadcast %squeeze3A_2142 : f32 to vector<16xf32>
      %mul3A_2189 = arith.mulf %mul3A_2188, %bitcast3A_2187 : vector<16xf32>
      %add3A_2190 = arith.addf %add3A_2092, %mul3A_2189 : vector<16xf32>
      %add3A_2191 = arith.constant 128 : i32
      %add3A_2192 = arith.addi %mul3A_1944, %add3A_2191 : i32
      %add3A_2193 = arith.constant 32 : i32
      %add3A_2194 = arith.addi %add3A_2192, %add3A_2193 : i32
      %get3A_2195 = arith.index_cast %add3A_2194 : i32 to index
      %get3A_2196 = tpu.vector_load %arg5[%get3A_2195] {strides = array<i32>} : memref<8192xf32, #tpu.memory_space<vmem>>, vector<16xf32>,
      %bitcast3A_2197 = vector.bitcast %get3A_2196 : vector<16xf32> to vector<16xi32>
      %add3A_2198 = arith.constant 32767 : i32
      %add3A_2199 = vector.broadcast %add3A_2198 : i32 to vector<16xi32>
      %add3A_2200 = arith.addi %bitcast3A_2197, %add3A_2199 : vector<16xi32>
      %shift_right_arithmetic3A_2201 = arith.constant 16 : i32
      %shift_right_arithmetic3A_2202 = vector.broadcast %shift_right_arithmetic3A_2201 : i32 to vector<16xi32>
      %shift_right_arithmetic3A_2203 = arith.shrsi %bitcast3A_2197, %shift_right_arithmetic3A_2202 : vector<16xi32>
      %and3A_2204 = arith.constant 1 : i32
      %and3A_2205 = vector.broadcast %and3A_2204 : i32 to vector<16xi32>
      %and3A_2206 = arith.andi %shift_right_arithmetic3A_2203, %and3A_2205 : vector<16xi32>
      %add3A_2207 = arith.addi %add3A_2200, %and3A_2206 : vector<16xi32>
      %and3A_2208 = arith.constant -65536 : i32
      %and3A_2209 = vector.broadcast %and3A_2208 : i32 to vector<16xi32>
      %and3A_2210 = arith.andi %add3A_2207, %and3A_2209 : vector<16xi32>
      %bitcast3A_2211 = vector.bitcast %and3A_2210 : vector<16xi32> to vector<16xf32>
      %mul3A_2212 = vector.broadcast %squeeze3A_2142 : f32 to vector<16xf32>
      %mul3A_2213 = arith.mulf %mul3A_2212, %bitcast3A_2211 : vector<16xf32>
      %add3A_2214 = arith.addf %add3A_2116, %mul3A_2213 : vector<16xf32>
      %add3A_2215 = arith.constant 128 : i32
      %add3A_2216 = arith.addi %mul3A_1944, %add3A_2215 : i32
      %add3A_2217 = arith.constant 48 : i32
      %add3A_2218 = arith.addi %add3A_2216, %add3A_2217 : i32
      %get3A_2219 = arith.index_cast %add3A_2218 : i32 to index
      %get3A_2220 = tpu.vector_load %arg5[%get3A_2219] {strides = array<i32>} : memref<8192xf32, #tpu.memory_space<vmem>>, vector<16xf32>,
      %bitcast3A_2221 = vector.bitcast %get3A_2220 : vector<16xf32> to vector<16xi32>
      %add3A_2222 = arith.constant 32767 : i32
      %add3A_2223 = vector.broadcast %add3A_2222 : i32 to vector<16xi32>
      %add3A_2224 = arith.addi %bitcast3A_2221, %add3A_2223 : vector<16xi32>
      %shift_right_arithmetic3A_2225 = arith.constant 16 : i32
      %shift_right_arithmetic3A_2226 = vector.broadcast %shift_right_arithmetic3A_2225 : i32 to vector<16xi32>
      %shift_right_arithmetic3A_2227 = arith.shrsi %bitcast3A_2221, %shift_right_arithmetic3A_2226 : vector<16xi32>
      %and3A_2228 = arith.constant 1 : i32
      %and3A_2229 = vector.broadcast %and3A_2228 : i32 to vector<16xi32>
      %and3A_2230 = arith.andi %shift_right_arithmetic3A_2227, %and3A_2229 : vector<16xi32>
      %add3A_2231 = arith.addi %add3A_2224, %and3A_2230 : vector<16xi32>
      %and3A_2232 = arith.constant -65536 : i32
      %and3A_2233 = vector.broadcast %and3A_2232 : i32 to vector<16xi32>
      %and3A_2234 = arith.andi %add3A_2231, %and3A_2233 : vector<16xi32>
      %bitcast3A_2235 = vector.bitcast %and3A_2234 : vector<16xi32> to vector<16xf32>
      %mul3A_2236 = vector.broadcast %squeeze3A_2142 : f32 to vector<16xf32>
      %mul3A_2237 = arith.mulf %mul3A_2236, %bitcast3A_2235 : vector<16xf32>
      %add3A_2238 = arith.addf %add3A_2140, %mul3A_2237 : vector<16xf32>
      %slice3A_2239 = vector.extract_strided_slice %bitcast3A_1942 {offsets = [3], sizes = [1], strides = [1]} : vector<16xf32> to vector<1xf32>
      %squeeze3A_2240 = vector.extract %slice3A_2239[0] : f32 from vector<1xf32>
      %add3A_2241 = arith.constant 192 : i32
      %add3A_2242 = arith.addi %mul3A_1944, %add3A_2241 : i32
      %add3A_2243 = arith.constant 0 : i32
      %add3A_2244 = arith.addi %add3A_2242, %add3A_2243 : i32
      %get3A_2245 = arith.index_cast %add3A_2244 : i32 to index
      %get3A_2246 = tpu.vector_load %arg5[%get3A_2245] {strides = array<i32>} : memref<8192xf32, #tpu.memory_space<vmem>>, vector<16xf32>,
      %bitcast3A_2247 = vector.bitcast %get3A_2246 : vector<16xf32> to vector<16xi32>
      %add3A_2248 = arith.constant 32767 : i32
      %add3A_2249 = vector.broadcast %add3A_2248 : i32 to vector<16xi32>
      %add3A_2250 = arith.addi %bitcast3A_2247, %add3A_2249 : vector<16xi32>
      %shift_right_arithmetic3A_2251 = arith.constant 16 : i32
      %shift_right_arithmetic3A_2252 = vector.broadcast %shift_right_arithmetic3A_2251 : i32 to vector<16xi32>
      %shift_right_arithmetic3A_2253 = arith.shrsi %bitcast3A_2247, %shift_right_arithmetic3A_2252 : vector<16xi32>
      %and3A_2254 = arith.constant 1 : i32
      %and3A_2255 = vector.broadcast %and3A_2254 : i32 to vector<16xi32>
      %and3A_2256 = arith.andi %shift_right_arithmetic3A_2253, %and3A_2255 : vector<16xi32>
      %add3A_2257 = arith.addi %add3A_2250, %and3A_2256 : vector<16xi32>
      %and3A_2258 = arith.constant -65536 : i32
      %and3A_2259 = vector.broadcast %and3A_2258 : i32 to vector<16xi32>
      %and3A_2260 = arith.andi %add3A_2257, %and3A_2259 : vector<16xi32>
      %bitcast3A_2261 = vector.bitcast %and3A_2260 : vector<16xi32> to vector<16xf32>
      %mul3A_2262 = vector.broadcast %squeeze3A_2240 : f32 to vector<16xf32>
      %mul3A_2263 = arith.mulf %mul3A_2262, %bitcast3A_2261 : vector<16xf32>
      %add3A_2264 = arith.addf %add3A_2166, %mul3A_2263 : vector<16xf32>
      %add3A_2265 = arith.constant 192 : i32
      %add3A_2266 = arith.addi %mul3A_1944, %add3A_2265 : i32
      %add3A_2267 = arith.constant 16 : i32
      %add3A_2268 = arith.addi %add3A_2266, %add3A_2267 : i32
      %get3A_2269 = arith.index_cast %add3A_2268 : i32 to index
      %get3A_2270 = tpu.vector_load %arg5[%get3A_2269] {strides = array<i32>} : memref<8192xf32, #tpu.memory_space<vmem>>, vector<16xf32>,
      %bitcast3A_2271 = vector.bitcast %get3A_2270 : vector<16xf32> to vector<16xi32>
      %add3A_2272 = arith.constant 32767 : i32
      %add3A_2273 = vector.broadcast %add3A_2272 : i32 to vector<16xi32>
      %add3A_2274 = arith.addi %bitcast3A_2271, %add3A_2273 : vector<16xi32>
      %shift_right_arithmetic3A_2275 = arith.constant 16 : i32
      %shift_right_arithmetic3A_2276 = vector.broadcast %shift_right_arithmetic3A_2275 : i32 to vector<16xi32>
      %shift_right_arithmetic3A_2277 = arith.shrsi %bitcast3A_2271, %shift_right_arithmetic3A_2276 : vector<16xi32>
      %and3A_2278 = arith.constant 1 : i32
      %and3A_2279 = vector.broadcast %and3A_2278 : i32 to vector<16xi32>
      %and3A_2280 = arith.andi %shift_right_arithmetic3A_2277, %and3A_2279 : vector<16xi32>
      %add3A_2281 = arith.addi %add3A_2274, %and3A_2280 : vector<16xi32>
      %and3A_2282 = arith.constant -65536 : i32
      %and3A_2283 = vector.broadcast %and3A_2282 : i32 to vector<16xi32>
      %and3A_2284 = arith.andi %add3A_2281, %and3A_2283 : vector<16xi32>
      %bitcast3A_2285 = vector.bitcast %and3A_2284 : vector<16xi32> to vector<16xf32>
      %mul3A_2286 = vector.broadcast %squeeze3A_2240 : f32 to vector<16xf32>
      %mul3A_2287 = arith.mulf %mul3A_2286, %bitcast3A_2285 : vector<16xf32>
      %add3A_2288 = arith.addf %add3A_2190, %mul3A_2287 : vector<16xf32>
      %add3A_2289 = arith.constant 192 : i32
      %add3A_2290 = arith.addi %mul3A_1944, %add3A_2289 : i32
      %add3A_2291 = arith.constant 32 : i32
      %add3A_2292 = arith.addi %add3A_2290, %add3A_2291 : i32
      %get3A_2293 = arith.index_cast %add3A_2292 : i32 to index
      %get3A_2294 = tpu.vector_load %arg5[%get3A_2293] {strides = array<i32>} : memref<8192xf32, #tpu.memory_space<vmem>>, vector<16xf32>,
      %bitcast3A_2295 = vector.bitcast %get3A_2294 : vector<16xf32> to vector<16xi32>
      %add3A_2296 = arith.constant 32767 : i32
      %add3A_2297 = vector.broadcast %add3A_2296 : i32 to vector<16xi32>
      %add3A_2298 = arith.addi %bitcast3A_2295, %add3A_2297 : vector<16xi32>
      %shift_right_arithmetic3A_2299 = arith.constant 16 : i32
      %shift_right_arithmetic3A_2300 = vector.broadcast %shift_right_arithmetic3A_2299 : i32 to vector<16xi32>
      %shift_right_arithmetic3A_2301 = arith.shrsi %bitcast3A_2295, %shift_right_arithmetic3A_2300 : vector<16xi32>
      %and3A_2302 = arith.constant 1 : i32
      %and3A_2303 = vector.broadcast %and3A_2302 : i32 to vector<16xi32>
      %and3A_2304 = arith.andi %shift_right_arithmetic3A_2301, %and3A_2303 : vector<16xi32>
      %add3A_2305 = arith.addi %add3A_2298, %and3A_2304 : vector<16xi32>
      %and3A_2306 = arith.constant -65536 : i32
      %and3A_2307 = vector.broadcast %and3A_2306 : i32 to vector<16xi32>
      %and3A_2308 = arith.andi %add3A_2305, %and3A_2307 : vector<16xi32>
      %bitcast3A_2309 = vector.bitcast %and3A_2308 : vector<16xi32> to vector<16xf32>
      %mul3A_2310 = vector.broadcast %squeeze3A_2240 : f32 to vector<16xf32>
      %mul3A_2311 = arith.mulf %mul3A_2310, %bitcast3A_2309 : vector<16xf32>
      %add3A_2312 = arith.addf %add3A_2214, %mul3A_2311 : vector<16xf32>
      %add3A_2313 = arith.constant 192 : i32
      %add3A_2314 = arith.addi %mul3A_1944, %add3A_2313 : i32
      %add3A_2315 = arith.constant 48 : i32
      %add3A_2316 = arith.addi %add3A_2314, %add3A_2315 : i32
      %get3A_2317 = arith.index_cast %add3A_2316 : i32 to index
      %get3A_2318 = tpu.vector_load %arg5[%get3A_2317] {strides = array<i32>} : memref<8192xf32, #tpu.memory_space<vmem>>, vector<16xf32>,
      %bitcast3A_2319 = vector.bitcast %get3A_2318 : vector<16xf32> to vector<16xi32>
      %add3A_2320 = arith.constant 32767 : i32
      %add3A_2321 = vector.broadcast %add3A_2320 : i32 to vector<16xi32>
      %add3A_2322 = arith.addi %bitcast3A_2319, %add3A_2321 : vector<16xi32>
      %shift_right_arithmetic3A_2323 = arith.constant 16 : i32
      %shift_right_arithmetic3A_2324 = vector.broadcast %shift_right_arithmetic3A_2323 : i32 to vector<16xi32>
      %shift_right_arithmetic3A_2325 = arith.shrsi %bitcast3A_2319, %shift_right_arithmetic3A_2324 : vector<16xi32>
      %and3A_2326 = arith.constant 1 : i32
      %and3A_2327 = vector.broadcast %and3A_2326 : i32 to vector<16xi32>
      %and3A_2328 = arith.andi %shift_right_arithmetic3A_2325, %and3A_2327 : vector<16xi32>
      %add3A_2329 = arith.addi %add3A_2322, %and3A_2328 : vector<16xi32>
      %and3A_2330 = arith.constant -65536 : i32
      %and3A_2331 = vector.broadcast %and3A_2330 : i32 to vector<16xi32>
      %and3A_2332 = arith.andi %add3A_2329, %and3A_2331 : vector<16xi32>
      %bitcast3A_2333 = vector.bitcast %and3A_2332 : vector<16xi32> to vector<16xf32>
      %mul3A_2334 = vector.broadcast %squeeze3A_2240 : f32 to vector<16xf32>
      %mul3A_2335 = arith.mulf %mul3A_2334, %bitcast3A_2333 : vector<16xf32>
      %add3A_2336 = arith.addf %add3A_2238, %mul3A_2335 : vector<16xf32>
      %slice3A_2337 = vector.extract_strided_slice %bitcast3A_1942 {offsets = [4], sizes = [1], strides = [1]} : vector<16xf32> to vector<1xf32>
      %squeeze3A_2338 = vector.extract %slice3A_2337[0] : f32 from vector<1xf32>
      %add3A_2339 = arith.constant 256 : i32
      %add3A_2340 = arith.addi %mul3A_1944, %add3A_2339 : i32
      %add3A_2341 = arith.constant 0 : i32
      %add3A_2342 = arith.addi %add3A_2340, %add3A_2341 : i32
      %get3A_2343 = arith.index_cast %add3A_2342 : i32 to index
      %get3A_2344 = tpu.vector_load %arg5[%get3A_2343] {strides = array<i32>} : memref<8192xf32, #tpu.memory_space<vmem>>, vector<16xf32>,
      %bitcast3A_2345 = vector.bitcast %get3A_2344 : vector<16xf32> to vector<16xi32>
      %add3A_2346 = arith.constant 32767 : i32
      %add3A_2347 = vector.broadcast %add3A_2346 : i32 to vector<16xi32>
      %add3A_2348 = arith.addi %bitcast3A_2345, %add3A_2347 : vector<16xi32>
      %shift_right_arithmetic3A_2349 = arith.constant 16 : i32
      %shift_right_arithmetic3A_2350 = vector.broadcast %shift_right_arithmetic3A_2349 : i32 to vector<16xi32>
      %shift_right_arithmetic3A_2351 = arith.shrsi %bitcast3A_2345, %shift_right_arithmetic3A_2350 : vector<16xi32>
      %and3A_2352 = arith.constant 1 : i32
      %and3A_2353 = vector.broadcast %and3A_2352 : i32 to vector<16xi32>
      %and3A_2354 = arith.andi %shift_right_arithmetic3A_2351, %and3A_2353 : vector<16xi32>
      %add3A_2355 = arith.addi %add3A_2348, %and3A_2354 : vector<16xi32>
      %and3A_2356 = arith.constant -65536 : i32
      %and3A_2357 = vector.broadcast %and3A_2356 : i32 to vector<16xi32>
      %and3A_2358 = arith.andi %add3A_2355, %and3A_2357 : vector<16xi32>
      %bitcast3A_2359 = vector.bitcast %and3A_2358 : vector<16xi32> to vector<16xf32>
      %mul3A_2360 = vector.broadcast %squeeze3A_2338 : f32 to vector<16xf32>
      %mul3A_2361 = arith.mulf %mul3A_2360, %bitcast3A_2359 : vector<16xf32>
      %add3A_2362 = arith.addf %add3A_2264, %mul3A_2361 : vector<16xf32>
      %add3A_2363 = arith.constant 256 : i32
      %add3A_2364 = arith.addi %mul3A_1944, %add3A_2363 : i32
      %add3A_2365 = arith.constant 16 : i32
      %add3A_2366 = arith.addi %add3A_2364, %add3A_2365 : i32
      %get3A_2367 = arith.index_cast %add3A_2366 : i32 to index
      %get3A_2368 = tpu.vector_load %arg5[%get3A_2367] {strides = array<i32>} : memref<8192xf32, #tpu.memory_space<vmem>>, vector<16xf32>,
      %bitcast3A_2369 = vector.bitcast %get3A_2368 : vector<16xf32> to vector<16xi32>
      %add3A_2370 = arith.constant 32767 : i32
      %add3A_2371 = vector.broadcast %add3A_2370 : i32 to vector<16xi32>
      %add3A_2372 = arith.addi %bitcast3A_2369, %add3A_2371 : vector<16xi32>
      %shift_right_arithmetic3A_2373 = arith.constant 16 : i32
      %shift_right_arithmetic3A_2374 = vector.broadcast %shift_right_arithmetic3A_2373 : i32 to vector<16xi32>
      %shift_right_arithmetic3A_2375 = arith.shrsi %bitcast3A_2369, %shift_right_arithmetic3A_2374 : vector<16xi32>
      %and3A_2376 = arith.constant 1 : i32
      %and3A_2377 = vector.broadcast %and3A_2376 : i32 to vector<16xi32>
      %and3A_2378 = arith.andi %shift_right_arithmetic3A_2375, %and3A_2377 : vector<16xi32>
      %add3A_2379 = arith.addi %add3A_2372, %and3A_2378 : vector<16xi32>
      %and3A_2380 = arith.constant -65536 : i32
      %and3A_2381 = vector.broadcast %and3A_2380 : i32 to vector<16xi32>
      %and3A_2382 = arith.andi %add3A_2379, %and3A_2381 : vector<16xi32>
      %bitcast3A_2383 = vector.bitcast %and3A_2382 : vector<16xi32> to vector<16xf32>
      %mul3A_2384 = vector.broadcast %squeeze3A_2338 : f32 to vector<16xf32>
      %mul3A_2385 = arith.mulf %mul3A_2384, %bitcast3A_2383 : vector<16xf32>
      %add3A_2386 = arith.addf %add3A_2288, %mul3A_2385 : vector<16xf32>
      %add3A_2387 = arith.constant 256 : i32
      %add3A_2388 = arith.addi %mul3A_1944, %add3A_2387 : i32
      %add3A_2389 = arith.constant 32 : i32
      %add3A_2390 = arith.addi %add3A_2388, %add3A_2389 : i32
      %get3A_2391 = arith.index_cast %add3A_2390 : i32 to index
      %get3A_2392 = tpu.vector_load %arg5[%get3A_2391] {strides = array<i32>} : memref<8192xf32, #tpu.memory_space<vmem>>, vector<16xf32>,
      %bitcast3A_2393 = vector.bitcast %get3A_2392 : vector<16xf32> to vector<16xi32>
      %add3A_2394 = arith.constant 32767 : i32
      %add3A_2395 = vector.broadcast %add3A_2394 : i32 to vector<16xi32>
      %add3A_2396 = arith.addi %bitcast3A_2393, %add3A_2395 : vector<16xi32>
      %shift_right_arithmetic3A_2397 = arith.constant 16 : i32
      %shift_right_arithmetic3A_2398 = vector.broadcast %shift_right_arithmetic3A_2397 : i32 to vector<16xi32>
      %shift_right_arithmetic3A_2399 = arith.shrsi %bitcast3A_2393, %shift_right_arithmetic3A_2398 : vector<16xi32>
      %and3A_2400 = arith.constant 1 : i32
      %and3A_2401 = vector.broadcast %and3A_2400 : i32 to vector<16xi32>
      %and3A_2402 = arith.andi %shift_right_arithmetic3A_2399, %and3A_2401 : vector<16xi32>
      %add3A_2403 = arith.addi %add3A_2396, %and3A_2402 : vector<16xi32>
      %and3A_2404 = arith.constant -65536 : i32
      %and3A_2405 = vector.broadcast %and3A_2404 : i32 to vector<16xi32>
      %and3A_2406 = arith.andi %add3A_2403, %and3A_2405 : vector<16xi32>
      %bitcast3A_2407 = vector.bitcast %and3A_2406 : vector<16xi32> to vector<16xf32>
      %mul3A_2408 = vector.broadcast %squeeze3A_2338 : f32 to vector<16xf32>
      %mul3A_2409 = arith.mulf %mul3A_2408, %bitcast3A_2407 : vector<16xf32>
      %add3A_2410 = arith.addf %add3A_2312, %mul3A_2409 : vector<16xf32>
      %add3A_2411 = arith.constant 256 : i32
      %add3A_2412 = arith.addi %mul3A_1944, %add3A_2411 : i32
      %add3A_2413 = arith.constant 48 : i32
      %add3A_2414 = arith.addi %add3A_2412, %add3A_2413 : i32
      %get3A_2415 = arith.index_cast %add3A_2414 : i32 to index
      %get3A_2416 = tpu.vector_load %arg5[%get3A_2415] {strides = array<i32>} : memref<8192xf32, #tpu.memory_space<vmem>>, vector<16xf32>,
      %bitcast3A_2417 = vector.bitcast %get3A_2416 : vector<16xf32> to vector<16xi32>
      %add3A_2418 = arith.constant 32767 : i32
      %add3A_2419 = vector.broadcast %add3A_2418 : i32 to vector<16xi32>
      %add3A_2420 = arith.addi %bitcast3A_2417, %add3A_2419 : vector<16xi32>
      %shift_right_arithmetic3A_2421 = arith.constant 16 : i32
      %shift_right_arithmetic3A_2422 = vector.broadcast %shift_right_arithmetic3A_2421 : i32 to vector<16xi32>
      %shift_right_arithmetic3A_2423 = arith.shrsi %bitcast3A_2417, %shift_right_arithmetic3A_2422 : vector<16xi32>
      %and3A_2424 = arith.constant 1 : i32
      %and3A_2425 = vector.broadcast %and3A_2424 : i32 to vector<16xi32>
      %and3A_2426 = arith.andi %shift_right_arithmetic3A_2423, %and3A_2425 : vector<16xi32>
      %add3A_2427 = arith.addi %add3A_2420, %and3A_2426 : vector<16xi32>
      %and3A_2428 = arith.constant -65536 : i32
      %and3A_2429 = vector.broadcast %and3A_2428 : i32 to vector<16xi32>
      %and3A_2430 = arith.andi %add3A_2427, %and3A_2429 : vector<16xi32>
      %bitcast3A_2431 = vector.bitcast %and3A_2430 : vector<16xi32> to vector<16xf32>
      %mul3A_2432 = vector.broadcast %squeeze3A_2338 : f32 to vector<16xf32>
      %mul3A_2433 = arith.mulf %mul3A_2432, %bitcast3A_2431 : vector<16xf32>
      %add3A_2434 = arith.addf %add3A_2336, %mul3A_2433 : vector<16xf32>
      %slice3A_2435 = vector.extract_strided_slice %bitcast3A_1942 {offsets = [5], sizes = [1], strides = [1]} : vector<16xf32> to vector<1xf32>
      %squeeze3A_2436 = vector.extract %slice3A_2435[0] : f32 from vector<1xf32>
      %add3A_2437 = arith.constant 320 : i32
      %add3A_2438 = arith.addi %mul3A_1944, %add3A_2437 : i32
      %add3A_2439 = arith.constant 0 : i32
      %add3A_2440 = arith.addi %add3A_2438, %add3A_2439 : i32
      %get3A_2441 = arith.index_cast %add3A_2440 : i32 to index
      %get3A_2442 = tpu.vector_load %arg5[%get3A_2441] {strides = array<i32>} : memref<8192xf32, #tpu.memory_space<vmem>>, vector<16xf32>,
      %bitcast3A_2443 = vector.bitcast %get3A_2442 : vector<16xf32> to vector<16xi32>
      %add3A_2444 = arith.constant 32767 : i32
      %add3A_2445 = vector.broadcast %add3A_2444 : i32 to vector<16xi32>
      %add3A_2446 = arith.addi %bitcast3A_2443, %add3A_2445 : vector<16xi32>
      %shift_right_arithmetic3A_2447 = arith.constant 16 : i32
      %shift_right_arithmetic3A_2448 = vector.broadcast %shift_right_arithmetic3A_2447 : i32 to vector<16xi32>
      %shift_right_arithmetic3A_2449 = arith.shrsi %bitcast3A_2443, %shift_right_arithmetic3A_2448 : vector<16xi32>
      %and3A_2450 = arith.constant 1 : i32
      %and3A_2451 = vector.broadcast %and3A_2450 : i32 to vector<16xi32>
      %and3A_2452 = arith.andi %shift_right_arithmetic3A_2449, %and3A_2451 : vector<16xi32>
      %add3A_2453 = arith.addi %add3A_2446, %and3A_2452 : vector<16xi32>
      %and3A_2454 = arith.constant -65536 : i32
      %and3A_2455 = vector.broadcast %and3A_2454 : i32 to vector<16xi32>
      %and3A_2456 = arith.andi %add3A_2453, %and3A_2455 : vector<16xi32>
      %bitcast3A_2457 = vector.bitcast %and3A_2456 : vector<16xi32> to vector<16xf32>
      %mul3A_2458 = vector.broadcast %squeeze3A_2436 : f32 to vector<16xf32>
      %mul3A_2459 = arith.mulf %mul3A_2458, %bitcast3A_2457 : vector<16xf32>
      %add3A_2460 = arith.addf %add3A_2362, %mul3A_2459 : vector<16xf32>
      %add3A_2461 = arith.constant 320 : i32
      %add3A_2462 = arith.addi %mul3A_1944, %add3A_2461 : i32
      %add3A_2463 = arith.constant 16 : i32
      %add3A_2464 = arith.addi %add3A_2462, %add3A_2463 : i32
      %get3A_2465 = arith.index_cast %add3A_2464 : i32 to index
      %get3A_2466 = tpu.vector_load %arg5[%get3A_2465] {strides = array<i32>} : memref<8192xf32, #tpu.memory_space<vmem>>, vector<16xf32>,
      %bitcast3A_2467 = vector.bitcast %get3A_2466 : vector<16xf32> to vector<16xi32>
      %add3A_2468 = arith.constant 32767 : i32
      %add3A_2469 = vector.broadcast %add3A_2468 : i32 to vector<16xi32>
      %add3A_2470 = arith.addi %bitcast3A_2467, %add3A_2469 : vector<16xi32>
      %shift_right_arithmetic3A_2471 = arith.constant 16 : i32
      %shift_right_arithmetic3A_2472 = vector.broadcast %shift_right_arithmetic3A_2471 : i32 to vector<16xi32>
      %shift_right_arithmetic3A_2473 = arith.shrsi %bitcast3A_2467, %shift_right_arithmetic3A_2472 : vector<16xi32>
      %and3A_2474 = arith.constant 1 : i32
      %and3A_2475 = vector.broadcast %and3A_2474 : i32 to vector<16xi32>
      %and3A_2476 = arith.andi %shift_right_arithmetic3A_2473, %and3A_2475 : vector<16xi32>
      %add3A_2477 = arith.addi %add3A_2470, %and3A_2476 : vector<16xi32>
      %and3A_2478 = arith.constant -65536 : i32
      %and3A_2479 = vector.broadcast %and3A_2478 : i32 to vector<16xi32>
      %and3A_2480 = arith.andi %add3A_2477, %and3A_2479 : vector<16xi32>
      %bitcast3A_2481 = vector.bitcast %and3A_2480 : vector<16xi32> to vector<16xf32>
      %mul3A_2482 = vector.broadcast %squeeze3A_2436 : f32 to vector<16xf32>
      %mul3A_2483 = arith.mulf %mul3A_2482, %bitcast3A_2481 : vector<16xf32>
      %add3A_2484 = arith.addf %add3A_2386, %mul3A_2483 : vector<16xf32>
      %add3A_2485 = arith.constant 320 : i32
      %add3A_2486 = arith.addi %mul3A_1944, %add3A_2485 : i32
      %add3A_2487 = arith.constant 32 : i32
      %add3A_2488 = arith.addi %add3A_2486, %add3A_2487 : i32
      %get3A_2489 = arith.index_cast %add3A_2488 : i32 to index
      %get3A_2490 = tpu.vector_load %arg5[%get3A_2489] {strides = array<i32>} : memref<8192xf32, #tpu.memory_space<vmem>>, vector<16xf32>,
      %bitcast3A_2491 = vector.bitcast %get3A_2490 : vector<16xf32> to vector<16xi32>
      %add3A_2492 = arith.constant 32767 : i32
      %add3A_2493 = vector.broadcast %add3A_2492 : i32 to vector<16xi32>
      %add3A_2494 = arith.addi %bitcast3A_2491, %add3A_2493 : vector<16xi32>
      %shift_right_arithmetic3A_2495 = arith.constant 16 : i32
      %shift_right_arithmetic3A_2496 = vector.broadcast %shift_right_arithmetic3A_2495 : i32 to vector<16xi32>
      %shift_right_arithmetic3A_2497 = arith.shrsi %bitcast3A_2491, %shift_right_arithmetic3A_2496 : vector<16xi32>
      %and3A_2498 = arith.constant 1 : i32
      %and3A_2499 = vector.broadcast %and3A_2498 : i32 to vector<16xi32>
      %and3A_2500 = arith.andi %shift_right_arithmetic3A_2497, %and3A_2499 : vector<16xi32>
      %add3A_2501 = arith.addi %add3A_2494, %and3A_2500 : vector<16xi32>
      %and3A_2502 = arith.constant -65536 : i32
      %and3A_2503 = vector.broadcast %and3A_2502 : i32 to vector<16xi32>
      %and3A_2504 = arith.andi %add3A_2501, %and3A_2503 : vector<16xi32>
      %bitcast3A_2505 = vector.bitcast %and3A_2504 : vector<16xi32> to vector<16xf32>
      %mul3A_2506 = vector.broadcast %squeeze3A_2436 : f32 to vector<16xf32>
      %mul3A_2507 = arith.mulf %mul3A_2506, %bitcast3A_2505 : vector<16xf32>
      %add3A_2508 = arith.addf %add3A_2410, %mul3A_2507 : vector<16xf32>
      %add3A_2509 = arith.constant 320 : i32
      %add3A_2510 = arith.addi %mul3A_1944, %add3A_2509 : i32
      %add3A_2511 = arith.constant 48 : i32
      %add3A_2512 = arith.addi %add3A_2510, %add3A_2511 : i32
      %get3A_2513 = arith.index_cast %add3A_2512 : i32 to index
      %get3A_2514 = tpu.vector_load %arg5[%get3A_2513] {strides = array<i32>} : memref<8192xf32, #tpu.memory_space<vmem>>, vector<16xf32>,
      %bitcast3A_2515 = vector.bitcast %get3A_2514 : vector<16xf32> to vector<16xi32>
      %add3A_2516 = arith.constant 32767 : i32
      %add3A_2517 = vector.broadcast %add3A_2516 : i32 to vector<16xi32>
      %add3A_2518 = arith.addi %bitcast3A_2515, %add3A_2517 : vector<16xi32>
      %shift_right_arithmetic3A_2519 = arith.constant 16 : i32
      %shift_right_arithmetic3A_2520 = vector.broadcast %shift_right_arithmetic3A_2519 : i32 to vector<16xi32>
      %shift_right_arithmetic3A_2521 = arith.shrsi %bitcast3A_2515, %shift_right_arithmetic3A_2520 : vector<16xi32>
      %and3A_2522 = arith.constant 1 : i32
      %and3A_2523 = vector.broadcast %and3A_2522 : i32 to vector<16xi32>
      %and3A_2524 = arith.andi %shift_right_arithmetic3A_2521, %and3A_2523 : vector<16xi32>
      %add3A_2525 = arith.addi %add3A_2518, %and3A_2524 : vector<16xi32>
      %and3A_2526 = arith.constant -65536 : i32
      %and3A_2527 = vector.broadcast %and3A_2526 : i32 to vector<16xi32>
      %and3A_2528 = arith.andi %add3A_2525, %and3A_2527 : vector<16xi32>
      %bitcast3A_2529 = vector.bitcast %and3A_2528 : vector<16xi32> to vector<16xf32>
      %mul3A_2530 = vector.broadcast %squeeze3A_2436 : f32 to vector<16xf32>
      %mul3A_2531 = arith.mulf %mul3A_2530, %bitcast3A_2529 : vector<16xf32>
      %add3A_2532 = arith.addf %add3A_2434, %mul3A_2531 : vector<16xf32>
      %slice3A_2533 = vector.extract_strided_slice %bitcast3A_1942 {offsets = [6], sizes = [1], strides = [1]} : vector<16xf32> to vector<1xf32>
      %squeeze3A_2534 = vector.extract %slice3A_2533[0] : f32 from vector<1xf32>
      %add3A_2535 = arith.constant 384 : i32
      %add3A_2536 = arith.addi %mul3A_1944, %add3A_2535 : i32
      %add3A_2537 = arith.constant 0 : i32
      %add3A_2538 = arith.addi %add3A_2536, %add3A_2537 : i32
      %get3A_2539 = arith.index_cast %add3A_2538 : i32 to index
      %get3A_2540 = tpu.vector_load %arg5[%get3A_2539] {strides = array<i32>} : memref<8192xf32, #tpu.memory_space<vmem>>, vector<16xf32>,
      %bitcast3A_2541 = vector.bitcast %get3A_2540 : vector<16xf32> to vector<16xi32>
      %add3A_2542 = arith.constant 32767 : i32
      %add3A_2543 = vector.broadcast %add3A_2542 : i32 to vector<16xi32>
      %add3A_2544 = arith.addi %bitcast3A_2541, %add3A_2543 : vector<16xi32>
      %shift_right_arithmetic3A_2545 = arith.constant 16 : i32
      %shift_right_arithmetic3A_2546 = vector.broadcast %shift_right_arithmetic3A_2545 : i32 to vector<16xi32>
      %shift_right_arithmetic3A_2547 = arith.shrsi %bitcast3A_2541, %shift_right_arithmetic3A_2546 : vector<16xi32>
      %and3A_2548 = arith.constant 1 : i32
      %and3A_2549 = vector.broadcast %and3A_2548 : i32 to vector<16xi32>
      %and3A_2550 = arith.andi %shift_right_arithmetic3A_2547, %and3A_2549 : vector<16xi32>
      %add3A_2551 = arith.addi %add3A_2544, %and3A_2550 : vector<16xi32>
      %and3A_2552 = arith.constant -65536 : i32
      %and3A_2553 = vector.broadcast %and3A_2552 : i32 to vector<16xi32>
      %and3A_2554 = arith.andi %add3A_2551, %and3A_2553 : vector<16xi32>
      %bitcast3A_2555 = vector.bitcast %and3A_2554 : vector<16xi32> to vector<16xf32>
      %mul3A_2556 = vector.broadcast %squeeze3A_2534 : f32 to vector<16xf32>
      %mul3A_2557 = arith.mulf %mul3A_2556, %bitcast3A_2555 : vector<16xf32>
      %add3A_2558 = arith.addf %add3A_2460, %mul3A_2557 : vector<16xf32>
      %add3A_2559 = arith.constant 384 : i32
      %add3A_2560 = arith.addi %mul3A_1944, %add3A_2559 : i32
      %add3A_2561 = arith.constant 16 : i32
      %add3A_2562 = arith.addi %add3A_2560, %add3A_2561 : i32
      %get3A_2563 = arith.index_cast %add3A_2562 : i32 to index
      %get3A_2564 = tpu.vector_load %arg5[%get3A_2563] {strides = array<i32>} : memref<8192xf32, #tpu.memory_space<vmem>>, vector<16xf32>,
      %bitcast3A_2565 = vector.bitcast %get3A_2564 : vector<16xf32> to vector<16xi32>
      %add3A_2566 = arith.constant 32767 : i32
      %add3A_2567 = vector.broadcast %add3A_2566 : i32 to vector<16xi32>
      %add3A_2568 = arith.addi %bitcast3A_2565, %add3A_2567 : vector<16xi32>
      %shift_right_arithmetic3A_2569 = arith.constant 16 : i32
      %shift_right_arithmetic3A_2570 = vector.broadcast %shift_right_arithmetic3A_2569 : i32 to vector<16xi32>
      %shift_right_arithmetic3A_2571 = arith.shrsi %bitcast3A_2565, %shift_right_arithmetic3A_2570 : vector<16xi32>
      %and3A_2572 = arith.constant 1 : i32
      %and3A_2573 = vector.broadcast %and3A_2572 : i32 to vector<16xi32>
      %and3A_2574 = arith.andi %shift_right_arithmetic3A_2571, %and3A_2573 : vector<16xi32>
      %add3A_2575 = arith.addi %add3A_2568, %and3A_2574 : vector<16xi32>
      %and3A_2576 = arith.constant -65536 : i32
      %and3A_2577 = vector.broadcast %and3A_2576 : i32 to vector<16xi32>
      %and3A_2578 = arith.andi %add3A_2575, %and3A_2577 : vector<16xi32>
      %bitcast3A_2579 = vector.bitcast %and3A_2578 : vector<16xi32> to vector<16xf32>
      %mul3A_2580 = vector.broadcast %squeeze3A_2534 : f32 to vector<16xf32>
      %mul3A_2581 = arith.mulf %mul3A_2580, %bitcast3A_2579 : vector<16xf32>
      %add3A_2582 = arith.addf %add3A_2484, %mul3A_2581 : vector<16xf32>
      %add3A_2583 = arith.constant 384 : i32
      %add3A_2584 = arith.addi %mul3A_1944, %add3A_2583 : i32
      %add3A_2585 = arith.constant 32 : i32
      %add3A_2586 = arith.addi %add3A_2584, %add3A_2585 : i32
      %get3A_2587 = arith.index_cast %add3A_2586 : i32 to index
      %get3A_2588 = tpu.vector_load %arg5[%get3A_2587] {strides = array<i32>} : memref<8192xf32, #tpu.memory_space<vmem>>, vector<16xf32>,
      %bitcast3A_2589 = vector.bitcast %get3A_2588 : vector<16xf32> to vector<16xi32>
      %add3A_2590 = arith.constant 32767 : i32
      %add3A_2591 = vector.broadcast %add3A_2590 : i32 to vector<16xi32>
      %add3A_2592 = arith.addi %bitcast3A_2589, %add3A_2591 : vector<16xi32>
      %shift_right_arithmetic3A_2593 = arith.constant 16 : i32
      %shift_right_arithmetic3A_2594 = vector.broadcast %shift_right_arithmetic3A_2593 : i32 to vector<16xi32>
      %shift_right_arithmetic3A_2595 = arith.shrsi %bitcast3A_2589, %shift_right_arithmetic3A_2594 : vector<16xi32>
      %and3A_2596 = arith.constant 1 : i32
      %and3A_2597 = vector.broadcast %and3A_2596 : i32 to vector<16xi32>
      %and3A_2598 = arith.andi %shift_right_arithmetic3A_2595, %and3A_2597 : vector<16xi32>
      %add3A_2599 = arith.addi %add3A_2592, %and3A_2598 : vector<16xi32>
      %and3A_2600 = arith.constant -65536 : i32
      %and3A_2601 = vector.broadcast %and3A_2600 : i32 to vector<16xi32>
      %and3A_2602 = arith.andi %add3A_2599, %and3A_2601 : vector<16xi32>
      %bitcast3A_2603 = vector.bitcast %and3A_2602 : vector<16xi32> to vector<16xf32>
      %mul3A_2604 = vector.broadcast %squeeze3A_2534 : f32 to vector<16xf32>
      %mul3A_2605 = arith.mulf %mul3A_2604, %bitcast3A_2603 : vector<16xf32>
      %add3A_2606 = arith.addf %add3A_2508, %mul3A_2605 : vector<16xf32>
      %add3A_2607 = arith.constant 384 : i32
      %add3A_2608 = arith.addi %mul3A_1944, %add3A_2607 : i32
      %add3A_2609 = arith.constant 48 : i32
      %add3A_2610 = arith.addi %add3A_2608, %add3A_2609 : i32
      %get3A_2611 = arith.index_cast %add3A_2610 : i32 to index
      %get3A_2612 = tpu.vector_load %arg5[%get3A_2611] {strides = array<i32>} : memref<8192xf32, #tpu.memory_space<vmem>>, vector<16xf32>,
      %bitcast3A_2613 = vector.bitcast %get3A_2612 : vector<16xf32> to vector<16xi32>
      %add3A_2614 = arith.constant 32767 : i32
      %add3A_2615 = vector.broadcast %add3A_2614 : i32 to vector<16xi32>
      %add3A_2616 = arith.addi %bitcast3A_2613, %add3A_2615 : vector<16xi32>
      %shift_right_arithmetic3A_2617 = arith.constant 16 : i32
      %shift_right_arithmetic3A_2618 = vector.broadcast %shift_right_arithmetic3A_2617 : i32 to vector<16xi32>
      %shift_right_arithmetic3A_2619 = arith.shrsi %bitcast3A_2613, %shift_right_arithmetic3A_2618 : vector<16xi32>
      %and3A_2620 = arith.constant 1 : i32
      %and3A_2621 = vector.broadcast %and3A_2620 : i32 to vector<16xi32>
      %and3A_2622 = arith.andi %shift_right_arithmetic3A_2619, %and3A_2621 : vector<16xi32>
      %add3A_2623 = arith.addi %add3A_2616, %and3A_2622 : vector<16xi32>
      %and3A_2624 = arith.constant -65536 : i32
      %and3A_2625 = vector.broadcast %and3A_2624 : i32 to vector<16xi32>
      %and3A_2626 = arith.andi %add3A_2623, %and3A_2625 : vector<16xi32>
      %bitcast3A_2627 = vector.bitcast %and3A_2626 : vector<16xi32> to vector<16xf32>
      %mul3A_2628 = vector.broadcast %squeeze3A_2534 : f32 to vector<16xf32>
      %mul3A_2629 = arith.mulf %mul3A_2628, %bitcast3A_2627 : vector<16xf32>
      %add3A_2630 = arith.addf %add3A_2532, %mul3A_2629 : vector<16xf32>
      %slice3A_2631 = vector.extract_strided_slice %bitcast3A_1942 {offsets = [7], sizes = [1], strides = [1]} : vector<16xf32> to vector<1xf32>
      %squeeze3A_2632 = vector.extract %slice3A_2631[0] : f32 from vector<1xf32>
      %add3A_2633 = arith.constant 448 : i32
      %add3A_2634 = arith.addi %mul3A_1944, %add3A_2633 : i32
      %add3A_2635 = arith.constant 0 : i32
      %add3A_2636 = arith.addi %add3A_2634, %add3A_2635 : i32
      %get3A_2637 = arith.index_cast %add3A_2636 : i32 to index
      %get3A_2638 = tpu.vector_load %arg5[%get3A_2637] {strides = array<i32>} : memref<8192xf32, #tpu.memory_space<vmem>>, vector<16xf32>,
      %bitcast3A_2639 = vector.bitcast %get3A_2638 : vector<16xf32> to vector<16xi32>
      %add3A_2640 = arith.constant 32767 : i32
      %add3A_2641 = vector.broadcast %add3A_2640 : i32 to vector<16xi32>
      %add3A_2642 = arith.addi %bitcast3A_2639, %add3A_2641 : vector<16xi32>
      %shift_right_arithmetic3A_2643 = arith.constant 16 : i32
      %shift_right_arithmetic3A_2644 = vector.broadcast %shift_right_arithmetic3A_2643 : i32 to vector<16xi32>
      %shift_right_arithmetic3A_2645 = arith.shrsi %bitcast3A_2639, %shift_right_arithmetic3A_2644 : vector<16xi32>
      %and3A_2646 = arith.constant 1 : i32
      %and3A_2647 = vector.broadcast %and3A_2646 : i32 to vector<16xi32>
      %and3A_2648 = arith.andi %shift_right_arithmetic3A_2645, %and3A_2647 : vector<16xi32>
      %add3A_2649 = arith.addi %add3A_2642, %and3A_2648 : vector<16xi32>
      %and3A_2650 = arith.constant -65536 : i32
      %and3A_2651 = vector.broadcast %and3A_2650 : i32 to vector<16xi32>
      %and3A_2652 = arith.andi %add3A_2649, %and3A_2651 : vector<16xi32>
      %bitcast3A_2653 = vector.bitcast %and3A_2652 : vector<16xi32> to vector<16xf32>
      %mul3A_2654 = vector.broadcast %squeeze3A_2632 : f32 to vector<16xf32>
      %mul3A_2655 = arith.mulf %mul3A_2654, %bitcast3A_2653 : vector<16xf32>
      %add3A_2656 = arith.addf %add3A_2558, %mul3A_2655 : vector<16xf32>
      %add3A_2657 = arith.constant 448 : i32
      %add3A_2658 = arith.addi %mul3A_1944, %add3A_2657 : i32
      %add3A_2659 = arith.constant 16 : i32
      %add3A_2660 = arith.addi %add3A_2658, %add3A_2659 : i32
      %get3A_2661 = arith.index_cast %add3A_2660 : i32 to index
      %get3A_2662 = tpu.vector_load %arg5[%get3A_2661] {strides = array<i32>} : memref<8192xf32, #tpu.memory_space<vmem>>, vector<16xf32>,
      %bitcast3A_2663 = vector.bitcast %get3A_2662 : vector<16xf32> to vector<16xi32>
      %add3A_2664 = arith.constant 32767 : i32
      %add3A_2665 = vector.broadcast %add3A_2664 : i32 to vector<16xi32>
      %add3A_2666 = arith.addi %bitcast3A_2663, %add3A_2665 : vector<16xi32>
      %shift_right_arithmetic3A_2667 = arith.constant 16 : i32
      %shift_right_arithmetic3A_2668 = vector.broadcast %shift_right_arithmetic3A_2667 : i32 to vector<16xi32>
      %shift_right_arithmetic3A_2669 = arith.shrsi %bitcast3A_2663, %shift_right_arithmetic3A_2668 : vector<16xi32>
      %and3A_2670 = arith.constant 1 : i32
      %and3A_2671 = vector.broadcast %and3A_2670 : i32 to vector<16xi32>
      %and3A_2672 = arith.andi %shift_right_arithmetic3A_2669, %and3A_2671 : vector<16xi32>
      %add3A_2673 = arith.addi %add3A_2666, %and3A_2672 : vector<16xi32>
      %and3A_2674 = arith.constant -65536 : i32
      %and3A_2675 = vector.broadcast %and3A_2674 : i32 to vector<16xi32>
      %and3A_2676 = arith.andi %add3A_2673, %and3A_2675 : vector<16xi32>
      %bitcast3A_2677 = vector.bitcast %and3A_2676 : vector<16xi32> to vector<16xf32>
      %mul3A_2678 = vector.broadcast %squeeze3A_2632 : f32 to vector<16xf32>
      %mul3A_2679 = arith.mulf %mul3A_2678, %bitcast3A_2677 : vector<16xf32>
      %add3A_2680 = arith.addf %add3A_2582, %mul3A_2679 : vector<16xf32>
      %add3A_2681 = arith.constant 448 : i32
      %add3A_2682 = arith.addi %mul3A_1944, %add3A_2681 : i32
      %add3A_2683 = arith.constant 32 : i32
      %add3A_2684 = arith.addi %add3A_2682, %add3A_2683 : i32
      %get3A_2685 = arith.index_cast %add3A_2684 : i32 to index
      %get3A_2686 = tpu.vector_load %arg5[%get3A_2685] {strides = array<i32>} : memref<8192xf32, #tpu.memory_space<vmem>>, vector<16xf32>,
      %bitcast3A_2687 = vector.bitcast %get3A_2686 : vector<16xf32> to vector<16xi32>
      %add3A_2688 = arith.constant 32767 : i32
      %add3A_2689 = vector.broadcast %add3A_2688 : i32 to vector<16xi32>
      %add3A_2690 = arith.addi %bitcast3A_2687, %add3A_2689 : vector<16xi32>
      %shift_right_arithmetic3A_2691 = arith.constant 16 : i32
      %shift_right_arithmetic3A_2692 = vector.broadcast %shift_right_arithmetic3A_2691 : i32 to vector<16xi32>
      %shift_right_arithmetic3A_2693 = arith.shrsi %bitcast3A_2687, %shift_right_arithmetic3A_2692 : vector<16xi32>
      %and3A_2694 = arith.constant 1 : i32
      %and3A_2695 = vector.broadcast %and3A_2694 : i32 to vector<16xi32>
      %and3A_2696 = arith.andi %shift_right_arithmetic3A_2693, %and3A_2695 : vector<16xi32>
      %add3A_2697 = arith.addi %add3A_2690, %and3A_2696 : vector<16xi32>
      %and3A_2698 = arith.constant -65536 : i32
      %and3A_2699 = vector.broadcast %and3A_2698 : i32 to vector<16xi32>
      %and3A_2700 = arith.andi %add3A_2697, %and3A_2699 : vector<16xi32>
      %bitcast3A_2701 = vector.bitcast %and3A_2700 : vector<16xi32> to vector<16xf32>
      %mul3A_2702 = vector.broadcast %squeeze3A_2632 : f32 to vector<16xf32>
      %mul3A_2703 = arith.mulf %mul3A_2702, %bitcast3A_2701 : vector<16xf32>
      %add3A_2704 = arith.addf %add3A_2606, %mul3A_2703 : vector<16xf32>
      %add3A_2705 = arith.constant 448 : i32
      %add3A_2706 = arith.addi %mul3A_1944, %add3A_2705 : i32
      %add3A_2707 = arith.constant 48 : i32
      %add3A_2708 = arith.addi %add3A_2706, %add3A_2707 : i32
      %get3A_2709 = arith.index_cast %add3A_2708 : i32 to index
      %get3A_2710 = tpu.vector_load %arg5[%get3A_2709] {strides = array<i32>} : memref<8192xf32, #tpu.memory_space<vmem>>, vector<16xf32>,
      %bitcast3A_2711 = vector.bitcast %get3A_2710 : vector<16xf32> to vector<16xi32>
      %add3A_2712 = arith.constant 32767 : i32
      %add3A_2713 = vector.broadcast %add3A_2712 : i32 to vector<16xi32>
      %add3A_2714 = arith.addi %bitcast3A_2711, %add3A_2713 : vector<16xi32>
      %shift_right_arithmetic3A_2715 = arith.constant 16 : i32
      %shift_right_arithmetic3A_2716 = vector.broadcast %shift_right_arithmetic3A_2715 : i32 to vector<16xi32>
      %shift_right_arithmetic3A_2717 = arith.shrsi %bitcast3A_2711, %shift_right_arithmetic3A_2716 : vector<16xi32>
      %and3A_2718 = arith.constant 1 : i32
      %and3A_2719 = vector.broadcast %and3A_2718 : i32 to vector<16xi32>
      %and3A_2720 = arith.andi %shift_right_arithmetic3A_2717, %and3A_2719 : vector<16xi32>
      %add3A_2721 = arith.addi %add3A_2714, %and3A_2720 : vector<16xi32>
      %and3A_2722 = arith.constant -65536 : i32
      %and3A_2723 = vector.broadcast %and3A_2722 : i32 to vector<16xi32>
      %and3A_2724 = arith.andi %add3A_2721, %and3A_2723 : vector<16xi32>
      %bitcast3A_2725 = vector.bitcast %and3A_2724 : vector<16xi32> to vector<16xf32>
      %mul3A_2726 = vector.broadcast %squeeze3A_2632 : f32 to vector<16xf32>
      %mul3A_2727 = arith.mulf %mul3A_2726, %bitcast3A_2725 : vector<16xf32>
      %add3A_2728 = arith.addf %add3A_2630, %mul3A_2727 : vector<16xf32>
      scf.yield %add3A_2656, %add3A_2680, %add3A_2704, %add3A_2728 : vector<16xf32>, vector<16xf32>, vector<16xf32>, vector<16xf32>
    }
    %scan3A_7 = arith.constant 16 : i32
    %add3A_8 = vector.broadcast %squeeze3A : f32 to vector<16xf32>
    %add3A_9 = arith.addf %scan3A_6#0, %add3A_8 : vector<16xf32>
    %add3A_10 = arith.constant 1.000000e+06 : f32
    %add3A_11 = vector.broadcast %add3A_10 : f32 to vector<16xf32>
    %add3A_12 = arith.addf %add3A_9, %add3A_11 : vector<16xf32>
    %add3A_13 = vector.broadcast %squeeze3A : f32 to vector<16xf32>
    %add3A_14 = arith.addf %scan3A_6#1, %add3A_13 : vector<16xf32>
    %add3A_15 = arith.constant 1.000000e+06 : f32
    %add3A_16 = vector.broadcast %add3A_15 : f32 to vector<16xf32>
    %add3A_17 = arith.addf %add3A_14, %add3A_16 : vector<16xf32>
    %add3A_18 = vector.broadcast %squeeze3A : f32 to vector<16xf32>
    %add3A_19 = arith.addf %scan3A_6#2, %add3A_18 : vector<16xf32>
    %add3A_20 = arith.constant 1.000000e+06 : f32
    %add3A_21 = vector.broadcast %add3A_20 : f32 to vector<16xf32>
    %add3A_22 = arith.addf %add3A_19, %add3A_21 : vector<16xf32>
    %add3A_23 = vector.broadcast %squeeze3A : f32 to vector<16xf32>
    %add3A_24 = arith.addf %scan3A_6#3, %add3A_23 : vector<16xf32>
    %add3A_25 = arith.constant 1.000000e+06 : f32
    %add3A_26 = vector.broadcast %add3A_25 : f32 to vector<16xf32>
    %add3A_27 = arith.addf %add3A_24, %add3A_26 : vector<16xf32>
    %broadcast_in_dim3A_28 = arith.constant 1 : i32
    %broadcast_in_dim3A_29 = vector.broadcast %broadcast_in_dim3A_28 : i32 to vector<16xi32>
    %broadcast_in_dim3A_30 = arith.constant 0 : i32
    %broadcast_in_dim3A_31 = vector.broadcast %broadcast_in_dim3A_30 : i32 to vector<16xi32>
    %slice3A_32 = vector.extract_strided_slice %add3A_12 {offsets = [0], sizes = [1], strides = [1]} : vector<16xf32> to vector<1xf32>
    %squeeze3A_33 = vector.extract %slice3A_32[0] : f32 from vector<1xf32>
    %gt3A = arith.constant 0 : i32
    %gt3A_34 = vector.broadcast %gt3A : i32 to vector<16xi32>
    %gt3A_35 = arith.cmpi sgt, %iota3A, %gt3A_34 : vector<16xi32>
    %gt3A_36 = vector.broadcast %squeeze3A_33 : f32 to vector<16xf32>
    %gt3A_37 = arith.cmpf ogt, %gt3A_36, %add3A_12 : vector<16xf32>
    %eq3A = vector.broadcast %squeeze3A_33 : f32 to vector<16xf32>
    %eq3A_38 = arith.cmpf oeq, %eq3A, %add3A_12 : vector<16xf32>
    %and3A = arith.andi %eq3A_38, %gt3A_35 : vector<16xi1>
    %or3A = arith.ori %gt3A_37, %and3A : vector<16xi1>
    %select_n3A = arith.select %or3A, %broadcast_in_dim3A_29, %broadcast_in_dim3A_31 : vector<16xi1>, vector<16xi32>
    %add3A_39 = arith.addi %broadcast_in_dim3A_31, %select_n3A : vector<16xi32>
    %gt3A_40 = vector.broadcast %squeeze3A_33 : f32 to vector<16xf32>
    %gt3A_41 = arith.cmpf ogt, %gt3A_40, %add3A_17 : vector<16xf32>
    %eq3A_42 = vector.broadcast %squeeze3A_33 : f32 to vector<16xf32>
    %eq3A_43 = arith.cmpf oeq, %eq3A_42, %add3A_17 : vector<16xf32>
    %or3A_44 = arith.ori %gt3A_41, %eq3A_43 : vector<16xi1>
    %select_n3A_45 = arith.select %or3A_44, %broadcast_in_dim3A_29, %broadcast_in_dim3A_31 : vector<16xi1>, vector<16xi32>
    %add3A_46 = arith.addi %broadcast_in_dim3A_31, %select_n3A_45 : vector<16xi32>
    %gt3A_47 = vector.broadcast %squeeze3A_33 : f32 to vector<16xf32>
    %gt3A_48 = arith.cmpf ogt, %gt3A_47, %add3A_22 : vector<16xf32>
    %eq3A_49 = vector.broadcast %squeeze3A_33 : f32 to vector<16xf32>
    %eq3A_50 = arith.cmpf oeq, %eq3A_49, %add3A_22 : vector<16xf32>
    %or3A_51 = arith.ori %gt3A_48, %eq3A_50 : vector<16xi1>
    %select_n3A_52 = arith.select %or3A_51, %broadcast_in_dim3A_29, %broadcast_in_dim3A_31 : vector<16xi1>, vector<16xi32>
    %add3A_53 = arith.addi %broadcast_in_dim3A_31, %select_n3A_52 : vector<16xi32>
    %gt3A_54 = vector.broadcast %squeeze3A_33 : f32 to vector<16xf32>
    %gt3A_55 = arith.cmpf ogt, %gt3A_54, %add3A_27 : vector<16xf32>
    %eq3A_56 = vector.broadcast %squeeze3A_33 : f32 to vector<16xf32>
    %eq3A_57 = arith.cmpf oeq, %eq3A_56, %add3A_27 : vector<16xf32>
    %or3A_58 = arith.ori %gt3A_55, %eq3A_57 : vector<16xi1>
    %select_n3A_59 = arith.select %or3A_58, %broadcast_in_dim3A_29, %broadcast_in_dim3A_31 : vector<16xi1>, vector<16xi32>
    %add3A_60 = arith.addi %broadcast_in_dim3A_31, %select_n3A_59 : vector<16xi32>
    %slice3A_61 = vector.extract_strided_slice %add3A_12 {offsets = [1], sizes = [1], strides = [1]} : vector<16xf32> to vector<1xf32>
    %squeeze3A_62 = vector.extract %slice3A_61[0] : f32 from vector<1xf32>
    %gt3A_63 = arith.constant 1 : i32
    %gt3A_64 = vector.broadcast %gt3A_63 : i32 to vector<16xi32>
    %gt3A_65 = arith.cmpi sgt, %iota3A, %gt3A_64 : vector<16xi32>
    %gt3A_66 = vector.broadcast %squeeze3A_62 : f32 to vector<16xf32>
    %gt3A_67 = arith.cmpf ogt, %gt3A_66, %add3A_12 : vector<16xf32>
    %eq3A_68 = vector.broadcast %squeeze3A_62 : f32 to vector<16xf32>
    %eq3A_69 = arith.cmpf oeq, %eq3A_68, %add3A_12 : vector<16xf32>
    %and3A_70 = arith.andi %eq3A_69, %gt3A_65 : vector<16xi1>
    %or3A_71 = arith.ori %gt3A_67, %and3A_70 : vector<16xi1>
    %select_n3A_72 = arith.select %or3A_71, %broadcast_in_dim3A_29, %broadcast_in_dim3A_31 : vector<16xi1>, vector<16xi32>
    %add3A_73 = arith.addi %add3A_39, %select_n3A_72 : vector<16xi32>
    %gt3A_74 = vector.broadcast %squeeze3A_62 : f32 to vector<16xf32>
    %gt3A_75 = arith.cmpf ogt, %gt3A_74, %add3A_17 : vector<16xf32>
    %eq3A_76 = vector.broadcast %squeeze3A_62 : f32 to vector<16xf32>
    %eq3A_77 = arith.cmpf oeq, %eq3A_76, %add3A_17 : vector<16xf32>
    %or3A_78 = arith.ori %gt3A_75, %eq3A_77 : vector<16xi1>
    %select_n3A_79 = arith.select %or3A_78, %broadcast_in_dim3A_29, %broadcast_in_dim3A_31 : vector<16xi1>, vector<16xi32>
    %add3A_80 = arith.addi %add3A_46, %select_n3A_79 : vector<16xi32>
    %gt3A_81 = vector.broadcast %squeeze3A_62 : f32 to vector<16xf32>
    %gt3A_82 = arith.cmpf ogt, %gt3A_81, %add3A_22 : vector<16xf32>
    %eq3A_83 = vector.broadcast %squeeze3A_62 : f32 to vector<16xf32>
    %eq3A_84 = arith.cmpf oeq, %eq3A_83, %add3A_22 : vector<16xf32>
    %or3A_85 = arith.ori %gt3A_82, %eq3A_84 : vector<16xi1>
    %select_n3A_86 = arith.select %or3A_85, %broadcast_in_dim3A_29, %broadcast_in_dim3A_31 : vector<16xi1>, vector<16xi32>
    %add3A_87 = arith.addi %add3A_53, %select_n3A_86 : vector<16xi32>
    %gt3A_88 = vector.broadcast %squeeze3A_62 : f32 to vector<16xf32>
    %gt3A_89 = arith.cmpf ogt, %gt3A_88, %add3A_27 : vector<16xf32>
    %eq3A_90 = vector.broadcast %squeeze3A_62 : f32 to vector<16xf32>
    %eq3A_91 = arith.cmpf oeq, %eq3A_90, %add3A_27 : vector<16xf32>
    %or3A_92 = arith.ori %gt3A_89, %eq3A_91 : vector<16xi1>
    %select_n3A_93 = arith.select %or3A_92, %broadcast_in_dim3A_29, %broadcast_in_dim3A_31 : vector<16xi1>, vector<16xi32>
    %add3A_94 = arith.addi %add3A_60, %select_n3A_93 : vector<16xi32>
    %slice3A_95 = vector.extract_strided_slice %add3A_12 {offsets = [2], sizes = [1], strides = [1]} : vector<16xf32> to vector<1xf32>
    %squeeze3A_96 = vector.extract %slice3A_95[0] : f32 from vector<1xf32>
    %gt3A_97 = arith.constant 2 : i32
    %gt3A_98 = vector.broadcast %gt3A_97 : i32 to vector<16xi32>
    %gt3A_99 = arith.cmpi sgt, %iota3A, %gt3A_98 : vector<16xi32>
    %gt3A_100 = vector.broadcast %squeeze3A_96 : f32 to vector<16xf32>
    %gt3A_101 = arith.cmpf ogt, %gt3A_100, %add3A_12 : vector<16xf32>
    %eq3A_102 = vector.broadcast %squeeze3A_96 : f32 to vector<16xf32>
    %eq3A_103 = arith.cmpf oeq, %eq3A_102, %add3A_12 : vector<16xf32>
    %and3A_104 = arith.andi %eq3A_103, %gt3A_99 : vector<16xi1>
    %or3A_105 = arith.ori %gt3A_101, %and3A_104 : vector<16xi1>
    %select_n3A_106 = arith.select %or3A_105, %broadcast_in_dim3A_29, %broadcast_in_dim3A_31 : vector<16xi1>, vector<16xi32>
    %add3A_107 = arith.addi %add3A_73, %select_n3A_106 : vector<16xi32>
    %gt3A_108 = vector.broadcast %squeeze3A_96 : f32 to vector<16xf32>
    %gt3A_109 = arith.cmpf ogt, %gt3A_108, %add3A_17 : vector<16xf32>
    %eq3A_110 = vector.broadcast %squeeze3A_96 : f32 to vector<16xf32>
    %eq3A_111 = arith.cmpf oeq, %eq3A_110, %add3A_17 : vector<16xf32>
    %or3A_112 = arith.ori %gt3A_109, %eq3A_111 : vector<16xi1>
    %select_n3A_113 = arith.select %or3A_112, %broadcast_in_dim3A_29, %broadcast_in_dim3A_31 : vector<16xi1>, vector<16xi32>
    %add3A_114 = arith.addi %add3A_80, %select_n3A_113 : vector<16xi32>
    %gt3A_115 = vector.broadcast %squeeze3A_96 : f32 to vector<16xf32>
    %gt3A_116 = arith.cmpf ogt, %gt3A_115, %add3A_22 : vector<16xf32>
    %eq3A_117 = vector.broadcast %squeeze3A_96 : f32 to vector<16xf32>
    %eq3A_118 = arith.cmpf oeq, %eq3A_117, %add3A_22 : vector<16xf32>
    %or3A_119 = arith.ori %gt3A_116, %eq3A_118 : vector<16xi1>
    %select_n3A_120 = arith.select %or3A_119, %broadcast_in_dim3A_29, %broadcast_in_dim3A_31 : vector<16xi1>, vector<16xi32>
    %add3A_121 = arith.addi %add3A_87, %select_n3A_120 : vector<16xi32>
    %gt3A_122 = vector.broadcast %squeeze3A_96 : f32 to vector<16xf32>
    %gt3A_123 = arith.cmpf ogt, %gt3A_122, %add3A_27 : vector<16xf32>
    %eq3A_124 = vector.broadcast %squeeze3A_96 : f32 to vector<16xf32>
    %eq3A_125 = arith.cmpf oeq, %eq3A_124, %add3A_27 : vector<16xf32>
    %or3A_126 = arith.ori %gt3A_123, %eq3A_125 : vector<16xi1>
    %select_n3A_127 = arith.select %or3A_126, %broadcast_in_dim3A_29, %broadcast_in_dim3A_31 : vector<16xi1>, vector<16xi32>
    %add3A_128 = arith.addi %add3A_94, %select_n3A_127 : vector<16xi32>
    %slice3A_129 = vector.extract_strided_slice %add3A_12 {offsets = [3], sizes = [1], strides = [1]} : vector<16xf32> to vector<1xf32>
    %squeeze3A_130 = vector.extract %slice3A_129[0] : f32 from vector<1xf32>
    %gt3A_131 = arith.constant 3 : i32
    %gt3A_132 = vector.broadcast %gt3A_131 : i32 to vector<16xi32>
    %gt3A_133 = arith.cmpi sgt, %iota3A, %gt3A_132 : vector<16xi32>
    %gt3A_134 = vector.broadcast %squeeze3A_130 : f32 to vector<16xf32>
    %gt3A_135 = arith.cmpf ogt, %gt3A_134, %add3A_12 : vector<16xf32>
    %eq3A_136 = vector.broadcast %squeeze3A_130 : f32 to vector<16xf32>
    %eq3A_137 = arith.cmpf oeq, %eq3A_136, %add3A_12 : vector<16xf32>
    %and3A_138 = arith.andi %eq3A_137, %gt3A_133 : vector<16xi1>
    %or3A_139 = arith.ori %gt3A_135, %and3A_138 : vector<16xi1>
    %select_n3A_140 = arith.select %or3A_139, %broadcast_in_dim3A_29, %broadcast_in_dim3A_31 : vector<16xi1>, vector<16xi32>
    %add3A_141 = arith.addi %add3A_107, %select_n3A_140 : vector<16xi32>
    %gt3A_142 = vector.broadcast %squeeze3A_130 : f32 to vector<16xf32>
    %gt3A_143 = arith.cmpf ogt, %gt3A_142, %add3A_17 : vector<16xf32>
    %eq3A_144 = vector.broadcast %squeeze3A_130 : f32 to vector<16xf32>
    %eq3A_145 = arith.cmpf oeq, %eq3A_144, %add3A_17 : vector<16xf32>
    %or3A_146 = arith.ori %gt3A_143, %eq3A_145 : vector<16xi1>
    %select_n3A_147 = arith.select %or3A_146, %broadcast_in_dim3A_29, %broadcast_in_dim3A_31 : vector<16xi1>, vector<16xi32>
    %add3A_148 = arith.addi %add3A_114, %select_n3A_147 : vector<16xi32>
    %gt3A_149 = vector.broadcast %squeeze3A_130 : f32 to vector<16xf32>
    %gt3A_150 = arith.cmpf ogt, %gt3A_149, %add3A_22 : vector<16xf32>
    %eq3A_151 = vector.broadcast %squeeze3A_130 : f32 to vector<16xf32>
    %eq3A_152 = arith.cmpf oeq, %eq3A_151, %add3A_22 : vector<16xf32>
    %or3A_153 = arith.ori %gt3A_150, %eq3A_152 : vector<16xi1>
    %select_n3A_154 = arith.select %or3A_153, %broadcast_in_dim3A_29, %broadcast_in_dim3A_31 : vector<16xi1>, vector<16xi32>
    %add3A_155 = arith.addi %add3A_121, %select_n3A_154 : vector<16xi32>
    %gt3A_156 = vector.broadcast %squeeze3A_130 : f32 to vector<16xf32>
    %gt3A_157 = arith.cmpf ogt, %gt3A_156, %add3A_27 : vector<16xf32>
    %eq3A_158 = vector.broadcast %squeeze3A_130 : f32 to vector<16xf32>
    %eq3A_159 = arith.cmpf oeq, %eq3A_158, %add3A_27 : vector<16xf32>
    %or3A_160 = arith.ori %gt3A_157, %eq3A_159 : vector<16xi1>
    %select_n3A_161 = arith.select %or3A_160, %broadcast_in_dim3A_29, %broadcast_in_dim3A_31 : vector<16xi1>, vector<16xi32>
    %add3A_162 = arith.addi %add3A_128, %select_n3A_161 : vector<16xi32>
    %slice3A_163 = vector.extract_strided_slice %add3A_12 {offsets = [4], sizes = [1], strides = [1]} : vector<16xf32> to vector<1xf32>
    %squeeze3A_164 = vector.extract %slice3A_163[0] : f32 from vector<1xf32>
    %gt3A_165 = arith.constant 4 : i32
    %gt3A_166 = vector.broadcast %gt3A_165 : i32 to vector<16xi32>
    %gt3A_167 = arith.cmpi sgt, %iota3A, %gt3A_166 : vector<16xi32>
    %gt3A_168 = vector.broadcast %squeeze3A_164 : f32 to vector<16xf32>
    %gt3A_169 = arith.cmpf ogt, %gt3A_168, %add3A_12 : vector<16xf32>
    %eq3A_170 = vector.broadcast %squeeze3A_164 : f32 to vector<16xf32>
    %eq3A_171 = arith.cmpf oeq, %eq3A_170, %add3A_12 : vector<16xf32>
    %and3A_172 = arith.andi %eq3A_171, %gt3A_167 : vector<16xi1>
    %or3A_173 = arith.ori %gt3A_169, %and3A_172 : vector<16xi1>
    %select_n3A_174 = arith.select %or3A_173, %broadcast_in_dim3A_29, %broadcast_in_dim3A_31 : vector<16xi1>, vector<16xi32>
    %add3A_175 = arith.addi %add3A_141, %select_n3A_174 : vector<16xi32>
    %gt3A_176 = vector.broadcast %squeeze3A_164 : f32 to vector<16xf32>
    %gt3A_177 = arith.cmpf ogt, %gt3A_176, %add3A_17 : vector<16xf32>
    %eq3A_178 = vector.broadcast %squeeze3A_164 : f32 to vector<16xf32>
    %eq3A_179 = arith.cmpf oeq, %eq3A_178, %add3A_17 : vector<16xf32>
    %or3A_180 = arith.ori %gt3A_177, %eq3A_179 : vector<16xi1>
    %select_n3A_181 = arith.select %or3A_180, %broadcast_in_dim3A_29, %broadcast_in_dim3A_31 : vector<16xi1>, vector<16xi32>
    %add3A_182 = arith.addi %add3A_148, %select_n3A_181 : vector<16xi32>
    %gt3A_183 = vector.broadcast %squeeze3A_164 : f32 to vector<16xf32>
    %gt3A_184 = arith.cmpf ogt, %gt3A_183, %add3A_22 : vector<16xf32>
    %eq3A_185 = vector.broadcast %squeeze3A_164 : f32 to vector<16xf32>
    %eq3A_186 = arith.cmpf oeq, %eq3A_185, %add3A_22 : vector<16xf32>
    %or3A_187 = arith.ori %gt3A_184, %eq3A_186 : vector<16xi1>
    %select_n3A_188 = arith.select %or3A_187, %broadcast_in_dim3A_29, %broadcast_in_dim3A_31 : vector<16xi1>, vector<16xi32>
    %add3A_189 = arith.addi %add3A_155, %select_n3A_188 : vector<16xi32>
    %gt3A_190 = vector.broadcast %squeeze3A_164 : f32 to vector<16xf32>
    %gt3A_191 = arith.cmpf ogt, %gt3A_190, %add3A_27 : vector<16xf32>
    %eq3A_192 = vector.broadcast %squeeze3A_164 : f32 to vector<16xf32>
    %eq3A_193 = arith.cmpf oeq, %eq3A_192, %add3A_27 : vector<16xf32>
    %or3A_194 = arith.ori %gt3A_191, %eq3A_193 : vector<16xi1>
    %select_n3A_195 = arith.select %or3A_194, %broadcast_in_dim3A_29, %broadcast_in_dim3A_31 : vector<16xi1>, vector<16xi32>
    %add3A_196 = arith.addi %add3A_162, %select_n3A_195 : vector<16xi32>
    %slice3A_197 = vector.extract_strided_slice %add3A_12 {offsets = [5], sizes = [1], strides = [1]} : vector<16xf32> to vector<1xf32>
    %squeeze3A_198 = vector.extract %slice3A_197[0] : f32 from vector<1xf32>
    %gt3A_199 = arith.constant 5 : i32
    %gt3A_200 = vector.broadcast %gt3A_199 : i32 to vector<16xi32>
    %gt3A_201 = arith.cmpi sgt, %iota3A, %gt3A_200 : vector<16xi32>
    %gt3A_202 = vector.broadcast %squeeze3A_198 : f32 to vector<16xf32>
    %gt3A_203 = arith.cmpf ogt, %gt3A_202, %add3A_12 : vector<16xf32>
    %eq3A_204 = vector.broadcast %squeeze3A_198 : f32 to vector<16xf32>
    %eq3A_205 = arith.cmpf oeq, %eq3A_204, %add3A_12 : vector<16xf32>
    %and3A_206 = arith.andi %eq3A_205, %gt3A_201 : vector<16xi1>
    %or3A_207 = arith.ori %gt3A_203, %and3A_206 : vector<16xi1>
    %select_n3A_208 = arith.select %or3A_207, %broadcast_in_dim3A_29, %broadcast_in_dim3A_31 : vector<16xi1>, vector<16xi32>
    %add3A_209 = arith.addi %add3A_175, %select_n3A_208 : vector<16xi32>
    %gt3A_210 = vector.broadcast %squeeze3A_198 : f32 to vector<16xf32>
    %gt3A_211 = arith.cmpf ogt, %gt3A_210, %add3A_17 : vector<16xf32>
    %eq3A_212 = vector.broadcast %squeeze3A_198 : f32 to vector<16xf32>
    %eq3A_213 = arith.cmpf oeq, %eq3A_212, %add3A_17 : vector<16xf32>
    %or3A_214 = arith.ori %gt3A_211, %eq3A_213 : vector<16xi1>
    %select_n3A_215 = arith.select %or3A_214, %broadcast_in_dim3A_29, %broadcast_in_dim3A_31 : vector<16xi1>, vector<16xi32>
    %add3A_216 = arith.addi %add3A_182, %select_n3A_215 : vector<16xi32>
    %gt3A_217 = vector.broadcast %squeeze3A_198 : f32 to vector<16xf32>
    %gt3A_218 = arith.cmpf ogt, %gt3A_217, %add3A_22 : vector<16xf32>
    %eq3A_219 = vector.broadcast %squeeze3A_198 : f32 to vector<16xf32>
    %eq3A_220 = arith.cmpf oeq, %eq3A_219, %add3A_22 : vector<16xf32>
    %or3A_221 = arith.ori %gt3A_218, %eq3A_220 : vector<16xi1>
    %select_n3A_222 = arith.select %or3A_221, %broadcast_in_dim3A_29, %broadcast_in_dim3A_31 : vector<16xi1>, vector<16xi32>
    %add3A_223 = arith.addi %add3A_189, %select_n3A_222 : vector<16xi32>
    %gt3A_224 = vector.broadcast %squeeze3A_198 : f32 to vector<16xf32>
    %gt3A_225 = arith.cmpf ogt, %gt3A_224, %add3A_27 : vector<16xf32>
    %eq3A_226 = vector.broadcast %squeeze3A_198 : f32 to vector<16xf32>
    %eq3A_227 = arith.cmpf oeq, %eq3A_226, %add3A_27 : vector<16xf32>
    %or3A_228 = arith.ori %gt3A_225, %eq3A_227 : vector<16xi1>
    %select_n3A_229 = arith.select %or3A_228, %broadcast_in_dim3A_29, %broadcast_in_dim3A_31 : vector<16xi1>, vector<16xi32>
    %add3A_230 = arith.addi %add3A_196, %select_n3A_229 : vector<16xi32>
    %slice3A_231 = vector.extract_strided_slice %add3A_12 {offsets = [6], sizes = [1], strides = [1]} : vector<16xf32> to vector<1xf32>
    %squeeze3A_232 = vector.extract %slice3A_231[0] : f32 from vector<1xf32>
    %gt3A_233 = arith.constant 6 : i32
    %gt3A_234 = vector.broadcast %gt3A_233 : i32 to vector<16xi32>
    %gt3A_235 = arith.cmpi sgt, %iota3A, %gt3A_234 : vector<16xi32>
    %gt3A_236 = vector.broadcast %squeeze3A_232 : f32 to vector<16xf32>
    %gt3A_237 = arith.cmpf ogt, %gt3A_236, %add3A_12 : vector<16xf32>
    %eq3A_238 = vector.broadcast %squeeze3A_232 : f32 to vector<16xf32>
    %eq3A_239 = arith.cmpf oeq, %eq3A_238, %add3A_12 : vector<16xf32>
    %and3A_240 = arith.andi %eq3A_239, %gt3A_235 : vector<16xi1>
    %or3A_241 = arith.ori %gt3A_237, %and3A_240 : vector<16xi1>
    %select_n3A_242 = arith.select %or3A_241, %broadcast_in_dim3A_29, %broadcast_in_dim3A_31 : vector<16xi1>, vector<16xi32>
    %add3A_243 = arith.addi %add3A_209, %select_n3A_242 : vector<16xi32>
    %gt3A_244 = vector.broadcast %squeeze3A_232 : f32 to vector<16xf32>
    %gt3A_245 = arith.cmpf ogt, %gt3A_244, %add3A_17 : vector<16xf32>
    %eq3A_246 = vector.broadcast %squeeze3A_232 : f32 to vector<16xf32>
    %eq3A_247 = arith.cmpf oeq, %eq3A_246, %add3A_17 : vector<16xf32>
    %or3A_248 = arith.ori %gt3A_245, %eq3A_247 : vector<16xi1>
    %select_n3A_249 = arith.select %or3A_248, %broadcast_in_dim3A_29, %broadcast_in_dim3A_31 : vector<16xi1>, vector<16xi32>
    %add3A_250 = arith.addi %add3A_216, %select_n3A_249 : vector<16xi32>
    %gt3A_251 = vector.broadcast %squeeze3A_232 : f32 to vector<16xf32>
    %gt3A_252 = arith.cmpf ogt, %gt3A_251, %add3A_22 : vector<16xf32>
    %eq3A_253 = vector.broadcast %squeeze3A_232 : f32 to vector<16xf32>
    %eq3A_254 = arith.cmpf oeq, %eq3A_253, %add3A_22 : vector<16xf32>
    %or3A_255 = arith.ori %gt3A_252, %eq3A_254 : vector<16xi1>
    %select_n3A_256 = arith.select %or3A_255, %broadcast_in_dim3A_29, %broadcast_in_dim3A_31 : vector<16xi1>, vector<16xi32>
    %add3A_257 = arith.addi %add3A_223, %select_n3A_256 : vector<16xi32>
    %gt3A_258 = vector.broadcast %squeeze3A_232 : f32 to vector<16xf32>
    %gt3A_259 = arith.cmpf ogt, %gt3A_258, %add3A_27 : vector<16xf32>
    %eq3A_260 = vector.broadcast %squeeze3A_232 : f32 to vector<16xf32>
    %eq3A_261 = arith.cmpf oeq, %eq3A_260, %add3A_27 : vector<16xf32>
    %or3A_262 = arith.ori %gt3A_259, %eq3A_261 : vector<16xi1>
    %select_n3A_263 = arith.select %or3A_262, %broadcast_in_dim3A_29, %broadcast_in_dim3A_31 : vector<16xi1>, vector<16xi32>
    %add3A_264 = arith.addi %add3A_230, %select_n3A_263 : vector<16xi32>
    %slice3A_265 = vector.extract_strided_slice %add3A_12 {offsets = [7], sizes = [1], strides = [1]} : vector<16xf32> to vector<1xf32>
    %squeeze3A_266 = vector.extract %slice3A_265[0] : f32 from vector<1xf32>
    %gt3A_267 = arith.constant 7 : i32
    %gt3A_268 = vector.broadcast %gt3A_267 : i32 to vector<16xi32>
    %gt3A_269 = arith.cmpi sgt, %iota3A, %gt3A_268 : vector<16xi32>
    %gt3A_270 = vector.broadcast %squeeze3A_266 : f32 to vector<16xf32>
    %gt3A_271 = arith.cmpf ogt, %gt3A_270, %add3A_12 : vector<16xf32>
    %eq3A_272 = vector.broadcast %squeeze3A_266 : f32 to vector<16xf32>
    %eq3A_273 = arith.cmpf oeq, %eq3A_272, %add3A_12 : vector<16xf32>
    %and3A_274 = arith.andi %eq3A_273, %gt3A_269 : vector<16xi1>
    %or3A_275 = arith.ori %gt3A_271, %and3A_274 : vector<16xi1>
    %select_n3A_276 = arith.select %or3A_275, %broadcast_in_dim3A_29, %broadcast_in_dim3A_31 : vector<16xi1>, vector<16xi32>
    %add3A_277 = arith.addi %add3A_243, %select_n3A_276 : vector<16xi32>
    %gt3A_278 = vector.broadcast %squeeze3A_266 : f32 to vector<16xf32>
    %gt3A_279 = arith.cmpf ogt, %gt3A_278, %add3A_17 : vector<16xf32>
    %eq3A_280 = vector.broadcast %squeeze3A_266 : f32 to vector<16xf32>
    %eq3A_281 = arith.cmpf oeq, %eq3A_280, %add3A_17 : vector<16xf32>
    %or3A_282 = arith.ori %gt3A_279, %eq3A_281 : vector<16xi1>
    %select_n3A_283 = arith.select %or3A_282, %broadcast_in_dim3A_29, %broadcast_in_dim3A_31 : vector<16xi1>, vector<16xi32>
    %add3A_284 = arith.addi %add3A_250, %select_n3A_283 : vector<16xi32>
    %gt3A_285 = vector.broadcast %squeeze3A_266 : f32 to vector<16xf32>
    %gt3A_286 = arith.cmpf ogt, %gt3A_285, %add3A_22 : vector<16xf32>
    %eq3A_287 = vector.broadcast %squeeze3A_266 : f32 to vector<16xf32>
    %eq3A_288 = arith.cmpf oeq, %eq3A_287, %add3A_22 : vector<16xf32>
    %or3A_289 = arith.ori %gt3A_286, %eq3A_288 : vector<16xi1>
    %select_n3A_290 = arith.select %or3A_289, %broadcast_in_dim3A_29, %broadcast_in_dim3A_31 : vector<16xi1>, vector<16xi32>
    %add3A_291 = arith.addi %add3A_257, %select_n3A_290 : vector<16xi32>
    %gt3A_292 = vector.broadcast %squeeze3A_266 : f32 to vector<16xf32>
    %gt3A_293 = arith.cmpf ogt, %gt3A_292, %add3A_27 : vector<16xf32>
    %eq3A_294 = vector.broadcast %squeeze3A_266 : f32 to vector<16xf32>
    %eq3A_295 = arith.cmpf oeq, %eq3A_294, %add3A_27 : vector<16xf32>
    %or3A_296 = arith.ori %gt3A_293, %eq3A_295 : vector<16xi1>
    %select_n3A_297 = arith.select %or3A_296, %broadcast_in_dim3A_29, %broadcast_in_dim3A_31 : vector<16xi1>, vector<16xi32>
    %add3A_298 = arith.addi %add3A_264, %select_n3A_297 : vector<16xi32>
    %slice3A_299 = vector.extract_strided_slice %add3A_12 {offsets = [8], sizes = [1], strides = [1]} : vector<16xf32> to vector<1xf32>
    %squeeze3A_300 = vector.extract %slice3A_299[0] : f32 from vector<1xf32>
    %gt3A_301 = arith.constant 8 : i32
    %gt3A_302 = vector.broadcast %gt3A_301 : i32 to vector<16xi32>
    %gt3A_303 = arith.cmpi sgt, %iota3A, %gt3A_302 : vector<16xi32>
    %gt3A_304 = vector.broadcast %squeeze3A_300 : f32 to vector<16xf32>
    %gt3A_305 = arith.cmpf ogt, %gt3A_304, %add3A_12 : vector<16xf32>
    %eq3A_306 = vector.broadcast %squeeze3A_300 : f32 to vector<16xf32>
    %eq3A_307 = arith.cmpf oeq, %eq3A_306, %add3A_12 : vector<16xf32>
    %and3A_308 = arith.andi %eq3A_307, %gt3A_303 : vector<16xi1>
    %or3A_309 = arith.ori %gt3A_305, %and3A_308 : vector<16xi1>
    %select_n3A_310 = arith.select %or3A_309, %broadcast_in_dim3A_29, %broadcast_in_dim3A_31 : vector<16xi1>, vector<16xi32>
    %add3A_311 = arith.addi %add3A_277, %select_n3A_310 : vector<16xi32>
    %gt3A_312 = vector.broadcast %squeeze3A_300 : f32 to vector<16xf32>
    %gt3A_313 = arith.cmpf ogt, %gt3A_312, %add3A_17 : vector<16xf32>
    %eq3A_314 = vector.broadcast %squeeze3A_300 : f32 to vector<16xf32>
    %eq3A_315 = arith.cmpf oeq, %eq3A_314, %add3A_17 : vector<16xf32>
    %or3A_316 = arith.ori %gt3A_313, %eq3A_315 : vector<16xi1>
    %select_n3A_317 = arith.select %or3A_316, %broadcast_in_dim3A_29, %broadcast_in_dim3A_31 : vector<16xi1>, vector<16xi32>
    %add3A_318 = arith.addi %add3A_284, %select_n3A_317 : vector<16xi32>
    %gt3A_319 = vector.broadcast %squeeze3A_300 : f32 to vector<16xf32>
    %gt3A_320 = arith.cmpf ogt, %gt3A_319, %add3A_22 : vector<16xf32>
    %eq3A_321 = vector.broadcast %squeeze3A_300 : f32 to vector<16xf32>
    %eq3A_322 = arith.cmpf oeq, %eq3A_321, %add3A_22 : vector<16xf32>
    %or3A_323 = arith.ori %gt3A_320, %eq3A_322 : vector<16xi1>
    %select_n3A_324 = arith.select %or3A_323, %broadcast_in_dim3A_29, %broadcast_in_dim3A_31 : vector<16xi1>, vector<16xi32>
    %add3A_325 = arith.addi %add3A_291, %select_n3A_324 : vector<16xi32>
    %gt3A_326 = vector.broadcast %squeeze3A_300 : f32 to vector<16xf32>
    %gt3A_327 = arith.cmpf ogt, %gt3A_326, %add3A_27 : vector<16xf32>
    %eq3A_328 = vector.broadcast %squeeze3A_300 : f32 to vector<16xf32>
    %eq3A_329 = arith.cmpf oeq, %eq3A_328, %add3A_27 : vector<16xf32>
    %or3A_330 = arith.ori %gt3A_327, %eq3A_329 : vector<16xi1>
    %select_n3A_331 = arith.select %or3A_330, %broadcast_in_dim3A_29, %broadcast_in_dim3A_31 : vector<16xi1>, vector<16xi32>
    %add3A_332 = arith.addi %add3A_298, %select_n3A_331 : vector<16xi32>
    %slice3A_333 = vector.extract_strided_slice %add3A_12 {offsets = [9], sizes = [1], strides = [1]} : vector<16xf32> to vector<1xf32>
    %squeeze3A_334 = vector.extract %slice3A_333[0] : f32 from vector<1xf32>
    %gt3A_335 = arith.constant 9 : i32
    %gt3A_336 = vector.broadcast %gt3A_335 : i32 to vector<16xi32>
    %gt3A_337 = arith.cmpi sgt, %iota3A, %gt3A_336 : vector<16xi32>
    %gt3A_338 = vector.broadcast %squeeze3A_334 : f32 to vector<16xf32>
    %gt3A_339 = arith.cmpf ogt, %gt3A_338, %add3A_12 : vector<16xf32>
    %eq3A_340 = vector.broadcast %squeeze3A_334 : f32 to vector<16xf32>
    %eq3A_341 = arith.cmpf oeq, %eq3A_340, %add3A_12 : vector<16xf32>
    %and3A_342 = arith.andi %eq3A_341, %gt3A_337 : vector<16xi1>
    %or3A_343 = arith.ori %gt3A_339, %and3A_342 : vector<16xi1>
    %select_n3A_344 = arith.select %or3A_343, %broadcast_in_dim3A_29, %broadcast_in_dim3A_31 : vector<16xi1>, vector<16xi32>
    %add3A_345 = arith.addi %add3A_311, %select_n3A_344 : vector<16xi32>
    %gt3A_346 = vector.broadcast %squeeze3A_334 : f32 to vector<16xf32>
    %gt3A_347 = arith.cmpf ogt, %gt3A_346, %add3A_17 : vector<16xf32>
    %eq3A_348 = vector.broadcast %squeeze3A_334 : f32 to vector<16xf32>
    %eq3A_349 = arith.cmpf oeq, %eq3A_348, %add3A_17 : vector<16xf32>
    %or3A_350 = arith.ori %gt3A_347, %eq3A_349 : vector<16xi1>
    %select_n3A_351 = arith.select %or3A_350, %broadcast_in_dim3A_29, %broadcast_in_dim3A_31 : vector<16xi1>, vector<16xi32>
    %add3A_352 = arith.addi %add3A_318, %select_n3A_351 : vector<16xi32>
    %gt3A_353 = vector.broadcast %squeeze3A_334 : f32 to vector<16xf32>
    %gt3A_354 = arith.cmpf ogt, %gt3A_353, %add3A_22 : vector<16xf32>
    %eq3A_355 = vector.broadcast %squeeze3A_334 : f32 to vector<16xf32>
    %eq3A_356 = arith.cmpf oeq, %eq3A_355, %add3A_22 : vector<16xf32>
    %or3A_357 = arith.ori %gt3A_354, %eq3A_356 : vector<16xi1>
    %select_n3A_358 = arith.select %or3A_357, %broadcast_in_dim3A_29, %broadcast_in_dim3A_31 : vector<16xi1>, vector<16xi32>
    %add3A_359 = arith.addi %add3A_325, %select_n3A_358 : vector<16xi32>
    %gt3A_360 = vector.broadcast %squeeze3A_334 : f32 to vector<16xf32>
    %gt3A_361 = arith.cmpf ogt, %gt3A_360, %add3A_27 : vector<16xf32>
    %eq3A_362 = vector.broadcast %squeeze3A_334 : f32 to vector<16xf32>
    %eq3A_363 = arith.cmpf oeq, %eq3A_362, %add3A_27 : vector<16xf32>
    %or3A_364 = arith.ori %gt3A_361, %eq3A_363 : vector<16xi1>
    %select_n3A_365 = arith.select %or3A_364, %broadcast_in_dim3A_29, %broadcast_in_dim3A_31 : vector<16xi1>, vector<16xi32>
    %add3A_366 = arith.addi %add3A_332, %select_n3A_365 : vector<16xi32>
    %slice3A_367 = vector.extract_strided_slice %add3A_12 {offsets = [10], sizes = [1], strides = [1]} : vector<16xf32> to vector<1xf32>
    %squeeze3A_368 = vector.extract %slice3A_367[0] : f32 from vector<1xf32>
    %gt3A_369 = arith.constant 10 : i32
    %gt3A_370 = vector.broadcast %gt3A_369 : i32 to vector<16xi32>
    %gt3A_371 = arith.cmpi sgt, %iota3A, %gt3A_370 : vector<16xi32>
    %gt3A_372 = vector.broadcast %squeeze3A_368 : f32 to vector<16xf32>
    %gt3A_373 = arith.cmpf ogt, %gt3A_372, %add3A_12 : vector<16xf32>
    %eq3A_374 = vector.broadcast %squeeze3A_368 : f32 to vector<16xf32>
    %eq3A_375 = arith.cmpf oeq, %eq3A_374, %add3A_12 : vector<16xf32>
    %and3A_376 = arith.andi %eq3A_375, %gt3A_371 : vector<16xi1>
    %or3A_377 = arith.ori %gt3A_373, %and3A_376 : vector<16xi1>
    %select_n3A_378 = arith.select %or3A_377, %broadcast_in_dim3A_29, %broadcast_in_dim3A_31 : vector<16xi1>, vector<16xi32>
    %add3A_379 = arith.addi %add3A_345, %select_n3A_378 : vector<16xi32>
    %gt3A_380 = vector.broadcast %squeeze3A_368 : f32 to vector<16xf32>
    %gt3A_381 = arith.cmpf ogt, %gt3A_380, %add3A_17 : vector<16xf32>
    %eq3A_382 = vector.broadcast %squeeze3A_368 : f32 to vector<16xf32>
    %eq3A_383 = arith.cmpf oeq, %eq3A_382, %add3A_17 : vector<16xf32>
    %or3A_384 = arith.ori %gt3A_381, %eq3A_383 : vector<16xi1>
    %select_n3A_385 = arith.select %or3A_384, %broadcast_in_dim3A_29, %broadcast_in_dim3A_31 : vector<16xi1>, vector<16xi32>
    %add3A_386 = arith.addi %add3A_352, %select_n3A_385 : vector<16xi32>
    %gt3A_387 = vector.broadcast %squeeze3A_368 : f32 to vector<16xf32>
    %gt3A_388 = arith.cmpf ogt, %gt3A_387, %add3A_22 : vector<16xf32>
    %eq3A_389 = vector.broadcast %squeeze3A_368 : f32 to vector<16xf32>
    %eq3A_390 = arith.cmpf oeq, %eq3A_389, %add3A_22 : vector<16xf32>
    %or3A_391 = arith.ori %gt3A_388, %eq3A_390 : vector<16xi1>
    %select_n3A_392 = arith.select %or3A_391, %broadcast_in_dim3A_29, %broadcast_in_dim3A_31 : vector<16xi1>, vector<16xi32>
    %add3A_393 = arith.addi %add3A_359, %select_n3A_392 : vector<16xi32>
    %gt3A_394 = vector.broadcast %squeeze3A_368 : f32 to vector<16xf32>
    %gt3A_395 = arith.cmpf ogt, %gt3A_394, %add3A_27 : vector<16xf32>
    %eq3A_396 = vector.broadcast %squeeze3A_368 : f32 to vector<16xf32>
    %eq3A_397 = arith.cmpf oeq, %eq3A_396, %add3A_27 : vector<16xf32>
    %or3A_398 = arith.ori %gt3A_395, %eq3A_397 : vector<16xi1>
    %select_n3A_399 = arith.select %or3A_398, %broadcast_in_dim3A_29, %broadcast_in_dim3A_31 : vector<16xi1>, vector<16xi32>
    %add3A_400 = arith.addi %add3A_366, %select_n3A_399 : vector<16xi32>
    %slice3A_401 = vector.extract_strided_slice %add3A_12 {offsets = [11], sizes = [1], strides = [1]} : vector<16xf32> to vector<1xf32>
    %squeeze3A_402 = vector.extract %slice3A_401[0] : f32 from vector<1xf32>
    %gt3A_403 = arith.constant 11 : i32
    %gt3A_404 = vector.broadcast %gt3A_403 : i32 to vector<16xi32>
    %gt3A_405 = arith.cmpi sgt, %iota3A, %gt3A_404 : vector<16xi32>
    %gt3A_406 = vector.broadcast %squeeze3A_402 : f32 to vector<16xf32>
    %gt3A_407 = arith.cmpf ogt, %gt3A_406, %add3A_12 : vector<16xf32>
    %eq3A_408 = vector.broadcast %squeeze3A_402 : f32 to vector<16xf32>
    %eq3A_409 = arith.cmpf oeq, %eq3A_408, %add3A_12 : vector<16xf32>
    %and3A_410 = arith.andi %eq3A_409, %gt3A_405 : vector<16xi1>
    %or3A_411 = arith.ori %gt3A_407, %and3A_410 : vector<16xi1>
    %select_n3A_412 = arith.select %or3A_411, %broadcast_in_dim3A_29, %broadcast_in_dim3A_31 : vector<16xi1>, vector<16xi32>
    %add3A_413 = arith.addi %add3A_379, %select_n3A_412 : vector<16xi32>
    %gt3A_414 = vector.broadcast %squeeze3A_402 : f32 to vector<16xf32>
    %gt3A_415 = arith.cmpf ogt, %gt3A_414, %add3A_17 : vector<16xf32>
    %eq3A_416 = vector.broadcast %squeeze3A_402 : f32 to vector<16xf32>
    %eq3A_417 = arith.cmpf oeq, %eq3A_416, %add3A_17 : vector<16xf32>
    %or3A_418 = arith.ori %gt3A_415, %eq3A_417 : vector<16xi1>
    %select_n3A_419 = arith.select %or3A_418, %broadcast_in_dim3A_29, %broadcast_in_dim3A_31 : vector<16xi1>, vector<16xi32>
    %add3A_420 = arith.addi %add3A_386, %select_n3A_419 : vector<16xi32>
    %gt3A_421 = vector.broadcast %squeeze3A_402 : f32 to vector<16xf32>
    %gt3A_422 = arith.cmpf ogt, %gt3A_421, %add3A_22 : vector<16xf32>
    %eq3A_423 = vector.broadcast %squeeze3A_402 : f32 to vector<16xf32>
    %eq3A_424 = arith.cmpf oeq, %eq3A_423, %add3A_22 : vector<16xf32>
    %or3A_425 = arith.ori %gt3A_422, %eq3A_424 : vector<16xi1>
    %select_n3A_426 = arith.select %or3A_425, %broadcast_in_dim3A_29, %broadcast_in_dim3A_31 : vector<16xi1>, vector<16xi32>
    %add3A_427 = arith.addi %add3A_393, %select_n3A_426 : vector<16xi32>
    %gt3A_428 = vector.broadcast %squeeze3A_402 : f32 to vector<16xf32>
    %gt3A_429 = arith.cmpf ogt, %gt3A_428, %add3A_27 : vector<16xf32>
    %eq3A_430 = vector.broadcast %squeeze3A_402 : f32 to vector<16xf32>
    %eq3A_431 = arith.cmpf oeq, %eq3A_430, %add3A_27 : vector<16xf32>
    %or3A_432 = arith.ori %gt3A_429, %eq3A_431 : vector<16xi1>
    %select_n3A_433 = arith.select %or3A_432, %broadcast_in_dim3A_29, %broadcast_in_dim3A_31 : vector<16xi1>, vector<16xi32>
    %add3A_434 = arith.addi %add3A_400, %select_n3A_433 : vector<16xi32>
    %slice3A_435 = vector.extract_strided_slice %add3A_12 {offsets = [12], sizes = [1], strides = [1]} : vector<16xf32> to vector<1xf32>
    %squeeze3A_436 = vector.extract %slice3A_435[0] : f32 from vector<1xf32>
    %gt3A_437 = arith.constant 12 : i32
    %gt3A_438 = vector.broadcast %gt3A_437 : i32 to vector<16xi32>
    %gt3A_439 = arith.cmpi sgt, %iota3A, %gt3A_438 : vector<16xi32>
    %gt3A_440 = vector.broadcast %squeeze3A_436 : f32 to vector<16xf32>
    %gt3A_441 = arith.cmpf ogt, %gt3A_440, %add3A_12 : vector<16xf32>
    %eq3A_442 = vector.broadcast %squeeze3A_436 : f32 to vector<16xf32>
    %eq3A_443 = arith.cmpf oeq, %eq3A_442, %add3A_12 : vector<16xf32>
    %and3A_444 = arith.andi %eq3A_443, %gt3A_439 : vector<16xi1>
    %or3A_445 = arith.ori %gt3A_441, %and3A_444 : vector<16xi1>
    %select_n3A_446 = arith.select %or3A_445, %broadcast_in_dim3A_29, %broadcast_in_dim3A_31 : vector<16xi1>, vector<16xi32>
    %add3A_447 = arith.addi %add3A_413, %select_n3A_446 : vector<16xi32>
    %gt3A_448 = vector.broadcast %squeeze3A_436 : f32 to vector<16xf32>
    %gt3A_449 = arith.cmpf ogt, %gt3A_448, %add3A_17 : vector<16xf32>
    %eq3A_450 = vector.broadcast %squeeze3A_436 : f32 to vector<16xf32>
    %eq3A_451 = arith.cmpf oeq, %eq3A_450, %add3A_17 : vector<16xf32>
    %or3A_452 = arith.ori %gt3A_449, %eq3A_451 : vector<16xi1>
    %select_n3A_453 = arith.select %or3A_452, %broadcast_in_dim3A_29, %broadcast_in_dim3A_31 : vector<16xi1>, vector<16xi32>
    %add3A_454 = arith.addi %add3A_420, %select_n3A_453 : vector<16xi32>
    %gt3A_455 = vector.broadcast %squeeze3A_436 : f32 to vector<16xf32>
    %gt3A_456 = arith.cmpf ogt, %gt3A_455, %add3A_22 : vector<16xf32>
    %eq3A_457 = vector.broadcast %squeeze3A_436 : f32 to vector<16xf32>
    %eq3A_458 = arith.cmpf oeq, %eq3A_457, %add3A_22 : vector<16xf32>
    %or3A_459 = arith.ori %gt3A_456, %eq3A_458 : vector<16xi1>
    %select_n3A_460 = arith.select %or3A_459, %broadcast_in_dim3A_29, %broadcast_in_dim3A_31 : vector<16xi1>, vector<16xi32>
    %add3A_461 = arith.addi %add3A_427, %select_n3A_460 : vector<16xi32>
    %gt3A_462 = vector.broadcast %squeeze3A_436 : f32 to vector<16xf32>
    %gt3A_463 = arith.cmpf ogt, %gt3A_462, %add3A_27 : vector<16xf32>
    %eq3A_464 = vector.broadcast %squeeze3A_436 : f32 to vector<16xf32>
    %eq3A_465 = arith.cmpf oeq, %eq3A_464, %add3A_27 : vector<16xf32>
    %or3A_466 = arith.ori %gt3A_463, %eq3A_465 : vector<16xi1>
    %select_n3A_467 = arith.select %or3A_466, %broadcast_in_dim3A_29, %broadcast_in_dim3A_31 : vector<16xi1>, vector<16xi32>
    %add3A_468 = arith.addi %add3A_434, %select_n3A_467 : vector<16xi32>
    %slice3A_469 = vector.extract_strided_slice %add3A_12 {offsets = [13], sizes = [1], strides = [1]} : vector<16xf32> to vector<1xf32>
    %squeeze3A_470 = vector.extract %slice3A_469[0] : f32 from vector<1xf32>
    %gt3A_471 = arith.constant 13 : i32
    %gt3A_472 = vector.broadcast %gt3A_471 : i32 to vector<16xi32>
    %gt3A_473 = arith.cmpi sgt, %iota3A, %gt3A_472 : vector<16xi32>
    %gt3A_474 = vector.broadcast %squeeze3A_470 : f32 to vector<16xf32>
    %gt3A_475 = arith.cmpf ogt, %gt3A_474, %add3A_12 : vector<16xf32>
    %eq3A_476 = vector.broadcast %squeeze3A_470 : f32 to vector<16xf32>
    %eq3A_477 = arith.cmpf oeq, %eq3A_476, %add3A_12 : vector<16xf32>
    %and3A_478 = arith.andi %eq3A_477, %gt3A_473 : vector<16xi1>
    %or3A_479 = arith.ori %gt3A_475, %and3A_478 : vector<16xi1>
    %select_n3A_480 = arith.select %or3A_479, %broadcast_in_dim3A_29, %broadcast_in_dim3A_31 : vector<16xi1>, vector<16xi32>
    %add3A_481 = arith.addi %add3A_447, %select_n3A_480 : vector<16xi32>
    %gt3A_482 = vector.broadcast %squeeze3A_470 : f32 to vector<16xf32>
    %gt3A_483 = arith.cmpf ogt, %gt3A_482, %add3A_17 : vector<16xf32>
    %eq3A_484 = vector.broadcast %squeeze3A_470 : f32 to vector<16xf32>
    %eq3A_485 = arith.cmpf oeq, %eq3A_484, %add3A_17 : vector<16xf32>
    %or3A_486 = arith.ori %gt3A_483, %eq3A_485 : vector<16xi1>
    %select_n3A_487 = arith.select %or3A_486, %broadcast_in_dim3A_29, %broadcast_in_dim3A_31 : vector<16xi1>, vector<16xi32>
    %add3A_488 = arith.addi %add3A_454, %select_n3A_487 : vector<16xi32>
    %gt3A_489 = vector.broadcast %squeeze3A_470 : f32 to vector<16xf32>
    %gt3A_490 = arith.cmpf ogt, %gt3A_489, %add3A_22 : vector<16xf32>
    %eq3A_491 = vector.broadcast %squeeze3A_470 : f32 to vector<16xf32>
    %eq3A_492 = arith.cmpf oeq, %eq3A_491, %add3A_22 : vector<16xf32>
    %or3A_493 = arith.ori %gt3A_490, %eq3A_492 : vector<16xi1>
    %select_n3A_494 = arith.select %or3A_493, %broadcast_in_dim3A_29, %broadcast_in_dim3A_31 : vector<16xi1>, vector<16xi32>
    %add3A_495 = arith.addi %add3A_461, %select_n3A_494 : vector<16xi32>
    %gt3A_496 = vector.broadcast %squeeze3A_470 : f32 to vector<16xf32>
    %gt3A_497 = arith.cmpf ogt, %gt3A_496, %add3A_27 : vector<16xf32>
    %eq3A_498 = vector.broadcast %squeeze3A_470 : f32 to vector<16xf32>
    %eq3A_499 = arith.cmpf oeq, %eq3A_498, %add3A_27 : vector<16xf32>
    %or3A_500 = arith.ori %gt3A_497, %eq3A_499 : vector<16xi1>
    %select_n3A_501 = arith.select %or3A_500, %broadcast_in_dim3A_29, %broadcast_in_dim3A_31 : vector<16xi1>, vector<16xi32>
    %add3A_502 = arith.addi %add3A_468, %select_n3A_501 : vector<16xi32>
    %slice3A_503 = vector.extract_strided_slice %add3A_12 {offsets = [14], sizes = [1], strides = [1]} : vector<16xf32> to vector<1xf32>
    %squeeze3A_504 = vector.extract %slice3A_503[0] : f32 from vector<1xf32>
    %gt3A_505 = arith.constant 14 : i32
    %gt3A_506 = vector.broadcast %gt3A_505 : i32 to vector<16xi32>
    %gt3A_507 = arith.cmpi sgt, %iota3A, %gt3A_506 : vector<16xi32>
    %gt3A_508 = vector.broadcast %squeeze3A_504 : f32 to vector<16xf32>
    %gt3A_509 = arith.cmpf ogt, %gt3A_508, %add3A_12 : vector<16xf32>
    %eq3A_510 = vector.broadcast %squeeze3A_504 : f32 to vector<16xf32>
    %eq3A_511 = arith.cmpf oeq, %eq3A_510, %add3A_12 : vector<16xf32>
    %and3A_512 = arith.andi %eq3A_511, %gt3A_507 : vector<16xi1>
    %or3A_513 = arith.ori %gt3A_509, %and3A_512 : vector<16xi1>
    %select_n3A_514 = arith.select %or3A_513, %broadcast_in_dim3A_29, %broadcast_in_dim3A_31 : vector<16xi1>, vector<16xi32>
    %add3A_515 = arith.addi %add3A_481, %select_n3A_514 : vector<16xi32>
    %gt3A_516 = vector.broadcast %squeeze3A_504 : f32 to vector<16xf32>
    %gt3A_517 = arith.cmpf ogt, %gt3A_516, %add3A_17 : vector<16xf32>
    %eq3A_518 = vector.broadcast %squeeze3A_504 : f32 to vector<16xf32>
    %eq3A_519 = arith.cmpf oeq, %eq3A_518, %add3A_17 : vector<16xf32>
    %or3A_520 = arith.ori %gt3A_517, %eq3A_519 : vector<16xi1>
    %select_n3A_521 = arith.select %or3A_520, %broadcast_in_dim3A_29, %broadcast_in_dim3A_31 : vector<16xi1>, vector<16xi32>
    %add3A_522 = arith.addi %add3A_488, %select_n3A_521 : vector<16xi32>
    %gt3A_523 = vector.broadcast %squeeze3A_504 : f32 to vector<16xf32>
    %gt3A_524 = arith.cmpf ogt, %gt3A_523, %add3A_22 : vector<16xf32>
    %eq3A_525 = vector.broadcast %squeeze3A_504 : f32 to vector<16xf32>
    %eq3A_526 = arith.cmpf oeq, %eq3A_525, %add3A_22 : vector<16xf32>
    %or3A_527 = arith.ori %gt3A_524, %eq3A_526 : vector<16xi1>
    %select_n3A_528 = arith.select %or3A_527, %broadcast_in_dim3A_29, %broadcast_in_dim3A_31 : vector<16xi1>, vector<16xi32>
    %add3A_529 = arith.addi %add3A_495, %select_n3A_528 : vector<16xi32>
    %gt3A_530 = vector.broadcast %squeeze3A_504 : f32 to vector<16xf32>
    %gt3A_531 = arith.cmpf ogt, %gt3A_530, %add3A_27 : vector<16xf32>
    %eq3A_532 = vector.broadcast %squeeze3A_504 : f32 to vector<16xf32>
    %eq3A_533 = arith.cmpf oeq, %eq3A_532, %add3A_27 : vector<16xf32>
    %or3A_534 = arith.ori %gt3A_531, %eq3A_533 : vector<16xi1>
    %select_n3A_535 = arith.select %or3A_534, %broadcast_in_dim3A_29, %broadcast_in_dim3A_31 : vector<16xi1>, vector<16xi32>
    %add3A_536 = arith.addi %add3A_502, %select_n3A_535 : vector<16xi32>
    %slice3A_537 = vector.extract_strided_slice %add3A_12 {offsets = [15], sizes = [1], strides = [1]} : vector<16xf32> to vector<1xf32>
    %squeeze3A_538 = vector.extract %slice3A_537[0] : f32 from vector<1xf32>
    %gt3A_539 = arith.constant 15 : i32
    %gt3A_540 = vector.broadcast %gt3A_539 : i32 to vector<16xi32>
    %gt3A_541 = arith.cmpi sgt, %iota3A, %gt3A_540 : vector<16xi32>
    %gt3A_542 = vector.broadcast %squeeze3A_538 : f32 to vector<16xf32>
    %gt3A_543 = arith.cmpf ogt, %gt3A_542, %add3A_12 : vector<16xf32>
    %eq3A_544 = vector.broadcast %squeeze3A_538 : f32 to vector<16xf32>
    %eq3A_545 = arith.cmpf oeq, %eq3A_544, %add3A_12 : vector<16xf32>
    %and3A_546 = arith.andi %eq3A_545, %gt3A_541 : vector<16xi1>
    %or3A_547 = arith.ori %gt3A_543, %and3A_546 : vector<16xi1>
    %select_n3A_548 = arith.select %or3A_547, %broadcast_in_dim3A_29, %broadcast_in_dim3A_31 : vector<16xi1>, vector<16xi32>
    %add3A_549 = arith.addi %add3A_515, %select_n3A_548 : vector<16xi32>
    %gt3A_550 = vector.broadcast %squeeze3A_538 : f32 to vector<16xf32>
    %gt3A_551 = arith.cmpf ogt, %gt3A_550, %add3A_17 : vector<16xf32>
    %eq3A_552 = vector.broadcast %squeeze3A_538 : f32 to vector<16xf32>
    %eq3A_553 = arith.cmpf oeq, %eq3A_552, %add3A_17 : vector<16xf32>
    %or3A_554 = arith.ori %gt3A_551, %eq3A_553 : vector<16xi1>
    %select_n3A_555 = arith.select %or3A_554, %broadcast_in_dim3A_29, %broadcast_in_dim3A_31 : vector<16xi1>, vector<16xi32>
    %add3A_556 = arith.addi %add3A_522, %select_n3A_555 : vector<16xi32>
    %gt3A_557 = vector.broadcast %squeeze3A_538 : f32 to vector<16xf32>
    %gt3A_558 = arith.cmpf ogt, %gt3A_557, %add3A_22 : vector<16xf32>
    %eq3A_559 = vector.broadcast %squeeze3A_538 : f32 to vector<16xf32>
    %eq3A_560 = arith.cmpf oeq, %eq3A_559, %add3A_22 : vector<16xf32>
    %or3A_561 = arith.ori %gt3A_558, %eq3A_560 : vector<16xi1>
    %select_n3A_562 = arith.select %or3A_561, %broadcast_in_dim3A_29, %broadcast_in_dim3A_31 : vector<16xi1>, vector<16xi32>
    %add3A_563 = arith.addi %add3A_529, %select_n3A_562 : vector<16xi32>
    %gt3A_564 = vector.broadcast %squeeze3A_538 : f32 to vector<16xf32>
    %gt3A_565 = arith.cmpf ogt, %gt3A_564, %add3A_27 : vector<16xf32>
    %eq3A_566 = vector.broadcast %squeeze3A_538 : f32 to vector<16xf32>
    %eq3A_567 = arith.cmpf oeq, %eq3A_566, %add3A_27 : vector<16xf32>
    %or3A_568 = arith.ori %gt3A_565, %eq3A_567 : vector<16xi1>
    %select_n3A_569 = arith.select %or3A_568, %broadcast_in_dim3A_29, %broadcast_in_dim3A_31 : vector<16xi1>, vector<16xi32>
    %add3A_570 = arith.addi %add3A_536, %select_n3A_569 : vector<16xi32>
    %slice3A_571 = vector.extract_strided_slice %add3A_17 {offsets = [0], sizes = [1], strides = [1]} : vector<16xf32> to vector<1xf32>
    %squeeze3A_572 = vector.extract %slice3A_571[0] : f32 from vector<1xf32>
    %gt3A_573 = arith.constant 0 : i32
    %gt3A_574 = vector.broadcast %gt3A_573 : i32 to vector<16xi32>
    %gt3A_575 = arith.cmpi sgt, %iota3A, %gt3A_574 : vector<16xi32>
    %gt3A_576 = vector.broadcast %squeeze3A_572 : f32 to vector<16xf32>
    %gt3A_577 = arith.cmpf ogt, %gt3A_576, %add3A_12 : vector<16xf32>
    %select_n3A_578 = arith.select %gt3A_577, %broadcast_in_dim3A_29, %broadcast_in_dim3A_31 : vector<16xi1>, vector<16xi32>
    %add3A_579 = arith.addi %add3A_549, %select_n3A_578 : vector<16xi32>
    %gt3A_580 = vector.broadcast %squeeze3A_572 : f32 to vector<16xf32>
    %gt3A_581 = arith.cmpf ogt, %gt3A_580, %add3A_17 : vector<16xf32>
    %eq3A_582 = vector.broadcast %squeeze3A_572 : f32 to vector<16xf32>
    %eq3A_583 = arith.cmpf oeq, %eq3A_582, %add3A_17 : vector<16xf32>
    %and3A_584 = arith.andi %eq3A_583, %gt3A_575 : vector<16xi1>
    %or3A_585 = arith.ori %gt3A_581, %and3A_584 : vector<16xi1>
    %select_n3A_586 = arith.select %or3A_585, %broadcast_in_dim3A_29, %broadcast_in_dim3A_31 : vector<16xi1>, vector<16xi32>
    %add3A_587 = arith.addi %add3A_556, %select_n3A_586 : vector<16xi32>
    %gt3A_588 = vector.broadcast %squeeze3A_572 : f32 to vector<16xf32>
    %gt3A_589 = arith.cmpf ogt, %gt3A_588, %add3A_22 : vector<16xf32>
    %eq3A_590 = vector.broadcast %squeeze3A_572 : f32 to vector<16xf32>
    %eq3A_591 = arith.cmpf oeq, %eq3A_590, %add3A_22 : vector<16xf32>
    %or3A_592 = arith.ori %gt3A_589, %eq3A_591 : vector<16xi1>
    %select_n3A_593 = arith.select %or3A_592, %broadcast_in_dim3A_29, %broadcast_in_dim3A_31 : vector<16xi1>, vector<16xi32>
    %add3A_594 = arith.addi %add3A_563, %select_n3A_593 : vector<16xi32>
    %gt3A_595 = vector.broadcast %squeeze3A_572 : f32 to vector<16xf32>
    %gt3A_596 = arith.cmpf ogt, %gt3A_595, %add3A_27 : vector<16xf32>
    %eq3A_597 = vector.broadcast %squeeze3A_572 : f32 to vector<16xf32>
    %eq3A_598 = arith.cmpf oeq, %eq3A_597, %add3A_27 : vector<16xf32>
    %or3A_599 = arith.ori %gt3A_596, %eq3A_598 : vector<16xi1>
    %select_n3A_600 = arith.select %or3A_599, %broadcast_in_dim3A_29, %broadcast_in_dim3A_31 : vector<16xi1>, vector<16xi32>
    %add3A_601 = arith.addi %add3A_570, %select_n3A_600 : vector<16xi32>
    %slice3A_602 = vector.extract_strided_slice %add3A_17 {offsets = [1], sizes = [1], strides = [1]} : vector<16xf32> to vector<1xf32>
    %squeeze3A_603 = vector.extract %slice3A_602[0] : f32 from vector<1xf32>
    %gt3A_604 = arith.constant 1 : i32
    %gt3A_605 = vector.broadcast %gt3A_604 : i32 to vector<16xi32>
    %gt3A_606 = arith.cmpi sgt, %iota3A, %gt3A_605 : vector<16xi32>
    %gt3A_607 = vector.broadcast %squeeze3A_603 : f32 to vector<16xf32>
    %gt3A_608 = arith.cmpf ogt, %gt3A_607, %add3A_12 : vector<16xf32>
    %select_n3A_609 = arith.select %gt3A_608, %broadcast_in_dim3A_29, %broadcast_in_dim3A_31 : vector<16xi1>, vector<16xi32>
    %add3A_610 = arith.addi %add3A_579, %select_n3A_609 : vector<16xi32>
    %gt3A_611 = vector.broadcast %squeeze3A_603 : f32 to vector<16xf32>
    %gt3A_612 = arith.cmpf ogt, %gt3A_611, %add3A_17 : vector<16xf32>
    %eq3A_613 = vector.broadcast %squeeze3A_603 : f32 to vector<16xf32>
    %eq3A_614 = arith.cmpf oeq, %eq3A_613, %add3A_17 : vector<16xf32>
    %and3A_615 = arith.andi %eq3A_614, %gt3A_606 : vector<16xi1>
    %or3A_616 = arith.ori %gt3A_612, %and3A_615 : vector<16xi1>
    %select_n3A_617 = arith.select %or3A_616, %broadcast_in_dim3A_29, %broadcast_in_dim3A_31 : vector<16xi1>, vector<16xi32>
    %add3A_618 = arith.addi %add3A_587, %select_n3A_617 : vector<16xi32>
    %gt3A_619 = vector.broadcast %squeeze3A_603 : f32 to vector<16xf32>
    %gt3A_620 = arith.cmpf ogt, %gt3A_619, %add3A_22 : vector<16xf32>
    %eq3A_621 = vector.broadcast %squeeze3A_603 : f32 to vector<16xf32>
    %eq3A_622 = arith.cmpf oeq, %eq3A_621, %add3A_22 : vector<16xf32>
    %or3A_623 = arith.ori %gt3A_620, %eq3A_622 : vector<16xi1>
    %select_n3A_624 = arith.select %or3A_623, %broadcast_in_dim3A_29, %broadcast_in_dim3A_31 : vector<16xi1>, vector<16xi32>
    %add3A_625 = arith.addi %add3A_594, %select_n3A_624 : vector<16xi32>
    %gt3A_626 = vector.broadcast %squeeze3A_603 : f32 to vector<16xf32>
    %gt3A_627 = arith.cmpf ogt, %gt3A_626, %add3A_27 : vector<16xf32>
    %eq3A_628 = vector.broadcast %squeeze3A_603 : f32 to vector<16xf32>
    %eq3A_629 = arith.cmpf oeq, %eq3A_628, %add3A_27 : vector<16xf32>
    %or3A_630 = arith.ori %gt3A_627, %eq3A_629 : vector<16xi1>
    %select_n3A_631 = arith.select %or3A_630, %broadcast_in_dim3A_29, %broadcast_in_dim3A_31 : vector<16xi1>, vector<16xi32>
    %add3A_632 = arith.addi %add3A_601, %select_n3A_631 : vector<16xi32>
    %slice3A_633 = vector.extract_strided_slice %add3A_17 {offsets = [2], sizes = [1], strides = [1]} : vector<16xf32> to vector<1xf32>
    %squeeze3A_634 = vector.extract %slice3A_633[0] : f32 from vector<1xf32>
    %gt3A_635 = arith.constant 2 : i32
    %gt3A_636 = vector.broadcast %gt3A_635 : i32 to vector<16xi32>
    %gt3A_637 = arith.cmpi sgt, %iota3A, %gt3A_636 : vector<16xi32>
    %gt3A_638 = vector.broadcast %squeeze3A_634 : f32 to vector<16xf32>
    %gt3A_639 = arith.cmpf ogt, %gt3A_638, %add3A_12 : vector<16xf32>
    %select_n3A_640 = arith.select %gt3A_639, %broadcast_in_dim3A_29, %broadcast_in_dim3A_31 : vector<16xi1>, vector<16xi32>
    %add3A_641 = arith.addi %add3A_610, %select_n3A_640 : vector<16xi32>
    %gt3A_642 = vector.broadcast %squeeze3A_634 : f32 to vector<16xf32>
    %gt3A_643 = arith.cmpf ogt, %gt3A_642, %add3A_17 : vector<16xf32>
    %eq3A_644 = vector.broadcast %squeeze3A_634 : f32 to vector<16xf32>
    %eq3A_645 = arith.cmpf oeq, %eq3A_644, %add3A_17 : vector<16xf32>
    %and3A_646 = arith.andi %eq3A_645, %gt3A_637 : vector<16xi1>
    %or3A_647 = arith.ori %gt3A_643, %and3A_646 : vector<16xi1>
    %select_n3A_648 = arith.select %or3A_647, %broadcast_in_dim3A_29, %broadcast_in_dim3A_31 : vector<16xi1>, vector<16xi32>
    %add3A_649 = arith.addi %add3A_618, %select_n3A_648 : vector<16xi32>
    %gt3A_650 = vector.broadcast %squeeze3A_634 : f32 to vector<16xf32>
    %gt3A_651 = arith.cmpf ogt, %gt3A_650, %add3A_22 : vector<16xf32>
    %eq3A_652 = vector.broadcast %squeeze3A_634 : f32 to vector<16xf32>
    %eq3A_653 = arith.cmpf oeq, %eq3A_652, %add3A_22 : vector<16xf32>
    %or3A_654 = arith.ori %gt3A_651, %eq3A_653 : vector<16xi1>
    %select_n3A_655 = arith.select %or3A_654, %broadcast_in_dim3A_29, %broadcast_in_dim3A_31 : vector<16xi1>, vector<16xi32>
    %add3A_656 = arith.addi %add3A_625, %select_n3A_655 : vector<16xi32>
    %gt3A_657 = vector.broadcast %squeeze3A_634 : f32 to vector<16xf32>
    %gt3A_658 = arith.cmpf ogt, %gt3A_657, %add3A_27 : vector<16xf32>
    %eq3A_659 = vector.broadcast %squeeze3A_634 : f32 to vector<16xf32>
    %eq3A_660 = arith.cmpf oeq, %eq3A_659, %add3A_27 : vector<16xf32>
    %or3A_661 = arith.ori %gt3A_658, %eq3A_660 : vector<16xi1>
    %select_n3A_662 = arith.select %or3A_661, %broadcast_in_dim3A_29, %broadcast_in_dim3A_31 : vector<16xi1>, vector<16xi32>
    %add3A_663 = arith.addi %add3A_632, %select_n3A_662 : vector<16xi32>
    %slice3A_664 = vector.extract_strided_slice %add3A_17 {offsets = [3], sizes = [1], strides = [1]} : vector<16xf32> to vector<1xf32>
    %squeeze3A_665 = vector.extract %slice3A_664[0] : f32 from vector<1xf32>
    %gt3A_666 = arith.constant 3 : i32
    %gt3A_667 = vector.broadcast %gt3A_666 : i32 to vector<16xi32>
    %gt3A_668 = arith.cmpi sgt, %iota3A, %gt3A_667 : vector<16xi32>
    %gt3A_669 = vector.broadcast %squeeze3A_665 : f32 to vector<16xf32>
    %gt3A_670 = arith.cmpf ogt, %gt3A_669, %add3A_12 : vector<16xf32>
    %select_n3A_671 = arith.select %gt3A_670, %broadcast_in_dim3A_29, %broadcast_in_dim3A_31 : vector<16xi1>, vector<16xi32>
    %add3A_672 = arith.addi %add3A_641, %select_n3A_671 : vector<16xi32>
    %gt3A_673 = vector.broadcast %squeeze3A_665 : f32 to vector<16xf32>
    %gt3A_674 = arith.cmpf ogt, %gt3A_673, %add3A_17 : vector<16xf32>
    %eq3A_675 = vector.broadcast %squeeze3A_665 : f32 to vector<16xf32>
    %eq3A_676 = arith.cmpf oeq, %eq3A_675, %add3A_17 : vector<16xf32>
    %and3A_677 = arith.andi %eq3A_676, %gt3A_668 : vector<16xi1>
    %or3A_678 = arith.ori %gt3A_674, %and3A_677 : vector<16xi1>
    %select_n3A_679 = arith.select %or3A_678, %broadcast_in_dim3A_29, %broadcast_in_dim3A_31 : vector<16xi1>, vector<16xi32>
    %add3A_680 = arith.addi %add3A_649, %select_n3A_679 : vector<16xi32>
    %gt3A_681 = vector.broadcast %squeeze3A_665 : f32 to vector<16xf32>
    %gt3A_682 = arith.cmpf ogt, %gt3A_681, %add3A_22 : vector<16xf32>
    %eq3A_683 = vector.broadcast %squeeze3A_665 : f32 to vector<16xf32>
    %eq3A_684 = arith.cmpf oeq, %eq3A_683, %add3A_22 : vector<16xf32>
    %or3A_685 = arith.ori %gt3A_682, %eq3A_684 : vector<16xi1>
    %select_n3A_686 = arith.select %or3A_685, %broadcast_in_dim3A_29, %broadcast_in_dim3A_31 : vector<16xi1>, vector<16xi32>
    %add3A_687 = arith.addi %add3A_656, %select_n3A_686 : vector<16xi32>
    %gt3A_688 = vector.broadcast %squeeze3A_665 : f32 to vector<16xf32>
    %gt3A_689 = arith.cmpf ogt, %gt3A_688, %add3A_27 : vector<16xf32>
    %eq3A_690 = vector.broadcast %squeeze3A_665 : f32 to vector<16xf32>
    %eq3A_691 = arith.cmpf oeq, %eq3A_690, %add3A_27 : vector<16xf32>
    %or3A_692 = arith.ori %gt3A_689, %eq3A_691 : vector<16xi1>
    %select_n3A_693 = arith.select %or3A_692, %broadcast_in_dim3A_29, %broadcast_in_dim3A_31 : vector<16xi1>, vector<16xi32>
    %add3A_694 = arith.addi %add3A_663, %select_n3A_693 : vector<16xi32>
    %slice3A_695 = vector.extract_strided_slice %add3A_17 {offsets = [4], sizes = [1], strides = [1]} : vector<16xf32> to vector<1xf32>
    %squeeze3A_696 = vector.extract %slice3A_695[0] : f32 from vector<1xf32>
    %gt3A_697 = arith.constant 4 : i32
    %gt3A_698 = vector.broadcast %gt3A_697 : i32 to vector<16xi32>
    %gt3A_699 = arith.cmpi sgt, %iota3A, %gt3A_698 : vector<16xi32>
    %gt3A_700 = vector.broadcast %squeeze3A_696 : f32 to vector<16xf32>
    %gt3A_701 = arith.cmpf ogt, %gt3A_700, %add3A_12 : vector<16xf32>
    %select_n3A_702 = arith.select %gt3A_701, %broadcast_in_dim3A_29, %broadcast_in_dim3A_31 : vector<16xi1>, vector<16xi32>
    %add3A_703 = arith.addi %add3A_672, %select_n3A_702 : vector<16xi32>
    %gt3A_704 = vector.broadcast %squeeze3A_696 : f32 to vector<16xf32>
    %gt3A_705 = arith.cmpf ogt, %gt3A_704, %add3A_17 : vector<16xf32>
    %eq3A_706 = vector.broadcast %squeeze3A_696 : f32 to vector<16xf32>
    %eq3A_707 = arith.cmpf oeq, %eq3A_706, %add3A_17 : vector<16xf32>
    %and3A_708 = arith.andi %eq3A_707, %gt3A_699 : vector<16xi1>
    %or3A_709 = arith.ori %gt3A_705, %and3A_708 : vector<16xi1>
    %select_n3A_710 = arith.select %or3A_709, %broadcast_in_dim3A_29, %broadcast_in_dim3A_31 : vector<16xi1>, vector<16xi32>
    %add3A_711 = arith.addi %add3A_680, %select_n3A_710 : vector<16xi32>
    %gt3A_712 = vector.broadcast %squeeze3A_696 : f32 to vector<16xf32>
    %gt3A_713 = arith.cmpf ogt, %gt3A_712, %add3A_22 : vector<16xf32>
    %eq3A_714 = vector.broadcast %squeeze3A_696 : f32 to vector<16xf32>
    %eq3A_715 = arith.cmpf oeq, %eq3A_714, %add3A_22 : vector<16xf32>
    %or3A_716 = arith.ori %gt3A_713, %eq3A_715 : vector<16xi1>
    %select_n3A_717 = arith.select %or3A_716, %broadcast_in_dim3A_29, %broadcast_in_dim3A_31 : vector<16xi1>, vector<16xi32>
    %add3A_718 = arith.addi %add3A_687, %select_n3A_717 : vector<16xi32>
    %gt3A_719 = vector.broadcast %squeeze3A_696 : f32 to vector<16xf32>
    %gt3A_720 = arith.cmpf ogt, %gt3A_719, %add3A_27 : vector<16xf32>
    %eq3A_721 = vector.broadcast %squeeze3A_696 : f32 to vector<16xf32>
    %eq3A_722 = arith.cmpf oeq, %eq3A_721, %add3A_27 : vector<16xf32>
    %or3A_723 = arith.ori %gt3A_720, %eq3A_722 : vector<16xi1>
    %select_n3A_724 = arith.select %or3A_723, %broadcast_in_dim3A_29, %broadcast_in_dim3A_31 : vector<16xi1>, vector<16xi32>
    %add3A_725 = arith.addi %add3A_694, %select_n3A_724 : vector<16xi32>
    %slice3A_726 = vector.extract_strided_slice %add3A_17 {offsets = [5], sizes = [1], strides = [1]} : vector<16xf32> to vector<1xf32>
    %squeeze3A_727 = vector.extract %slice3A_726[0] : f32 from vector<1xf32>
    %gt3A_728 = arith.constant 5 : i32
    %gt3A_729 = vector.broadcast %gt3A_728 : i32 to vector<16xi32>
    %gt3A_730 = arith.cmpi sgt, %iota3A, %gt3A_729 : vector<16xi32>
    %gt3A_731 = vector.broadcast %squeeze3A_727 : f32 to vector<16xf32>
    %gt3A_732 = arith.cmpf ogt, %gt3A_731, %add3A_12 : vector<16xf32>
    %select_n3A_733 = arith.select %gt3A_732, %broadcast_in_dim3A_29, %broadcast_in_dim3A_31 : vector<16xi1>, vector<16xi32>
    %add3A_734 = arith.addi %add3A_703, %select_n3A_733 : vector<16xi32>
    %gt3A_735 = vector.broadcast %squeeze3A_727 : f32 to vector<16xf32>
    %gt3A_736 = arith.cmpf ogt, %gt3A_735, %add3A_17 : vector<16xf32>
    %eq3A_737 = vector.broadcast %squeeze3A_727 : f32 to vector<16xf32>
    %eq3A_738 = arith.cmpf oeq, %eq3A_737, %add3A_17 : vector<16xf32>
    %and3A_739 = arith.andi %eq3A_738, %gt3A_730 : vector<16xi1>
    %or3A_740 = arith.ori %gt3A_736, %and3A_739 : vector<16xi1>
    %select_n3A_741 = arith.select %or3A_740, %broadcast_in_dim3A_29, %broadcast_in_dim3A_31 : vector<16xi1>, vector<16xi32>
    %add3A_742 = arith.addi %add3A_711, %select_n3A_741 : vector<16xi32>
    %gt3A_743 = vector.broadcast %squeeze3A_727 : f32 to vector<16xf32>
    %gt3A_744 = arith.cmpf ogt, %gt3A_743, %add3A_22 : vector<16xf32>
    %eq3A_745 = vector.broadcast %squeeze3A_727 : f32 to vector<16xf32>
    %eq3A_746 = arith.cmpf oeq, %eq3A_745, %add3A_22 : vector<16xf32>
    %or3A_747 = arith.ori %gt3A_744, %eq3A_746 : vector<16xi1>
    %select_n3A_748 = arith.select %or3A_747, %broadcast_in_dim3A_29, %broadcast_in_dim3A_31 : vector<16xi1>, vector<16xi32>
    %add3A_749 = arith.addi %add3A_718, %select_n3A_748 : vector<16xi32>
    %gt3A_750 = vector.broadcast %squeeze3A_727 : f32 to vector<16xf32>
    %gt3A_751 = arith.cmpf ogt, %gt3A_750, %add3A_27 : vector<16xf32>
    %eq3A_752 = vector.broadcast %squeeze3A_727 : f32 to vector<16xf32>
    %eq3A_753 = arith.cmpf oeq, %eq3A_752, %add3A_27 : vector<16xf32>
    %or3A_754 = arith.ori %gt3A_751, %eq3A_753 : vector<16xi1>
    %select_n3A_755 = arith.select %or3A_754, %broadcast_in_dim3A_29, %broadcast_in_dim3A_31 : vector<16xi1>, vector<16xi32>
    %add3A_756 = arith.addi %add3A_725, %select_n3A_755 : vector<16xi32>
    %slice3A_757 = vector.extract_strided_slice %add3A_17 {offsets = [6], sizes = [1], strides = [1]} : vector<16xf32> to vector<1xf32>
    %squeeze3A_758 = vector.extract %slice3A_757[0] : f32 from vector<1xf32>
    %gt3A_759 = arith.constant 6 : i32
    %gt3A_760 = vector.broadcast %gt3A_759 : i32 to vector<16xi32>
    %gt3A_761 = arith.cmpi sgt, %iota3A, %gt3A_760 : vector<16xi32>
    %gt3A_762 = vector.broadcast %squeeze3A_758 : f32 to vector<16xf32>
    %gt3A_763 = arith.cmpf ogt, %gt3A_762, %add3A_12 : vector<16xf32>
    %select_n3A_764 = arith.select %gt3A_763, %broadcast_in_dim3A_29, %broadcast_in_dim3A_31 : vector<16xi1>, vector<16xi32>
    %add3A_765 = arith.addi %add3A_734, %select_n3A_764 : vector<16xi32>
    %gt3A_766 = vector.broadcast %squeeze3A_758 : f32 to vector<16xf32>
    %gt3A_767 = arith.cmpf ogt, %gt3A_766, %add3A_17 : vector<16xf32>
    %eq3A_768 = vector.broadcast %squeeze3A_758 : f32 to vector<16xf32>
    %eq3A_769 = arith.cmpf oeq, %eq3A_768, %add3A_17 : vector<16xf32>
    %and3A_770 = arith.andi %eq3A_769, %gt3A_761 : vector<16xi1>
    %or3A_771 = arith.ori %gt3A_767, %and3A_770 : vector<16xi1>
    %select_n3A_772 = arith.select %or3A_771, %broadcast_in_dim3A_29, %broadcast_in_dim3A_31 : vector<16xi1>, vector<16xi32>
    %add3A_773 = arith.addi %add3A_742, %select_n3A_772 : vector<16xi32>
    %gt3A_774 = vector.broadcast %squeeze3A_758 : f32 to vector<16xf32>
    %gt3A_775 = arith.cmpf ogt, %gt3A_774, %add3A_22 : vector<16xf32>
    %eq3A_776 = vector.broadcast %squeeze3A_758 : f32 to vector<16xf32>
    %eq3A_777 = arith.cmpf oeq, %eq3A_776, %add3A_22 : vector<16xf32>
    %or3A_778 = arith.ori %gt3A_775, %eq3A_777 : vector<16xi1>
    %select_n3A_779 = arith.select %or3A_778, %broadcast_in_dim3A_29, %broadcast_in_dim3A_31 : vector<16xi1>, vector<16xi32>
    %add3A_780 = arith.addi %add3A_749, %select_n3A_779 : vector<16xi32>
    %gt3A_781 = vector.broadcast %squeeze3A_758 : f32 to vector<16xf32>
    %gt3A_782 = arith.cmpf ogt, %gt3A_781, %add3A_27 : vector<16xf32>
    %eq3A_783 = vector.broadcast %squeeze3A_758 : f32 to vector<16xf32>
    %eq3A_784 = arith.cmpf oeq, %eq3A_783, %add3A_27 : vector<16xf32>
    %or3A_785 = arith.ori %gt3A_782, %eq3A_784 : vector<16xi1>
    %select_n3A_786 = arith.select %or3A_785, %broadcast_in_dim3A_29, %broadcast_in_dim3A_31 : vector<16xi1>, vector<16xi32>
    %add3A_787 = arith.addi %add3A_756, %select_n3A_786 : vector<16xi32>
    %slice3A_788 = vector.extract_strided_slice %add3A_17 {offsets = [7], sizes = [1], strides = [1]} : vector<16xf32> to vector<1xf32>
    %squeeze3A_789 = vector.extract %slice3A_788[0] : f32 from vector<1xf32>
    %gt3A_790 = arith.constant 7 : i32
    %gt3A_791 = vector.broadcast %gt3A_790 : i32 to vector<16xi32>
    %gt3A_792 = arith.cmpi sgt, %iota3A, %gt3A_791 : vector<16xi32>
    %gt3A_793 = vector.broadcast %squeeze3A_789 : f32 to vector<16xf32>
    %gt3A_794 = arith.cmpf ogt, %gt3A_793, %add3A_12 : vector<16xf32>
    %select_n3A_795 = arith.select %gt3A_794, %broadcast_in_dim3A_29, %broadcast_in_dim3A_31 : vector<16xi1>, vector<16xi32>
    %add3A_796 = arith.addi %add3A_765, %select_n3A_795 : vector<16xi32>
    %gt3A_797 = vector.broadcast %squeeze3A_789 : f32 to vector<16xf32>
    %gt3A_798 = arith.cmpf ogt, %gt3A_797, %add3A_17 : vector<16xf32>
    %eq3A_799 = vector.broadcast %squeeze3A_789 : f32 to vector<16xf32>
    %eq3A_800 = arith.cmpf oeq, %eq3A_799, %add3A_17 : vector<16xf32>
    %and3A_801 = arith.andi %eq3A_800, %gt3A_792 : vector<16xi1>
    %or3A_802 = arith.ori %gt3A_798, %and3A_801 : vector<16xi1>
    %select_n3A_803 = arith.select %or3A_802, %broadcast_in_dim3A_29, %broadcast_in_dim3A_31 : vector<16xi1>, vector<16xi32>
    %add3A_804 = arith.addi %add3A_773, %select_n3A_803 : vector<16xi32>
    %gt3A_805 = vector.broadcast %squeeze3A_789 : f32 to vector<16xf32>
    %gt3A_806 = arith.cmpf ogt, %gt3A_805, %add3A_22 : vector<16xf32>
    %eq3A_807 = vector.broadcast %squeeze3A_789 : f32 to vector<16xf32>
    %eq3A_808 = arith.cmpf oeq, %eq3A_807, %add3A_22 : vector<16xf32>
    %or3A_809 = arith.ori %gt3A_806, %eq3A_808 : vector<16xi1>
    %select_n3A_810 = arith.select %or3A_809, %broadcast_in_dim3A_29, %broadcast_in_dim3A_31 : vector<16xi1>, vector<16xi32>
    %add3A_811 = arith.addi %add3A_780, %select_n3A_810 : vector<16xi32>
    %gt3A_812 = vector.broadcast %squeeze3A_789 : f32 to vector<16xf32>
    %gt3A_813 = arith.cmpf ogt, %gt3A_812, %add3A_27 : vector<16xf32>
    %eq3A_814 = vector.broadcast %squeeze3A_789 : f32 to vector<16xf32>
    %eq3A_815 = arith.cmpf oeq, %eq3A_814, %add3A_27 : vector<16xf32>
    %or3A_816 = arith.ori %gt3A_813, %eq3A_815 : vector<16xi1>
    %select_n3A_817 = arith.select %or3A_816, %broadcast_in_dim3A_29, %broadcast_in_dim3A_31 : vector<16xi1>, vector<16xi32>
    %add3A_818 = arith.addi %add3A_787, %select_n3A_817 : vector<16xi32>
    %slice3A_819 = vector.extract_strided_slice %add3A_17 {offsets = [8], sizes = [1], strides = [1]} : vector<16xf32> to vector<1xf32>
    %squeeze3A_820 = vector.extract %slice3A_819[0] : f32 from vector<1xf32>
    %gt3A_821 = arith.constant 8 : i32
    %gt3A_822 = vector.broadcast %gt3A_821 : i32 to vector<16xi32>
    %gt3A_823 = arith.cmpi sgt, %iota3A, %gt3A_822 : vector<16xi32>
    %gt3A_824 = vector.broadcast %squeeze3A_820 : f32 to vector<16xf32>
    %gt3A_825 = arith.cmpf ogt, %gt3A_824, %add3A_12 : vector<16xf32>
    %select_n3A_826 = arith.select %gt3A_825, %broadcast_in_dim3A_29, %broadcast_in_dim3A_31 : vector<16xi1>, vector<16xi32>
    %add3A_827 = arith.addi %add3A_796, %select_n3A_826 : vector<16xi32>
    %gt3A_828 = vector.broadcast %squeeze3A_820 : f32 to vector<16xf32>
    %gt3A_829 = arith.cmpf ogt, %gt3A_828, %add3A_17 : vector<16xf32>
    %eq3A_830 = vector.broadcast %squeeze3A_820 : f32 to vector<16xf32>
    %eq3A_831 = arith.cmpf oeq, %eq3A_830, %add3A_17 : vector<16xf32>
    %and3A_832 = arith.andi %eq3A_831, %gt3A_823 : vector<16xi1>
    %or3A_833 = arith.ori %gt3A_829, %and3A_832 : vector<16xi1>
    %select_n3A_834 = arith.select %or3A_833, %broadcast_in_dim3A_29, %broadcast_in_dim3A_31 : vector<16xi1>, vector<16xi32>
    %add3A_835 = arith.addi %add3A_804, %select_n3A_834 : vector<16xi32>
    %gt3A_836 = vector.broadcast %squeeze3A_820 : f32 to vector<16xf32>
    %gt3A_837 = arith.cmpf ogt, %gt3A_836, %add3A_22 : vector<16xf32>
    %eq3A_838 = vector.broadcast %squeeze3A_820 : f32 to vector<16xf32>
    %eq3A_839 = arith.cmpf oeq, %eq3A_838, %add3A_22 : vector<16xf32>
    %or3A_840 = arith.ori %gt3A_837, %eq3A_839 : vector<16xi1>
    %select_n3A_841 = arith.select %or3A_840, %broadcast_in_dim3A_29, %broadcast_in_dim3A_31 : vector<16xi1>, vector<16xi32>
    %add3A_842 = arith.addi %add3A_811, %select_n3A_841 : vector<16xi32>
    %gt3A_843 = vector.broadcast %squeeze3A_820 : f32 to vector<16xf32>
    %gt3A_844 = arith.cmpf ogt, %gt3A_843, %add3A_27 : vector<16xf32>
    %eq3A_845 = vector.broadcast %squeeze3A_820 : f32 to vector<16xf32>
    %eq3A_846 = arith.cmpf oeq, %eq3A_845, %add3A_27 : vector<16xf32>
    %or3A_847 = arith.ori %gt3A_844, %eq3A_846 : vector<16xi1>
    %select_n3A_848 = arith.select %or3A_847, %broadcast_in_dim3A_29, %broadcast_in_dim3A_31 : vector<16xi1>, vector<16xi32>
    %add3A_849 = arith.addi %add3A_818, %select_n3A_848 : vector<16xi32>
    %slice3A_850 = vector.extract_strided_slice %add3A_17 {offsets = [9], sizes = [1], strides = [1]} : vector<16xf32> to vector<1xf32>
    %squeeze3A_851 = vector.extract %slice3A_850[0] : f32 from vector<1xf32>
    %gt3A_852 = arith.constant 9 : i32
    %gt3A_853 = vector.broadcast %gt3A_852 : i32 to vector<16xi32>
    %gt3A_854 = arith.cmpi sgt, %iota3A, %gt3A_853 : vector<16xi32>
    %gt3A_855 = vector.broadcast %squeeze3A_851 : f32 to vector<16xf32>
    %gt3A_856 = arith.cmpf ogt, %gt3A_855, %add3A_12 : vector<16xf32>
    %select_n3A_857 = arith.select %gt3A_856, %broadcast_in_dim3A_29, %broadcast_in_dim3A_31 : vector<16xi1>, vector<16xi32>
    %add3A_858 = arith.addi %add3A_827, %select_n3A_857 : vector<16xi32>
    %gt3A_859 = vector.broadcast %squeeze3A_851 : f32 to vector<16xf32>
    %gt3A_860 = arith.cmpf ogt, %gt3A_859, %add3A_17 : vector<16xf32>
    %eq3A_861 = vector.broadcast %squeeze3A_851 : f32 to vector<16xf32>
    %eq3A_862 = arith.cmpf oeq, %eq3A_861, %add3A_17 : vector<16xf32>
    %and3A_863 = arith.andi %eq3A_862, %gt3A_854 : vector<16xi1>
    %or3A_864 = arith.ori %gt3A_860, %and3A_863 : vector<16xi1>
    %select_n3A_865 = arith.select %or3A_864, %broadcast_in_dim3A_29, %broadcast_in_dim3A_31 : vector<16xi1>, vector<16xi32>
    %add3A_866 = arith.addi %add3A_835, %select_n3A_865 : vector<16xi32>
    %gt3A_867 = vector.broadcast %squeeze3A_851 : f32 to vector<16xf32>
    %gt3A_868 = arith.cmpf ogt, %gt3A_867, %add3A_22 : vector<16xf32>
    %eq3A_869 = vector.broadcast %squeeze3A_851 : f32 to vector<16xf32>
    %eq3A_870 = arith.cmpf oeq, %eq3A_869, %add3A_22 : vector<16xf32>
    %or3A_871 = arith.ori %gt3A_868, %eq3A_870 : vector<16xi1>
    %select_n3A_872 = arith.select %or3A_871, %broadcast_in_dim3A_29, %broadcast_in_dim3A_31 : vector<16xi1>, vector<16xi32>
    %add3A_873 = arith.addi %add3A_842, %select_n3A_872 : vector<16xi32>
    %gt3A_874 = vector.broadcast %squeeze3A_851 : f32 to vector<16xf32>
    %gt3A_875 = arith.cmpf ogt, %gt3A_874, %add3A_27 : vector<16xf32>
    %eq3A_876 = vector.broadcast %squeeze3A_851 : f32 to vector<16xf32>
    %eq3A_877 = arith.cmpf oeq, %eq3A_876, %add3A_27 : vector<16xf32>
    %or3A_878 = arith.ori %gt3A_875, %eq3A_877 : vector<16xi1>
    %select_n3A_879 = arith.select %or3A_878, %broadcast_in_dim3A_29, %broadcast_in_dim3A_31 : vector<16xi1>, vector<16xi32>
    %add3A_880 = arith.addi %add3A_849, %select_n3A_879 : vector<16xi32>
    %slice3A_881 = vector.extract_strided_slice %add3A_17 {offsets = [10], sizes = [1], strides = [1]} : vector<16xf32> to vector<1xf32>
    %squeeze3A_882 = vector.extract %slice3A_881[0] : f32 from vector<1xf32>
    %gt3A_883 = arith.constant 10 : i32
    %gt3A_884 = vector.broadcast %gt3A_883 : i32 to vector<16xi32>
    %gt3A_885 = arith.cmpi sgt, %iota3A, %gt3A_884 : vector<16xi32>
    %gt3A_886 = vector.broadcast %squeeze3A_882 : f32 to vector<16xf32>
    %gt3A_887 = arith.cmpf ogt, %gt3A_886, %add3A_12 : vector<16xf32>
    %select_n3A_888 = arith.select %gt3A_887, %broadcast_in_dim3A_29, %broadcast_in_dim3A_31 : vector<16xi1>, vector<16xi32>
    %add3A_889 = arith.addi %add3A_858, %select_n3A_888 : vector<16xi32>
    %gt3A_890 = vector.broadcast %squeeze3A_882 : f32 to vector<16xf32>
    %gt3A_891 = arith.cmpf ogt, %gt3A_890, %add3A_17 : vector<16xf32>
    %eq3A_892 = vector.broadcast %squeeze3A_882 : f32 to vector<16xf32>
    %eq3A_893 = arith.cmpf oeq, %eq3A_892, %add3A_17 : vector<16xf32>
    %and3A_894 = arith.andi %eq3A_893, %gt3A_885 : vector<16xi1>
    %or3A_895 = arith.ori %gt3A_891, %and3A_894 : vector<16xi1>
    %select_n3A_896 = arith.select %or3A_895, %broadcast_in_dim3A_29, %broadcast_in_dim3A_31 : vector<16xi1>, vector<16xi32>
    %add3A_897 = arith.addi %add3A_866, %select_n3A_896 : vector<16xi32>
    %gt3A_898 = vector.broadcast %squeeze3A_882 : f32 to vector<16xf32>
    %gt3A_899 = arith.cmpf ogt, %gt3A_898, %add3A_22 : vector<16xf32>
    %eq3A_900 = vector.broadcast %squeeze3A_882 : f32 to vector<16xf32>
    %eq3A_901 = arith.cmpf oeq, %eq3A_900, %add3A_22 : vector<16xf32>
    %or3A_902 = arith.ori %gt3A_899, %eq3A_901 : vector<16xi1>
    %select_n3A_903 = arith.select %or3A_902, %broadcast_in_dim3A_29, %broadcast_in_dim3A_31 : vector<16xi1>, vector<16xi32>
    %add3A_904 = arith.addi %add3A_873, %select_n3A_903 : vector<16xi32>
    %gt3A_905 = vector.broadcast %squeeze3A_882 : f32 to vector<16xf32>
    %gt3A_906 = arith.cmpf ogt, %gt3A_905, %add3A_27 : vector<16xf32>
    %eq3A_907 = vector.broadcast %squeeze3A_882 : f32 to vector<16xf32>
    %eq3A_908 = arith.cmpf oeq, %eq3A_907, %add3A_27 : vector<16xf32>
    %or3A_909 = arith.ori %gt3A_906, %eq3A_908 : vector<16xi1>
    %select_n3A_910 = arith.select %or3A_909, %broadcast_in_dim3A_29, %broadcast_in_dim3A_31 : vector<16xi1>, vector<16xi32>
    %add3A_911 = arith.addi %add3A_880, %select_n3A_910 : vector<16xi32>
    %slice3A_912 = vector.extract_strided_slice %add3A_17 {offsets = [11], sizes = [1], strides = [1]} : vector<16xf32> to vector<1xf32>
    %squeeze3A_913 = vector.extract %slice3A_912[0] : f32 from vector<1xf32>
    %gt3A_914 = arith.constant 11 : i32
    %gt3A_915 = vector.broadcast %gt3A_914 : i32 to vector<16xi32>
    %gt3A_916 = arith.cmpi sgt, %iota3A, %gt3A_915 : vector<16xi32>
    %gt3A_917 = vector.broadcast %squeeze3A_913 : f32 to vector<16xf32>
    %gt3A_918 = arith.cmpf ogt, %gt3A_917, %add3A_12 : vector<16xf32>
    %select_n3A_919 = arith.select %gt3A_918, %broadcast_in_dim3A_29, %broadcast_in_dim3A_31 : vector<16xi1>, vector<16xi32>
    %add3A_920 = arith.addi %add3A_889, %select_n3A_919 : vector<16xi32>
    %gt3A_921 = vector.broadcast %squeeze3A_913 : f32 to vector<16xf32>
    %gt3A_922 = arith.cmpf ogt, %gt3A_921, %add3A_17 : vector<16xf32>
    %eq3A_923 = vector.broadcast %squeeze3A_913 : f32 to vector<16xf32>
    %eq3A_924 = arith.cmpf oeq, %eq3A_923, %add3A_17 : vector<16xf32>
    %and3A_925 = arith.andi %eq3A_924, %gt3A_916 : vector<16xi1>
    %or3A_926 = arith.ori %gt3A_922, %and3A_925 : vector<16xi1>
    %select_n3A_927 = arith.select %or3A_926, %broadcast_in_dim3A_29, %broadcast_in_dim3A_31 : vector<16xi1>, vector<16xi32>
    %add3A_928 = arith.addi %add3A_897, %select_n3A_927 : vector<16xi32>
    %gt3A_929 = vector.broadcast %squeeze3A_913 : f32 to vector<16xf32>
    %gt3A_930 = arith.cmpf ogt, %gt3A_929, %add3A_22 : vector<16xf32>
    %eq3A_931 = vector.broadcast %squeeze3A_913 : f32 to vector<16xf32>
    %eq3A_932 = arith.cmpf oeq, %eq3A_931, %add3A_22 : vector<16xf32>
    %or3A_933 = arith.ori %gt3A_930, %eq3A_932 : vector<16xi1>
    %select_n3A_934 = arith.select %or3A_933, %broadcast_in_dim3A_29, %broadcast_in_dim3A_31 : vector<16xi1>, vector<16xi32>
    %add3A_935 = arith.addi %add3A_904, %select_n3A_934 : vector<16xi32>
    %gt3A_936 = vector.broadcast %squeeze3A_913 : f32 to vector<16xf32>
    %gt3A_937 = arith.cmpf ogt, %gt3A_936, %add3A_27 : vector<16xf32>
    %eq3A_938 = vector.broadcast %squeeze3A_913 : f32 to vector<16xf32>
    %eq3A_939 = arith.cmpf oeq, %eq3A_938, %add3A_27 : vector<16xf32>
    %or3A_940 = arith.ori %gt3A_937, %eq3A_939 : vector<16xi1>
    %select_n3A_941 = arith.select %or3A_940, %broadcast_in_dim3A_29, %broadcast_in_dim3A_31 : vector<16xi1>, vector<16xi32>
    %add3A_942 = arith.addi %add3A_911, %select_n3A_941 : vector<16xi32>
    %slice3A_943 = vector.extract_strided_slice %add3A_17 {offsets = [12], sizes = [1], strides = [1]} : vector<16xf32> to vector<1xf32>
    %squeeze3A_944 = vector.extract %slice3A_943[0] : f32 from vector<1xf32>
    %gt3A_945 = arith.constant 12 : i32
    %gt3A_946 = vector.broadcast %gt3A_945 : i32 to vector<16xi32>
    %gt3A_947 = arith.cmpi sgt, %iota3A, %gt3A_946 : vector<16xi32>
    %gt3A_948 = vector.broadcast %squeeze3A_944 : f32 to vector<16xf32>
    %gt3A_949 = arith.cmpf ogt, %gt3A_948, %add3A_12 : vector<16xf32>
    %select_n3A_950 = arith.select %gt3A_949, %broadcast_in_dim3A_29, %broadcast_in_dim3A_31 : vector<16xi1>, vector<16xi32>
    %add3A_951 = arith.addi %add3A_920, %select_n3A_950 : vector<16xi32>
    %gt3A_952 = vector.broadcast %squeeze3A_944 : f32 to vector<16xf32>
    %gt3A_953 = arith.cmpf ogt, %gt3A_952, %add3A_17 : vector<16xf32>
    %eq3A_954 = vector.broadcast %squeeze3A_944 : f32 to vector<16xf32>
    %eq3A_955 = arith.cmpf oeq, %eq3A_954, %add3A_17 : vector<16xf32>
    %and3A_956 = arith.andi %eq3A_955, %gt3A_947 : vector<16xi1>
    %or3A_957 = arith.ori %gt3A_953, %and3A_956 : vector<16xi1>
    %select_n3A_958 = arith.select %or3A_957, %broadcast_in_dim3A_29, %broadcast_in_dim3A_31 : vector<16xi1>, vector<16xi32>
    %add3A_959 = arith.addi %add3A_928, %select_n3A_958 : vector<16xi32>
    %gt3A_960 = vector.broadcast %squeeze3A_944 : f32 to vector<16xf32>
    %gt3A_961 = arith.cmpf ogt, %gt3A_960, %add3A_22 : vector<16xf32>
    %eq3A_962 = vector.broadcast %squeeze3A_944 : f32 to vector<16xf32>
    %eq3A_963 = arith.cmpf oeq, %eq3A_962, %add3A_22 : vector<16xf32>
    %or3A_964 = arith.ori %gt3A_961, %eq3A_963 : vector<16xi1>
    %select_n3A_965 = arith.select %or3A_964, %broadcast_in_dim3A_29, %broadcast_in_dim3A_31 : vector<16xi1>, vector<16xi32>
    %add3A_966 = arith.addi %add3A_935, %select_n3A_965 : vector<16xi32>
    %gt3A_967 = vector.broadcast %squeeze3A_944 : f32 to vector<16xf32>
    %gt3A_968 = arith.cmpf ogt, %gt3A_967, %add3A_27 : vector<16xf32>
    %eq3A_969 = vector.broadcast %squeeze3A_944 : f32 to vector<16xf32>
    %eq3A_970 = arith.cmpf oeq, %eq3A_969, %add3A_27 : vector<16xf32>
    %or3A_971 = arith.ori %gt3A_968, %eq3A_970 : vector<16xi1>
    %select_n3A_972 = arith.select %or3A_971, %broadcast_in_dim3A_29, %broadcast_in_dim3A_31 : vector<16xi1>, vector<16xi32>
    %add3A_973 = arith.addi %add3A_942, %select_n3A_972 : vector<16xi32>
    %slice3A_974 = vector.extract_strided_slice %add3A_17 {offsets = [13], sizes = [1], strides = [1]} : vector<16xf32> to vector<1xf32>
    %squeeze3A_975 = vector.extract %slice3A_974[0] : f32 from vector<1xf32>
    %gt3A_976 = arith.constant 13 : i32
    %gt3A_977 = vector.broadcast %gt3A_976 : i32 to vector<16xi32>
    %gt3A_978 = arith.cmpi sgt, %iota3A, %gt3A_977 : vector<16xi32>
    %gt3A_979 = vector.broadcast %squeeze3A_975 : f32 to vector<16xf32>
    %gt3A_980 = arith.cmpf ogt, %gt3A_979, %add3A_12 : vector<16xf32>
    %select_n3A_981 = arith.select %gt3A_980, %broadcast_in_dim3A_29, %broadcast_in_dim3A_31 : vector<16xi1>, vector<16xi32>
    %add3A_982 = arith.addi %add3A_951, %select_n3A_981 : vector<16xi32>
    %gt3A_983 = vector.broadcast %squeeze3A_975 : f32 to vector<16xf32>
    %gt3A_984 = arith.cmpf ogt, %gt3A_983, %add3A_17 : vector<16xf32>
    %eq3A_985 = vector.broadcast %squeeze3A_975 : f32 to vector<16xf32>
    %eq3A_986 = arith.cmpf oeq, %eq3A_985, %add3A_17 : vector<16xf32>
    %and3A_987 = arith.andi %eq3A_986, %gt3A_978 : vector<16xi1>
    %or3A_988 = arith.ori %gt3A_984, %and3A_987 : vector<16xi1>
    %select_n3A_989 = arith.select %or3A_988, %broadcast_in_dim3A_29, %broadcast_in_dim3A_31 : vector<16xi1>, vector<16xi32>
    %add3A_990 = arith.addi %add3A_959, %select_n3A_989 : vector<16xi32>
    %gt3A_991 = vector.broadcast %squeeze3A_975 : f32 to vector<16xf32>
    %gt3A_992 = arith.cmpf ogt, %gt3A_991, %add3A_22 : vector<16xf32>
    %eq3A_993 = vector.broadcast %squeeze3A_975 : f32 to vector<16xf32>
    %eq3A_994 = arith.cmpf oeq, %eq3A_993, %add3A_22 : vector<16xf32>
    %or3A_995 = arith.ori %gt3A_992, %eq3A_994 : vector<16xi1>
    %select_n3A_996 = arith.select %or3A_995, %broadcast_in_dim3A_29, %broadcast_in_dim3A_31 : vector<16xi1>, vector<16xi32>
    %add3A_997 = arith.addi %add3A_966, %select_n3A_996 : vector<16xi32>
    %gt3A_998 = vector.broadcast %squeeze3A_975 : f32 to vector<16xf32>
    %gt3A_999 = arith.cmpf ogt, %gt3A_998, %add3A_27 : vector<16xf32>
    %eq3A_1000 = vector.broadcast %squeeze3A_975 : f32 to vector<16xf32>
    %eq3A_1001 = arith.cmpf oeq, %eq3A_1000, %add3A_27 : vector<16xf32>
    %or3A_1002 = arith.ori %gt3A_999, %eq3A_1001 : vector<16xi1>
    %select_n3A_1003 = arith.select %or3A_1002, %broadcast_in_dim3A_29, %broadcast_in_dim3A_31 : vector<16xi1>, vector<16xi32>
    %add3A_1004 = arith.addi %add3A_973, %select_n3A_1003 : vector<16xi32>
    %slice3A_1005 = vector.extract_strided_slice %add3A_17 {offsets = [14], sizes = [1], strides = [1]} : vector<16xf32> to vector<1xf32>
    %squeeze3A_1006 = vector.extract %slice3A_1005[0] : f32 from vector<1xf32>
    %gt3A_1007 = arith.constant 14 : i32
    %gt3A_1008 = vector.broadcast %gt3A_1007 : i32 to vector<16xi32>
    %gt3A_1009 = arith.cmpi sgt, %iota3A, %gt3A_1008 : vector<16xi32>
    %gt3A_1010 = vector.broadcast %squeeze3A_1006 : f32 to vector<16xf32>
    %gt3A_1011 = arith.cmpf ogt, %gt3A_1010, %add3A_12 : vector<16xf32>
    %select_n3A_1012 = arith.select %gt3A_1011, %broadcast_in_dim3A_29, %broadcast_in_dim3A_31 : vector<16xi1>, vector<16xi32>
    %add3A_1013 = arith.addi %add3A_982, %select_n3A_1012 : vector<16xi32>
    %gt3A_1014 = vector.broadcast %squeeze3A_1006 : f32 to vector<16xf32>
    %gt3A_1015 = arith.cmpf ogt, %gt3A_1014, %add3A_17 : vector<16xf32>
    %eq3A_1016 = vector.broadcast %squeeze3A_1006 : f32 to vector<16xf32>
    %eq3A_1017 = arith.cmpf oeq, %eq3A_1016, %add3A_17 : vector<16xf32>
    %and3A_1018 = arith.andi %eq3A_1017, %gt3A_1009 : vector<16xi1>
    %or3A_1019 = arith.ori %gt3A_1015, %and3A_1018 : vector<16xi1>
    %select_n3A_1020 = arith.select %or3A_1019, %broadcast_in_dim3A_29, %broadcast_in_dim3A_31 : vector<16xi1>, vector<16xi32>
    %add3A_1021 = arith.addi %add3A_990, %select_n3A_1020 : vector<16xi32>
    %gt3A_1022 = vector.broadcast %squeeze3A_1006 : f32 to vector<16xf32>
    %gt3A_1023 = arith.cmpf ogt, %gt3A_1022, %add3A_22 : vector<16xf32>
    %eq3A_1024 = vector.broadcast %squeeze3A_1006 : f32 to vector<16xf32>
    %eq3A_1025 = arith.cmpf oeq, %eq3A_1024, %add3A_22 : vector<16xf32>
    %or3A_1026 = arith.ori %gt3A_1023, %eq3A_1025 : vector<16xi1>
    %select_n3A_1027 = arith.select %or3A_1026, %broadcast_in_dim3A_29, %broadcast_in_dim3A_31 : vector<16xi1>, vector<16xi32>
    %add3A_1028 = arith.addi %add3A_997, %select_n3A_1027 : vector<16xi32>
    %gt3A_1029 = vector.broadcast %squeeze3A_1006 : f32 to vector<16xf32>
    %gt3A_1030 = arith.cmpf ogt, %gt3A_1029, %add3A_27 : vector<16xf32>
    %eq3A_1031 = vector.broadcast %squeeze3A_1006 : f32 to vector<16xf32>
    %eq3A_1032 = arith.cmpf oeq, %eq3A_1031, %add3A_27 : vector<16xf32>
    %or3A_1033 = arith.ori %gt3A_1030, %eq3A_1032 : vector<16xi1>
    %select_n3A_1034 = arith.select %or3A_1033, %broadcast_in_dim3A_29, %broadcast_in_dim3A_31 : vector<16xi1>, vector<16xi32>
    %add3A_1035 = arith.addi %add3A_1004, %select_n3A_1034 : vector<16xi32>
    %slice3A_1036 = vector.extract_strided_slice %add3A_17 {offsets = [15], sizes = [1], strides = [1]} : vector<16xf32> to vector<1xf32>
    %squeeze3A_1037 = vector.extract %slice3A_1036[0] : f32 from vector<1xf32>
    %gt3A_1038 = arith.constant 15 : i32
    %gt3A_1039 = vector.broadcast %gt3A_1038 : i32 to vector<16xi32>
    %gt3A_1040 = arith.cmpi sgt, %iota3A, %gt3A_1039 : vector<16xi32>
    %gt3A_1041 = vector.broadcast %squeeze3A_1037 : f32 to vector<16xf32>
    %gt3A_1042 = arith.cmpf ogt, %gt3A_1041, %add3A_12 : vector<16xf32>
    %select_n3A_1043 = arith.select %gt3A_1042, %broadcast_in_dim3A_29, %broadcast_in_dim3A_31 : vector<16xi1>, vector<16xi32>
    %add3A_1044 = arith.addi %add3A_1013, %select_n3A_1043 : vector<16xi32>
    %gt3A_1045 = vector.broadcast %squeeze3A_1037 : f32 to vector<16xf32>
    %gt3A_1046 = arith.cmpf ogt, %gt3A_1045, %add3A_17 : vector<16xf32>
    %eq3A_1047 = vector.broadcast %squeeze3A_1037 : f32 to vector<16xf32>
    %eq3A_1048 = arith.cmpf oeq, %eq3A_1047, %add3A_17 : vector<16xf32>
    %and3A_1049 = arith.andi %eq3A_1048, %gt3A_1040 : vector<16xi1>
    %or3A_1050 = arith.ori %gt3A_1046, %and3A_1049 : vector<16xi1>
    %select_n3A_1051 = arith.select %or3A_1050, %broadcast_in_dim3A_29, %broadcast_in_dim3A_31 : vector<16xi1>, vector<16xi32>
    %add3A_1052 = arith.addi %add3A_1021, %select_n3A_1051 : vector<16xi32>
    %gt3A_1053 = vector.broadcast %squeeze3A_1037 : f32 to vector<16xf32>
    %gt3A_1054 = arith.cmpf ogt, %gt3A_1053, %add3A_22 : vector<16xf32>
    %eq3A_1055 = vector.broadcast %squeeze3A_1037 : f32 to vector<16xf32>
    %eq3A_1056 = arith.cmpf oeq, %eq3A_1055, %add3A_22 : vector<16xf32>
    %or3A_1057 = arith.ori %gt3A_1054, %eq3A_1056 : vector<16xi1>
    %select_n3A_1058 = arith.select %or3A_1057, %broadcast_in_dim3A_29, %broadcast_in_dim3A_31 : vector<16xi1>, vector<16xi32>
    %add3A_1059 = arith.addi %add3A_1028, %select_n3A_1058 : vector<16xi32>
    %gt3A_1060 = vector.broadcast %squeeze3A_1037 : f32 to vector<16xf32>
    %gt3A_1061 = arith.cmpf ogt, %gt3A_1060, %add3A_27 : vector<16xf32>
    %eq3A_1062 = vector.broadcast %squeeze3A_1037 : f32 to vector<16xf32>
    %eq3A_1063 = arith.cmpf oeq, %eq3A_1062, %add3A_27 : vector<16xf32>
    %or3A_1064 = arith.ori %gt3A_1061, %eq3A_1063 : vector<16xi1>
    %select_n3A_1065 = arith.select %or3A_1064, %broadcast_in_dim3A_29, %broadcast_in_dim3A_31 : vector<16xi1>, vector<16xi32>
    %add3A_1066 = arith.addi %add3A_1035, %select_n3A_1065 : vector<16xi32>
    %slice3A_1067 = vector.extract_strided_slice %add3A_22 {offsets = [0], sizes = [1], strides = [1]} : vector<16xf32> to vector<1xf32>
    %squeeze3A_1068 = vector.extract %slice3A_1067[0] : f32 from vector<1xf32>
    %gt3A_1069 = arith.constant 0 : i32
    %gt3A_1070 = vector.broadcast %gt3A_1069 : i32 to vector<16xi32>
    %gt3A_1071 = arith.cmpi sgt, %iota3A, %gt3A_1070 : vector<16xi32>
    %gt3A_1072 = vector.broadcast %squeeze3A_1068 : f32 to vector<16xf32>
    %gt3A_1073 = arith.cmpf ogt, %gt3A_1072, %add3A_12 : vector<16xf32>
    %select_n3A_1074 = arith.select %gt3A_1073, %broadcast_in_dim3A_29, %broadcast_in_dim3A_31 : vector<16xi1>, vector<16xi32>
    %add3A_1075 = arith.addi %add3A_1044, %select_n3A_1074 : vector<16xi32>
    %gt3A_1076 = vector.broadcast %squeeze3A_1068 : f32 to vector<16xf32>
    %gt3A_1077 = arith.cmpf ogt, %gt3A_1076, %add3A_17 : vector<16xf32>
    %select_n3A_1078 = arith.select %gt3A_1077, %broadcast_in_dim3A_29, %broadcast_in_dim3A_31 : vector<16xi1>, vector<16xi32>
    %add3A_1079 = arith.addi %add3A_1052, %select_n3A_1078 : vector<16xi32>
    %gt3A_1080 = vector.broadcast %squeeze3A_1068 : f32 to vector<16xf32>
    %gt3A_1081 = arith.cmpf ogt, %gt3A_1080, %add3A_22 : vector<16xf32>
    %eq3A_1082 = vector.broadcast %squeeze3A_1068 : f32 to vector<16xf32>
    %eq3A_1083 = arith.cmpf oeq, %eq3A_1082, %add3A_22 : vector<16xf32>
    %and3A_1084 = arith.andi %eq3A_1083, %gt3A_1071 : vector<16xi1>
    %or3A_1085 = arith.ori %gt3A_1081, %and3A_1084 : vector<16xi1>
    %select_n3A_1086 = arith.select %or3A_1085, %broadcast_in_dim3A_29, %broadcast_in_dim3A_31 : vector<16xi1>, vector<16xi32>
    %add3A_1087 = arith.addi %add3A_1059, %select_n3A_1086 : vector<16xi32>
    %gt3A_1088 = vector.broadcast %squeeze3A_1068 : f32 to vector<16xf32>
    %gt3A_1089 = arith.cmpf ogt, %gt3A_1088, %add3A_27 : vector<16xf32>
    %eq3A_1090 = vector.broadcast %squeeze3A_1068 : f32 to vector<16xf32>
    %eq3A_1091 = arith.cmpf oeq, %eq3A_1090, %add3A_27 : vector<16xf32>
    %or3A_1092 = arith.ori %gt3A_1089, %eq3A_1091 : vector<16xi1>
    %select_n3A_1093 = arith.select %or3A_1092, %broadcast_in_dim3A_29, %broadcast_in_dim3A_31 : vector<16xi1>, vector<16xi32>
    %add3A_1094 = arith.addi %add3A_1066, %select_n3A_1093 : vector<16xi32>
    %slice3A_1095 = vector.extract_strided_slice %add3A_22 {offsets = [1], sizes = [1], strides = [1]} : vector<16xf32> to vector<1xf32>
    %squeeze3A_1096 = vector.extract %slice3A_1095[0] : f32 from vector<1xf32>
    %gt3A_1097 = arith.constant 1 : i32
    %gt3A_1098 = vector.broadcast %gt3A_1097 : i32 to vector<16xi32>
    %gt3A_1099 = arith.cmpi sgt, %iota3A, %gt3A_1098 : vector<16xi32>
    %gt3A_1100 = vector.broadcast %squeeze3A_1096 : f32 to vector<16xf32>
    %gt3A_1101 = arith.cmpf ogt, %gt3A_1100, %add3A_12 : vector<16xf32>
    %select_n3A_1102 = arith.select %gt3A_1101, %broadcast_in_dim3A_29, %broadcast_in_dim3A_31 : vector<16xi1>, vector<16xi32>
    %add3A_1103 = arith.addi %add3A_1075, %select_n3A_1102 : vector<16xi32>
    %gt3A_1104 = vector.broadcast %squeeze3A_1096 : f32 to vector<16xf32>
    %gt3A_1105 = arith.cmpf ogt, %gt3A_1104, %add3A_17 : vector<16xf32>
    %select_n3A_1106 = arith.select %gt3A_1105, %broadcast_in_dim3A_29, %broadcast_in_dim3A_31 : vector<16xi1>, vector<16xi32>
    %add3A_1107 = arith.addi %add3A_1079, %select_n3A_1106 : vector<16xi32>
    %gt3A_1108 = vector.broadcast %squeeze3A_1096 : f32 to vector<16xf32>
    %gt3A_1109 = arith.cmpf ogt, %gt3A_1108, %add3A_22 : vector<16xf32>
    %eq3A_1110 = vector.broadcast %squeeze3A_1096 : f32 to vector<16xf32>
    %eq3A_1111 = arith.cmpf oeq, %eq3A_1110, %add3A_22 : vector<16xf32>
    %and3A_1112 = arith.andi %eq3A_1111, %gt3A_1099 : vector<16xi1>
    %or3A_1113 = arith.ori %gt3A_1109, %and3A_1112 : vector<16xi1>
    %select_n3A_1114 = arith.select %or3A_1113, %broadcast_in_dim3A_29, %broadcast_in_dim3A_31 : vector<16xi1>, vector<16xi32>
    %add3A_1115 = arith.addi %add3A_1087, %select_n3A_1114 : vector<16xi32>
    %gt3A_1116 = vector.broadcast %squeeze3A_1096 : f32 to vector<16xf32>
    %gt3A_1117 = arith.cmpf ogt, %gt3A_1116, %add3A_27 : vector<16xf32>
    %eq3A_1118 = vector.broadcast %squeeze3A_1096 : f32 to vector<16xf32>
    %eq3A_1119 = arith.cmpf oeq, %eq3A_1118, %add3A_27 : vector<16xf32>
    %or3A_1120 = arith.ori %gt3A_1117, %eq3A_1119 : vector<16xi1>
    %select_n3A_1121 = arith.select %or3A_1120, %broadcast_in_dim3A_29, %broadcast_in_dim3A_31 : vector<16xi1>, vector<16xi32>
    %add3A_1122 = arith.addi %add3A_1094, %select_n3A_1121 : vector<16xi32>
    %slice3A_1123 = vector.extract_strided_slice %add3A_22 {offsets = [2], sizes = [1], strides = [1]} : vector<16xf32> to vector<1xf32>
    %squeeze3A_1124 = vector.extract %slice3A_1123[0] : f32 from vector<1xf32>
    %gt3A_1125 = arith.constant 2 : i32
    %gt3A_1126 = vector.broadcast %gt3A_1125 : i32 to vector<16xi32>
    %gt3A_1127 = arith.cmpi sgt, %iota3A, %gt3A_1126 : vector<16xi32>
    %gt3A_1128 = vector.broadcast %squeeze3A_1124 : f32 to vector<16xf32>
    %gt3A_1129 = arith.cmpf ogt, %gt3A_1128, %add3A_12 : vector<16xf32>
    %select_n3A_1130 = arith.select %gt3A_1129, %broadcast_in_dim3A_29, %broadcast_in_dim3A_31 : vector<16xi1>, vector<16xi32>
    %add3A_1131 = arith.addi %add3A_1103, %select_n3A_1130 : vector<16xi32>
    %gt3A_1132 = vector.broadcast %squeeze3A_1124 : f32 to vector<16xf32>
    %gt3A_1133 = arith.cmpf ogt, %gt3A_1132, %add3A_17 : vector<16xf32>
    %select_n3A_1134 = arith.select %gt3A_1133, %broadcast_in_dim3A_29, %broadcast_in_dim3A_31 : vector<16xi1>, vector<16xi32>
    %add3A_1135 = arith.addi %add3A_1107, %select_n3A_1134 : vector<16xi32>
    %gt3A_1136 = vector.broadcast %squeeze3A_1124 : f32 to vector<16xf32>
    %gt3A_1137 = arith.cmpf ogt, %gt3A_1136, %add3A_22 : vector<16xf32>
    %eq3A_1138 = vector.broadcast %squeeze3A_1124 : f32 to vector<16xf32>
    %eq3A_1139 = arith.cmpf oeq, %eq3A_1138, %add3A_22 : vector<16xf32>
    %and3A_1140 = arith.andi %eq3A_1139, %gt3A_1127 : vector<16xi1>
    %or3A_1141 = arith.ori %gt3A_1137, %and3A_1140 : vector<16xi1>
    %select_n3A_1142 = arith.select %or3A_1141, %broadcast_in_dim3A_29, %broadcast_in_dim3A_31 : vector<16xi1>, vector<16xi32>
    %add3A_1143 = arith.addi %add3A_1115, %select_n3A_1142 : vector<16xi32>
    %gt3A_1144 = vector.broadcast %squeeze3A_1124 : f32 to vector<16xf32>
    %gt3A_1145 = arith.cmpf ogt, %gt3A_1144, %add3A_27 : vector<16xf32>
    %eq3A_1146 = vector.broadcast %squeeze3A_1124 : f32 to vector<16xf32>
    %eq3A_1147 = arith.cmpf oeq, %eq3A_1146, %add3A_27 : vector<16xf32>
    %or3A_1148 = arith.ori %gt3A_1145, %eq3A_1147 : vector<16xi1>
    %select_n3A_1149 = arith.select %or3A_1148, %broadcast_in_dim3A_29, %broadcast_in_dim3A_31 : vector<16xi1>, vector<16xi32>
    %add3A_1150 = arith.addi %add3A_1122, %select_n3A_1149 : vector<16xi32>
    %slice3A_1151 = vector.extract_strided_slice %add3A_22 {offsets = [3], sizes = [1], strides = [1]} : vector<16xf32> to vector<1xf32>
    %squeeze3A_1152 = vector.extract %slice3A_1151[0] : f32 from vector<1xf32>
    %gt3A_1153 = arith.constant 3 : i32
    %gt3A_1154 = vector.broadcast %gt3A_1153 : i32 to vector<16xi32>
    %gt3A_1155 = arith.cmpi sgt, %iota3A, %gt3A_1154 : vector<16xi32>
    %gt3A_1156 = vector.broadcast %squeeze3A_1152 : f32 to vector<16xf32>
    %gt3A_1157 = arith.cmpf ogt, %gt3A_1156, %add3A_12 : vector<16xf32>
    %select_n3A_1158 = arith.select %gt3A_1157, %broadcast_in_dim3A_29, %broadcast_in_dim3A_31 : vector<16xi1>, vector<16xi32>
    %add3A_1159 = arith.addi %add3A_1131, %select_n3A_1158 : vector<16xi32>
    %gt3A_1160 = vector.broadcast %squeeze3A_1152 : f32 to vector<16xf32>
    %gt3A_1161 = arith.cmpf ogt, %gt3A_1160, %add3A_17 : vector<16xf32>
    %select_n3A_1162 = arith.select %gt3A_1161, %broadcast_in_dim3A_29, %broadcast_in_dim3A_31 : vector<16xi1>, vector<16xi32>
    %add3A_1163 = arith.addi %add3A_1135, %select_n3A_1162 : vector<16xi32>
    %gt3A_1164 = vector.broadcast %squeeze3A_1152 : f32 to vector<16xf32>
    %gt3A_1165 = arith.cmpf ogt, %gt3A_1164, %add3A_22 : vector<16xf32>
    %eq3A_1166 = vector.broadcast %squeeze3A_1152 : f32 to vector<16xf32>
    %eq3A_1167 = arith.cmpf oeq, %eq3A_1166, %add3A_22 : vector<16xf32>
    %and3A_1168 = arith.andi %eq3A_1167, %gt3A_1155 : vector<16xi1>
    %or3A_1169 = arith.ori %gt3A_1165, %and3A_1168 : vector<16xi1>
    %select_n3A_1170 = arith.select %or3A_1169, %broadcast_in_dim3A_29, %broadcast_in_dim3A_31 : vector<16xi1>, vector<16xi32>
    %add3A_1171 = arith.addi %add3A_1143, %select_n3A_1170 : vector<16xi32>
    %gt3A_1172 = vector.broadcast %squeeze3A_1152 : f32 to vector<16xf32>
    %gt3A_1173 = arith.cmpf ogt, %gt3A_1172, %add3A_27 : vector<16xf32>
    %eq3A_1174 = vector.broadcast %squeeze3A_1152 : f32 to vector<16xf32>
    %eq3A_1175 = arith.cmpf oeq, %eq3A_1174, %add3A_27 : vector<16xf32>
    %or3A_1176 = arith.ori %gt3A_1173, %eq3A_1175 : vector<16xi1>
    %select_n3A_1177 = arith.select %or3A_1176, %broadcast_in_dim3A_29, %broadcast_in_dim3A_31 : vector<16xi1>, vector<16xi32>
    %add3A_1178 = arith.addi %add3A_1150, %select_n3A_1177 : vector<16xi32>
    %slice3A_1179 = vector.extract_strided_slice %add3A_22 {offsets = [4], sizes = [1], strides = [1]} : vector<16xf32> to vector<1xf32>
    %squeeze3A_1180 = vector.extract %slice3A_1179[0] : f32 from vector<1xf32>
    %gt3A_1181 = arith.constant 4 : i32
    %gt3A_1182 = vector.broadcast %gt3A_1181 : i32 to vector<16xi32>
    %gt3A_1183 = arith.cmpi sgt, %iota3A, %gt3A_1182 : vector<16xi32>
    %gt3A_1184 = vector.broadcast %squeeze3A_1180 : f32 to vector<16xf32>
    %gt3A_1185 = arith.cmpf ogt, %gt3A_1184, %add3A_12 : vector<16xf32>
    %select_n3A_1186 = arith.select %gt3A_1185, %broadcast_in_dim3A_29, %broadcast_in_dim3A_31 : vector<16xi1>, vector<16xi32>
    %add3A_1187 = arith.addi %add3A_1159, %select_n3A_1186 : vector<16xi32>
    %gt3A_1188 = vector.broadcast %squeeze3A_1180 : f32 to vector<16xf32>
    %gt3A_1189 = arith.cmpf ogt, %gt3A_1188, %add3A_17 : vector<16xf32>
    %select_n3A_1190 = arith.select %gt3A_1189, %broadcast_in_dim3A_29, %broadcast_in_dim3A_31 : vector<16xi1>, vector<16xi32>
    %add3A_1191 = arith.addi %add3A_1163, %select_n3A_1190 : vector<16xi32>
    %gt3A_1192 = vector.broadcast %squeeze3A_1180 : f32 to vector<16xf32>
    %gt3A_1193 = arith.cmpf ogt, %gt3A_1192, %add3A_22 : vector<16xf32>
    %eq3A_1194 = vector.broadcast %squeeze3A_1180 : f32 to vector<16xf32>
    %eq3A_1195 = arith.cmpf oeq, %eq3A_1194, %add3A_22 : vector<16xf32>
    %and3A_1196 = arith.andi %eq3A_1195, %gt3A_1183 : vector<16xi1>
    %or3A_1197 = arith.ori %gt3A_1193, %and3A_1196 : vector<16xi1>
    %select_n3A_1198 = arith.select %or3A_1197, %broadcast_in_dim3A_29, %broadcast_in_dim3A_31 : vector<16xi1>, vector<16xi32>
    %add3A_1199 = arith.addi %add3A_1171, %select_n3A_1198 : vector<16xi32>
    %gt3A_1200 = vector.broadcast %squeeze3A_1180 : f32 to vector<16xf32>
    %gt3A_1201 = arith.cmpf ogt, %gt3A_1200, %add3A_27 : vector<16xf32>
    %eq3A_1202 = vector.broadcast %squeeze3A_1180 : f32 to vector<16xf32>
    %eq3A_1203 = arith.cmpf oeq, %eq3A_1202, %add3A_27 : vector<16xf32>
    %or3A_1204 = arith.ori %gt3A_1201, %eq3A_1203 : vector<16xi1>
    %select_n3A_1205 = arith.select %or3A_1204, %broadcast_in_dim3A_29, %broadcast_in_dim3A_31 : vector<16xi1>, vector<16xi32>
    %add3A_1206 = arith.addi %add3A_1178, %select_n3A_1205 : vector<16xi32>
    %slice3A_1207 = vector.extract_strided_slice %add3A_22 {offsets = [5], sizes = [1], strides = [1]} : vector<16xf32> to vector<1xf32>
    %squeeze3A_1208 = vector.extract %slice3A_1207[0] : f32 from vector<1xf32>
    %gt3A_1209 = arith.constant 5 : i32
    %gt3A_1210 = vector.broadcast %gt3A_1209 : i32 to vector<16xi32>
    %gt3A_1211 = arith.cmpi sgt, %iota3A, %gt3A_1210 : vector<16xi32>
    %gt3A_1212 = vector.broadcast %squeeze3A_1208 : f32 to vector<16xf32>
    %gt3A_1213 = arith.cmpf ogt, %gt3A_1212, %add3A_12 : vector<16xf32>
    %select_n3A_1214 = arith.select %gt3A_1213, %broadcast_in_dim3A_29, %broadcast_in_dim3A_31 : vector<16xi1>, vector<16xi32>
    %add3A_1215 = arith.addi %add3A_1187, %select_n3A_1214 : vector<16xi32>
    %gt3A_1216 = vector.broadcast %squeeze3A_1208 : f32 to vector<16xf32>
    %gt3A_1217 = arith.cmpf ogt, %gt3A_1216, %add3A_17 : vector<16xf32>
    %select_n3A_1218 = arith.select %gt3A_1217, %broadcast_in_dim3A_29, %broadcast_in_dim3A_31 : vector<16xi1>, vector<16xi32>
    %add3A_1219 = arith.addi %add3A_1191, %select_n3A_1218 : vector<16xi32>
    %gt3A_1220 = vector.broadcast %squeeze3A_1208 : f32 to vector<16xf32>
    %gt3A_1221 = arith.cmpf ogt, %gt3A_1220, %add3A_22 : vector<16xf32>
    %eq3A_1222 = vector.broadcast %squeeze3A_1208 : f32 to vector<16xf32>
    %eq3A_1223 = arith.cmpf oeq, %eq3A_1222, %add3A_22 : vector<16xf32>
    %and3A_1224 = arith.andi %eq3A_1223, %gt3A_1211 : vector<16xi1>
    %or3A_1225 = arith.ori %gt3A_1221, %and3A_1224 : vector<16xi1>
    %select_n3A_1226 = arith.select %or3A_1225, %broadcast_in_dim3A_29, %broadcast_in_dim3A_31 : vector<16xi1>, vector<16xi32>
    %add3A_1227 = arith.addi %add3A_1199, %select_n3A_1226 : vector<16xi32>
    %gt3A_1228 = vector.broadcast %squeeze3A_1208 : f32 to vector<16xf32>
    %gt3A_1229 = arith.cmpf ogt, %gt3A_1228, %add3A_27 : vector<16xf32>
    %eq3A_1230 = vector.broadcast %squeeze3A_1208 : f32 to vector<16xf32>
    %eq3A_1231 = arith.cmpf oeq, %eq3A_1230, %add3A_27 : vector<16xf32>
    %or3A_1232 = arith.ori %gt3A_1229, %eq3A_1231 : vector<16xi1>
    %select_n3A_1233 = arith.select %or3A_1232, %broadcast_in_dim3A_29, %broadcast_in_dim3A_31 : vector<16xi1>, vector<16xi32>
    %add3A_1234 = arith.addi %add3A_1206, %select_n3A_1233 : vector<16xi32>
    %slice3A_1235 = vector.extract_strided_slice %add3A_22 {offsets = [6], sizes = [1], strides = [1]} : vector<16xf32> to vector<1xf32>
    %squeeze3A_1236 = vector.extract %slice3A_1235[0] : f32 from vector<1xf32>
    %gt3A_1237 = arith.constant 6 : i32
    %gt3A_1238 = vector.broadcast %gt3A_1237 : i32 to vector<16xi32>
    %gt3A_1239 = arith.cmpi sgt, %iota3A, %gt3A_1238 : vector<16xi32>
    %gt3A_1240 = vector.broadcast %squeeze3A_1236 : f32 to vector<16xf32>
    %gt3A_1241 = arith.cmpf ogt, %gt3A_1240, %add3A_12 : vector<16xf32>
    %select_n3A_1242 = arith.select %gt3A_1241, %broadcast_in_dim3A_29, %broadcast_in_dim3A_31 : vector<16xi1>, vector<16xi32>
    %add3A_1243 = arith.addi %add3A_1215, %select_n3A_1242 : vector<16xi32>
    %gt3A_1244 = vector.broadcast %squeeze3A_1236 : f32 to vector<16xf32>
    %gt3A_1245 = arith.cmpf ogt, %gt3A_1244, %add3A_17 : vector<16xf32>
    %select_n3A_1246 = arith.select %gt3A_1245, %broadcast_in_dim3A_29, %broadcast_in_dim3A_31 : vector<16xi1>, vector<16xi32>
    %add3A_1247 = arith.addi %add3A_1219, %select_n3A_1246 : vector<16xi32>
    %gt3A_1248 = vector.broadcast %squeeze3A_1236 : f32 to vector<16xf32>
    %gt3A_1249 = arith.cmpf ogt, %gt3A_1248, %add3A_22 : vector<16xf32>
    %eq3A_1250 = vector.broadcast %squeeze3A_1236 : f32 to vector<16xf32>
    %eq3A_1251 = arith.cmpf oeq, %eq3A_1250, %add3A_22 : vector<16xf32>
    %and3A_1252 = arith.andi %eq3A_1251, %gt3A_1239 : vector<16xi1>
    %or3A_1253 = arith.ori %gt3A_1249, %and3A_1252 : vector<16xi1>
    %select_n3A_1254 = arith.select %or3A_1253, %broadcast_in_dim3A_29, %broadcast_in_dim3A_31 : vector<16xi1>, vector<16xi32>
    %add3A_1255 = arith.addi %add3A_1227, %select_n3A_1254 : vector<16xi32>
    %gt3A_1256 = vector.broadcast %squeeze3A_1236 : f32 to vector<16xf32>
    %gt3A_1257 = arith.cmpf ogt, %gt3A_1256, %add3A_27 : vector<16xf32>
    %eq3A_1258 = vector.broadcast %squeeze3A_1236 : f32 to vector<16xf32>
    %eq3A_1259 = arith.cmpf oeq, %eq3A_1258, %add3A_27 : vector<16xf32>
    %or3A_1260 = arith.ori %gt3A_1257, %eq3A_1259 : vector<16xi1>
    %select_n3A_1261 = arith.select %or3A_1260, %broadcast_in_dim3A_29, %broadcast_in_dim3A_31 : vector<16xi1>, vector<16xi32>
    %add3A_1262 = arith.addi %add3A_1234, %select_n3A_1261 : vector<16xi32>
    %slice3A_1263 = vector.extract_strided_slice %add3A_22 {offsets = [7], sizes = [1], strides = [1]} : vector<16xf32> to vector<1xf32>
    %squeeze3A_1264 = vector.extract %slice3A_1263[0] : f32 from vector<1xf32>
    %gt3A_1265 = arith.constant 7 : i32
    %gt3A_1266 = vector.broadcast %gt3A_1265 : i32 to vector<16xi32>
    %gt3A_1267 = arith.cmpi sgt, %iota3A, %gt3A_1266 : vector<16xi32>
    %gt3A_1268 = vector.broadcast %squeeze3A_1264 : f32 to vector<16xf32>
    %gt3A_1269 = arith.cmpf ogt, %gt3A_1268, %add3A_12 : vector<16xf32>
    %select_n3A_1270 = arith.select %gt3A_1269, %broadcast_in_dim3A_29, %broadcast_in_dim3A_31 : vector<16xi1>, vector<16xi32>
    %add3A_1271 = arith.addi %add3A_1243, %select_n3A_1270 : vector<16xi32>
    %gt3A_1272 = vector.broadcast %squeeze3A_1264 : f32 to vector<16xf32>
    %gt3A_1273 = arith.cmpf ogt, %gt3A_1272, %add3A_17 : vector<16xf32>
    %select_n3A_1274 = arith.select %gt3A_1273, %broadcast_in_dim3A_29, %broadcast_in_dim3A_31 : vector<16xi1>, vector<16xi32>
    %add3A_1275 = arith.addi %add3A_1247, %select_n3A_1274 : vector<16xi32>
    %gt3A_1276 = vector.broadcast %squeeze3A_1264 : f32 to vector<16xf32>
    %gt3A_1277 = arith.cmpf ogt, %gt3A_1276, %add3A_22 : vector<16xf32>
    %eq3A_1278 = vector.broadcast %squeeze3A_1264 : f32 to vector<16xf32>
    %eq3A_1279 = arith.cmpf oeq, %eq3A_1278, %add3A_22 : vector<16xf32>
    %and3A_1280 = arith.andi %eq3A_1279, %gt3A_1267 : vector<16xi1>
    %or3A_1281 = arith.ori %gt3A_1277, %and3A_1280 : vector<16xi1>
    %select_n3A_1282 = arith.select %or3A_1281, %broadcast_in_dim3A_29, %broadcast_in_dim3A_31 : vector<16xi1>, vector<16xi32>
    %add3A_1283 = arith.addi %add3A_1255, %select_n3A_1282 : vector<16xi32>
    %gt3A_1284 = vector.broadcast %squeeze3A_1264 : f32 to vector<16xf32>
    %gt3A_1285 = arith.cmpf ogt, %gt3A_1284, %add3A_27 : vector<16xf32>
    %eq3A_1286 = vector.broadcast %squeeze3A_1264 : f32 to vector<16xf32>
    %eq3A_1287 = arith.cmpf oeq, %eq3A_1286, %add3A_27 : vector<16xf32>
    %or3A_1288 = arith.ori %gt3A_1285, %eq3A_1287 : vector<16xi1>
    %select_n3A_1289 = arith.select %or3A_1288, %broadcast_in_dim3A_29, %broadcast_in_dim3A_31 : vector<16xi1>, vector<16xi32>
    %add3A_1290 = arith.addi %add3A_1262, %select_n3A_1289 : vector<16xi32>
    %slice3A_1291 = vector.extract_strided_slice %add3A_22 {offsets = [8], sizes = [1], strides = [1]} : vector<16xf32> to vector<1xf32>
    %squeeze3A_1292 = vector.extract %slice3A_1291[0] : f32 from vector<1xf32>
    %gt3A_1293 = arith.constant 8 : i32
    %gt3A_1294 = vector.broadcast %gt3A_1293 : i32 to vector<16xi32>
    %gt3A_1295 = arith.cmpi sgt, %iota3A, %gt3A_1294 : vector<16xi32>
    %gt3A_1296 = vector.broadcast %squeeze3A_1292 : f32 to vector<16xf32>
    %gt3A_1297 = arith.cmpf ogt, %gt3A_1296, %add3A_12 : vector<16xf32>
    %select_n3A_1298 = arith.select %gt3A_1297, %broadcast_in_dim3A_29, %broadcast_in_dim3A_31 : vector<16xi1>, vector<16xi32>
    %add3A_1299 = arith.addi %add3A_1271, %select_n3A_1298 : vector<16xi32>
    %gt3A_1300 = vector.broadcast %squeeze3A_1292 : f32 to vector<16xf32>
    %gt3A_1301 = arith.cmpf ogt, %gt3A_1300, %add3A_17 : vector<16xf32>
    %select_n3A_1302 = arith.select %gt3A_1301, %broadcast_in_dim3A_29, %broadcast_in_dim3A_31 : vector<16xi1>, vector<16xi32>
    %add3A_1303 = arith.addi %add3A_1275, %select_n3A_1302 : vector<16xi32>
    %gt3A_1304 = vector.broadcast %squeeze3A_1292 : f32 to vector<16xf32>
    %gt3A_1305 = arith.cmpf ogt, %gt3A_1304, %add3A_22 : vector<16xf32>
    %eq3A_1306 = vector.broadcast %squeeze3A_1292 : f32 to vector<16xf32>
    %eq3A_1307 = arith.cmpf oeq, %eq3A_1306, %add3A_22 : vector<16xf32>
    %and3A_1308 = arith.andi %eq3A_1307, %gt3A_1295 : vector<16xi1>
    %or3A_1309 = arith.ori %gt3A_1305, %and3A_1308 : vector<16xi1>
    %select_n3A_1310 = arith.select %or3A_1309, %broadcast_in_dim3A_29, %broadcast_in_dim3A_31 : vector<16xi1>, vector<16xi32>
    %add3A_1311 = arith.addi %add3A_1283, %select_n3A_1310 : vector<16xi32>
    %gt3A_1312 = vector.broadcast %squeeze3A_1292 : f32 to vector<16xf32>
    %gt3A_1313 = arith.cmpf ogt, %gt3A_1312, %add3A_27 : vector<16xf32>
    %eq3A_1314 = vector.broadcast %squeeze3A_1292 : f32 to vector<16xf32>
    %eq3A_1315 = arith.cmpf oeq, %eq3A_1314, %add3A_27 : vector<16xf32>
    %or3A_1316 = arith.ori %gt3A_1313, %eq3A_1315 : vector<16xi1>
    %select_n3A_1317 = arith.select %or3A_1316, %broadcast_in_dim3A_29, %broadcast_in_dim3A_31 : vector<16xi1>, vector<16xi32>
    %add3A_1318 = arith.addi %add3A_1290, %select_n3A_1317 : vector<16xi32>
    %slice3A_1319 = vector.extract_strided_slice %add3A_22 {offsets = [9], sizes = [1], strides = [1]} : vector<16xf32> to vector<1xf32>
    %squeeze3A_1320 = vector.extract %slice3A_1319[0] : f32 from vector<1xf32>
    %gt3A_1321 = arith.constant 9 : i32
    %gt3A_1322 = vector.broadcast %gt3A_1321 : i32 to vector<16xi32>
    %gt3A_1323 = arith.cmpi sgt, %iota3A, %gt3A_1322 : vector<16xi32>
    %gt3A_1324 = vector.broadcast %squeeze3A_1320 : f32 to vector<16xf32>
    %gt3A_1325 = arith.cmpf ogt, %gt3A_1324, %add3A_12 : vector<16xf32>
    %select_n3A_1326 = arith.select %gt3A_1325, %broadcast_in_dim3A_29, %broadcast_in_dim3A_31 : vector<16xi1>, vector<16xi32>
    %add3A_1327 = arith.addi %add3A_1299, %select_n3A_1326 : vector<16xi32>
    %gt3A_1328 = vector.broadcast %squeeze3A_1320 : f32 to vector<16xf32>
    %gt3A_1329 = arith.cmpf ogt, %gt3A_1328, %add3A_17 : vector<16xf32>
    %select_n3A_1330 = arith.select %gt3A_1329, %broadcast_in_dim3A_29, %broadcast_in_dim3A_31 : vector<16xi1>, vector<16xi32>
    %add3A_1331 = arith.addi %add3A_1303, %select_n3A_1330 : vector<16xi32>
    %gt3A_1332 = vector.broadcast %squeeze3A_1320 : f32 to vector<16xf32>
    %gt3A_1333 = arith.cmpf ogt, %gt3A_1332, %add3A_22 : vector<16xf32>
    %eq3A_1334 = vector.broadcast %squeeze3A_1320 : f32 to vector<16xf32>
    %eq3A_1335 = arith.cmpf oeq, %eq3A_1334, %add3A_22 : vector<16xf32>
    %and3A_1336 = arith.andi %eq3A_1335, %gt3A_1323 : vector<16xi1>
    %or3A_1337 = arith.ori %gt3A_1333, %and3A_1336 : vector<16xi1>
    %select_n3A_1338 = arith.select %or3A_1337, %broadcast_in_dim3A_29, %broadcast_in_dim3A_31 : vector<16xi1>, vector<16xi32>
    %add3A_1339 = arith.addi %add3A_1311, %select_n3A_1338 : vector<16xi32>
    %gt3A_1340 = vector.broadcast %squeeze3A_1320 : f32 to vector<16xf32>
    %gt3A_1341 = arith.cmpf ogt, %gt3A_1340, %add3A_27 : vector<16xf32>
    %eq3A_1342 = vector.broadcast %squeeze3A_1320 : f32 to vector<16xf32>
    %eq3A_1343 = arith.cmpf oeq, %eq3A_1342, %add3A_27 : vector<16xf32>
    %or3A_1344 = arith.ori %gt3A_1341, %eq3A_1343 : vector<16xi1>
    %select_n3A_1345 = arith.select %or3A_1344, %broadcast_in_dim3A_29, %broadcast_in_dim3A_31 : vector<16xi1>, vector<16xi32>
    %add3A_1346 = arith.addi %add3A_1318, %select_n3A_1345 : vector<16xi32>
    %slice3A_1347 = vector.extract_strided_slice %add3A_22 {offsets = [10], sizes = [1], strides = [1]} : vector<16xf32> to vector<1xf32>
    %squeeze3A_1348 = vector.extract %slice3A_1347[0] : f32 from vector<1xf32>
    %gt3A_1349 = arith.constant 10 : i32
    %gt3A_1350 = vector.broadcast %gt3A_1349 : i32 to vector<16xi32>
    %gt3A_1351 = arith.cmpi sgt, %iota3A, %gt3A_1350 : vector<16xi32>
    %gt3A_1352 = vector.broadcast %squeeze3A_1348 : f32 to vector<16xf32>
    %gt3A_1353 = arith.cmpf ogt, %gt3A_1352, %add3A_12 : vector<16xf32>
    %select_n3A_1354 = arith.select %gt3A_1353, %broadcast_in_dim3A_29, %broadcast_in_dim3A_31 : vector<16xi1>, vector<16xi32>
    %add3A_1355 = arith.addi %add3A_1327, %select_n3A_1354 : vector<16xi32>
    %gt3A_1356 = vector.broadcast %squeeze3A_1348 : f32 to vector<16xf32>
    %gt3A_1357 = arith.cmpf ogt, %gt3A_1356, %add3A_17 : vector<16xf32>
    %select_n3A_1358 = arith.select %gt3A_1357, %broadcast_in_dim3A_29, %broadcast_in_dim3A_31 : vector<16xi1>, vector<16xi32>
    %add3A_1359 = arith.addi %add3A_1331, %select_n3A_1358 : vector<16xi32>
    %gt3A_1360 = vector.broadcast %squeeze3A_1348 : f32 to vector<16xf32>
    %gt3A_1361 = arith.cmpf ogt, %gt3A_1360, %add3A_22 : vector<16xf32>
    %eq3A_1362 = vector.broadcast %squeeze3A_1348 : f32 to vector<16xf32>
    %eq3A_1363 = arith.cmpf oeq, %eq3A_1362, %add3A_22 : vector<16xf32>
    %and3A_1364 = arith.andi %eq3A_1363, %gt3A_1351 : vector<16xi1>
    %or3A_1365 = arith.ori %gt3A_1361, %and3A_1364 : vector<16xi1>
    %select_n3A_1366 = arith.select %or3A_1365, %broadcast_in_dim3A_29, %broadcast_in_dim3A_31 : vector<16xi1>, vector<16xi32>
    %add3A_1367 = arith.addi %add3A_1339, %select_n3A_1366 : vector<16xi32>
    %gt3A_1368 = vector.broadcast %squeeze3A_1348 : f32 to vector<16xf32>
    %gt3A_1369 = arith.cmpf ogt, %gt3A_1368, %add3A_27 : vector<16xf32>
    %eq3A_1370 = vector.broadcast %squeeze3A_1348 : f32 to vector<16xf32>
    %eq3A_1371 = arith.cmpf oeq, %eq3A_1370, %add3A_27 : vector<16xf32>
    %or3A_1372 = arith.ori %gt3A_1369, %eq3A_1371 : vector<16xi1>
    %select_n3A_1373 = arith.select %or3A_1372, %broadcast_in_dim3A_29, %broadcast_in_dim3A_31 : vector<16xi1>, vector<16xi32>
    %add3A_1374 = arith.addi %add3A_1346, %select_n3A_1373 : vector<16xi32>
    %slice3A_1375 = vector.extract_strided_slice %add3A_22 {offsets = [11], sizes = [1], strides = [1]} : vector<16xf32> to vector<1xf32>
    %squeeze3A_1376 = vector.extract %slice3A_1375[0] : f32 from vector<1xf32>
    %gt3A_1377 = arith.constant 11 : i32
    %gt3A_1378 = vector.broadcast %gt3A_1377 : i32 to vector<16xi32>
    %gt3A_1379 = arith.cmpi sgt, %iota3A, %gt3A_1378 : vector<16xi32>
    %gt3A_1380 = vector.broadcast %squeeze3A_1376 : f32 to vector<16xf32>
    %gt3A_1381 = arith.cmpf ogt, %gt3A_1380, %add3A_12 : vector<16xf32>
    %select_n3A_1382 = arith.select %gt3A_1381, %broadcast_in_dim3A_29, %broadcast_in_dim3A_31 : vector<16xi1>, vector<16xi32>
    %add3A_1383 = arith.addi %add3A_1355, %select_n3A_1382 : vector<16xi32>
    %gt3A_1384 = vector.broadcast %squeeze3A_1376 : f32 to vector<16xf32>
    %gt3A_1385 = arith.cmpf ogt, %gt3A_1384, %add3A_17 : vector<16xf32>
    %select_n3A_1386 = arith.select %gt3A_1385, %broadcast_in_dim3A_29, %broadcast_in_dim3A_31 : vector<16xi1>, vector<16xi32>
    %add3A_1387 = arith.addi %add3A_1359, %select_n3A_1386 : vector<16xi32>
    %gt3A_1388 = vector.broadcast %squeeze3A_1376 : f32 to vector<16xf32>
    %gt3A_1389 = arith.cmpf ogt, %gt3A_1388, %add3A_22 : vector<16xf32>
    %eq3A_1390 = vector.broadcast %squeeze3A_1376 : f32 to vector<16xf32>
    %eq3A_1391 = arith.cmpf oeq, %eq3A_1390, %add3A_22 : vector<16xf32>
    %and3A_1392 = arith.andi %eq3A_1391, %gt3A_1379 : vector<16xi1>
    %or3A_1393 = arith.ori %gt3A_1389, %and3A_1392 : vector<16xi1>
    %select_n3A_1394 = arith.select %or3A_1393, %broadcast_in_dim3A_29, %broadcast_in_dim3A_31 : vector<16xi1>, vector<16xi32>
    %add3A_1395 = arith.addi %add3A_1367, %select_n3A_1394 : vector<16xi32>
    %gt3A_1396 = vector.broadcast %squeeze3A_1376 : f32 to vector<16xf32>
    %gt3A_1397 = arith.cmpf ogt, %gt3A_1396, %add3A_27 : vector<16xf32>
    %eq3A_1398 = vector.broadcast %squeeze3A_1376 : f32 to vector<16xf32>
    %eq3A_1399 = arith.cmpf oeq, %eq3A_1398, %add3A_27 : vector<16xf32>
    %or3A_1400 = arith.ori %gt3A_1397, %eq3A_1399 : vector<16xi1>
    %select_n3A_1401 = arith.select %or3A_1400, %broadcast_in_dim3A_29, %broadcast_in_dim3A_31 : vector<16xi1>, vector<16xi32>
    %add3A_1402 = arith.addi %add3A_1374, %select_n3A_1401 : vector<16xi32>
    %slice3A_1403 = vector.extract_strided_slice %add3A_22 {offsets = [12], sizes = [1], strides = [1]} : vector<16xf32> to vector<1xf32>
    %squeeze3A_1404 = vector.extract %slice3A_1403[0] : f32 from vector<1xf32>
    %gt3A_1405 = arith.constant 12 : i32
    %gt3A_1406 = vector.broadcast %gt3A_1405 : i32 to vector<16xi32>
    %gt3A_1407 = arith.cmpi sgt, %iota3A, %gt3A_1406 : vector<16xi32>
    %gt3A_1408 = vector.broadcast %squeeze3A_1404 : f32 to vector<16xf32>
    %gt3A_1409 = arith.cmpf ogt, %gt3A_1408, %add3A_12 : vector<16xf32>
    %select_n3A_1410 = arith.select %gt3A_1409, %broadcast_in_dim3A_29, %broadcast_in_dim3A_31 : vector<16xi1>, vector<16xi32>
    %add3A_1411 = arith.addi %add3A_1383, %select_n3A_1410 : vector<16xi32>
    %gt3A_1412 = vector.broadcast %squeeze3A_1404 : f32 to vector<16xf32>
    %gt3A_1413 = arith.cmpf ogt, %gt3A_1412, %add3A_17 : vector<16xf32>
    %select_n3A_1414 = arith.select %gt3A_1413, %broadcast_in_dim3A_29, %broadcast_in_dim3A_31 : vector<16xi1>, vector<16xi32>
    %add3A_1415 = arith.addi %add3A_1387, %select_n3A_1414 : vector<16xi32>
    %gt3A_1416 = vector.broadcast %squeeze3A_1404 : f32 to vector<16xf32>
    %gt3A_1417 = arith.cmpf ogt, %gt3A_1416, %add3A_22 : vector<16xf32>
    %eq3A_1418 = vector.broadcast %squeeze3A_1404 : f32 to vector<16xf32>
    %eq3A_1419 = arith.cmpf oeq, %eq3A_1418, %add3A_22 : vector<16xf32>
    %and3A_1420 = arith.andi %eq3A_1419, %gt3A_1407 : vector<16xi1>
    %or3A_1421 = arith.ori %gt3A_1417, %and3A_1420 : vector<16xi1>
    %select_n3A_1422 = arith.select %or3A_1421, %broadcast_in_dim3A_29, %broadcast_in_dim3A_31 : vector<16xi1>, vector<16xi32>
    %add3A_1423 = arith.addi %add3A_1395, %select_n3A_1422 : vector<16xi32>
    %gt3A_1424 = vector.broadcast %squeeze3A_1404 : f32 to vector<16xf32>
    %gt3A_1425 = arith.cmpf ogt, %gt3A_1424, %add3A_27 : vector<16xf32>
    %eq3A_1426 = vector.broadcast %squeeze3A_1404 : f32 to vector<16xf32>
    %eq3A_1427 = arith.cmpf oeq, %eq3A_1426, %add3A_27 : vector<16xf32>
    %or3A_1428 = arith.ori %gt3A_1425, %eq3A_1427 : vector<16xi1>
    %select_n3A_1429 = arith.select %or3A_1428, %broadcast_in_dim3A_29, %broadcast_in_dim3A_31 : vector<16xi1>, vector<16xi32>
    %add3A_1430 = arith.addi %add3A_1402, %select_n3A_1429 : vector<16xi32>
    %slice3A_1431 = vector.extract_strided_slice %add3A_22 {offsets = [13], sizes = [1], strides = [1]} : vector<16xf32> to vector<1xf32>
    %squeeze3A_1432 = vector.extract %slice3A_1431[0] : f32 from vector<1xf32>
    %gt3A_1433 = arith.constant 13 : i32
    %gt3A_1434 = vector.broadcast %gt3A_1433 : i32 to vector<16xi32>
    %gt3A_1435 = arith.cmpi sgt, %iota3A, %gt3A_1434 : vector<16xi32>
    %gt3A_1436 = vector.broadcast %squeeze3A_1432 : f32 to vector<16xf32>
    %gt3A_1437 = arith.cmpf ogt, %gt3A_1436, %add3A_12 : vector<16xf32>
    %select_n3A_1438 = arith.select %gt3A_1437, %broadcast_in_dim3A_29, %broadcast_in_dim3A_31 : vector<16xi1>, vector<16xi32>
    %add3A_1439 = arith.addi %add3A_1411, %select_n3A_1438 : vector<16xi32>
    %gt3A_1440 = vector.broadcast %squeeze3A_1432 : f32 to vector<16xf32>
    %gt3A_1441 = arith.cmpf ogt, %gt3A_1440, %add3A_17 : vector<16xf32>
    %select_n3A_1442 = arith.select %gt3A_1441, %broadcast_in_dim3A_29, %broadcast_in_dim3A_31 : vector<16xi1>, vector<16xi32>
    %add3A_1443 = arith.addi %add3A_1415, %select_n3A_1442 : vector<16xi32>
    %gt3A_1444 = vector.broadcast %squeeze3A_1432 : f32 to vector<16xf32>
    %gt3A_1445 = arith.cmpf ogt, %gt3A_1444, %add3A_22 : vector<16xf32>
    %eq3A_1446 = vector.broadcast %squeeze3A_1432 : f32 to vector<16xf32>
    %eq3A_1447 = arith.cmpf oeq, %eq3A_1446, %add3A_22 : vector<16xf32>
    %and3A_1448 = arith.andi %eq3A_1447, %gt3A_1435 : vector<16xi1>
    %or3A_1449 = arith.ori %gt3A_1445, %and3A_1448 : vector<16xi1>
    %select_n3A_1450 = arith.select %or3A_1449, %broadcast_in_dim3A_29, %broadcast_in_dim3A_31 : vector<16xi1>, vector<16xi32>
    %add3A_1451 = arith.addi %add3A_1423, %select_n3A_1450 : vector<16xi32>
    %gt3A_1452 = vector.broadcast %squeeze3A_1432 : f32 to vector<16xf32>
    %gt3A_1453 = arith.cmpf ogt, %gt3A_1452, %add3A_27 : vector<16xf32>
    %eq3A_1454 = vector.broadcast %squeeze3A_1432 : f32 to vector<16xf32>
    %eq3A_1455 = arith.cmpf oeq, %eq3A_1454, %add3A_27 : vector<16xf32>
    %or3A_1456 = arith.ori %gt3A_1453, %eq3A_1455 : vector<16xi1>
    %select_n3A_1457 = arith.select %or3A_1456, %broadcast_in_dim3A_29, %broadcast_in_dim3A_31 : vector<16xi1>, vector<16xi32>
    %add3A_1458 = arith.addi %add3A_1430, %select_n3A_1457 : vector<16xi32>
    %slice3A_1459 = vector.extract_strided_slice %add3A_22 {offsets = [14], sizes = [1], strides = [1]} : vector<16xf32> to vector<1xf32>
    %squeeze3A_1460 = vector.extract %slice3A_1459[0] : f32 from vector<1xf32>
    %gt3A_1461 = arith.constant 14 : i32
    %gt3A_1462 = vector.broadcast %gt3A_1461 : i32 to vector<16xi32>
    %gt3A_1463 = arith.cmpi sgt, %iota3A, %gt3A_1462 : vector<16xi32>
    %gt3A_1464 = vector.broadcast %squeeze3A_1460 : f32 to vector<16xf32>
    %gt3A_1465 = arith.cmpf ogt, %gt3A_1464, %add3A_12 : vector<16xf32>
    %select_n3A_1466 = arith.select %gt3A_1465, %broadcast_in_dim3A_29, %broadcast_in_dim3A_31 : vector<16xi1>, vector<16xi32>
    %add3A_1467 = arith.addi %add3A_1439, %select_n3A_1466 : vector<16xi32>
    %gt3A_1468 = vector.broadcast %squeeze3A_1460 : f32 to vector<16xf32>
    %gt3A_1469 = arith.cmpf ogt, %gt3A_1468, %add3A_17 : vector<16xf32>
    %select_n3A_1470 = arith.select %gt3A_1469, %broadcast_in_dim3A_29, %broadcast_in_dim3A_31 : vector<16xi1>, vector<16xi32>
    %add3A_1471 = arith.addi %add3A_1443, %select_n3A_1470 : vector<16xi32>
    %gt3A_1472 = vector.broadcast %squeeze3A_1460 : f32 to vector<16xf32>
    %gt3A_1473 = arith.cmpf ogt, %gt3A_1472, %add3A_22 : vector<16xf32>
    %eq3A_1474 = vector.broadcast %squeeze3A_1460 : f32 to vector<16xf32>
    %eq3A_1475 = arith.cmpf oeq, %eq3A_1474, %add3A_22 : vector<16xf32>
    %and3A_1476 = arith.andi %eq3A_1475, %gt3A_1463 : vector<16xi1>
    %or3A_1477 = arith.ori %gt3A_1473, %and3A_1476 : vector<16xi1>
    %select_n3A_1478 = arith.select %or3A_1477, %broadcast_in_dim3A_29, %broadcast_in_dim3A_31 : vector<16xi1>, vector<16xi32>
    %add3A_1479 = arith.addi %add3A_1451, %select_n3A_1478 : vector<16xi32>
    %gt3A_1480 = vector.broadcast %squeeze3A_1460 : f32 to vector<16xf32>
    %gt3A_1481 = arith.cmpf ogt, %gt3A_1480, %add3A_27 : vector<16xf32>
    %eq3A_1482 = vector.broadcast %squeeze3A_1460 : f32 to vector<16xf32>
    %eq3A_1483 = arith.cmpf oeq, %eq3A_1482, %add3A_27 : vector<16xf32>
    %or3A_1484 = arith.ori %gt3A_1481, %eq3A_1483 : vector<16xi1>
    %select_n3A_1485 = arith.select %or3A_1484, %broadcast_in_dim3A_29, %broadcast_in_dim3A_31 : vector<16xi1>, vector<16xi32>
    %add3A_1486 = arith.addi %add3A_1458, %select_n3A_1485 : vector<16xi32>
    %slice3A_1487 = vector.extract_strided_slice %add3A_22 {offsets = [15], sizes = [1], strides = [1]} : vector<16xf32> to vector<1xf32>
    %squeeze3A_1488 = vector.extract %slice3A_1487[0] : f32 from vector<1xf32>
    %gt3A_1489 = arith.constant 15 : i32
    %gt3A_1490 = vector.broadcast %gt3A_1489 : i32 to vector<16xi32>
    %gt3A_1491 = arith.cmpi sgt, %iota3A, %gt3A_1490 : vector<16xi32>
    %gt3A_1492 = vector.broadcast %squeeze3A_1488 : f32 to vector<16xf32>
    %gt3A_1493 = arith.cmpf ogt, %gt3A_1492, %add3A_12 : vector<16xf32>
    %select_n3A_1494 = arith.select %gt3A_1493, %broadcast_in_dim3A_29, %broadcast_in_dim3A_31 : vector<16xi1>, vector<16xi32>
    %add3A_1495 = arith.addi %add3A_1467, %select_n3A_1494 : vector<16xi32>
    %gt3A_1496 = vector.broadcast %squeeze3A_1488 : f32 to vector<16xf32>
    %gt3A_1497 = arith.cmpf ogt, %gt3A_1496, %add3A_17 : vector<16xf32>
    %select_n3A_1498 = arith.select %gt3A_1497, %broadcast_in_dim3A_29, %broadcast_in_dim3A_31 : vector<16xi1>, vector<16xi32>
    %add3A_1499 = arith.addi %add3A_1471, %select_n3A_1498 : vector<16xi32>
    %gt3A_1500 = vector.broadcast %squeeze3A_1488 : f32 to vector<16xf32>
    %gt3A_1501 = arith.cmpf ogt, %gt3A_1500, %add3A_22 : vector<16xf32>
    %eq3A_1502 = vector.broadcast %squeeze3A_1488 : f32 to vector<16xf32>
    %eq3A_1503 = arith.cmpf oeq, %eq3A_1502, %add3A_22 : vector<16xf32>
    %and3A_1504 = arith.andi %eq3A_1503, %gt3A_1491 : vector<16xi1>
    %or3A_1505 = arith.ori %gt3A_1501, %and3A_1504 : vector<16xi1>
    %select_n3A_1506 = arith.select %or3A_1505, %broadcast_in_dim3A_29, %broadcast_in_dim3A_31 : vector<16xi1>, vector<16xi32>
    %add3A_1507 = arith.addi %add3A_1479, %select_n3A_1506 : vector<16xi32>
    %gt3A_1508 = vector.broadcast %squeeze3A_1488 : f32 to vector<16xf32>
    %gt3A_1509 = arith.cmpf ogt, %gt3A_1508, %add3A_27 : vector<16xf32>
    %eq3A_1510 = vector.broadcast %squeeze3A_1488 : f32 to vector<16xf32>
    %eq3A_1511 = arith.cmpf oeq, %eq3A_1510, %add3A_27 : vector<16xf32>
    %or3A_1512 = arith.ori %gt3A_1509, %eq3A_1511 : vector<16xi1>
    %select_n3A_1513 = arith.select %or3A_1512, %broadcast_in_dim3A_29, %broadcast_in_dim3A_31 : vector<16xi1>, vector<16xi32>
    %add3A_1514 = arith.addi %add3A_1486, %select_n3A_1513 : vector<16xi32>
    %slice3A_1515 = vector.extract_strided_slice %add3A_27 {offsets = [0], sizes = [1], strides = [1]} : vector<16xf32> to vector<1xf32>
    %squeeze3A_1516 = vector.extract %slice3A_1515[0] : f32 from vector<1xf32>
    %gt3A_1517 = arith.constant 0 : i32
    %gt3A_1518 = vector.broadcast %gt3A_1517 : i32 to vector<16xi32>
    %gt3A_1519 = arith.cmpi sgt, %iota3A, %gt3A_1518 : vector<16xi32>
    %gt3A_1520 = vector.broadcast %squeeze3A_1516 : f32 to vector<16xf32>
    %gt3A_1521 = arith.cmpf ogt, %gt3A_1520, %add3A_12 : vector<16xf32>
    %select_n3A_1522 = arith.select %gt3A_1521, %broadcast_in_dim3A_29, %broadcast_in_dim3A_31 : vector<16xi1>, vector<16xi32>
    %add3A_1523 = arith.addi %add3A_1495, %select_n3A_1522 : vector<16xi32>
    %gt3A_1524 = vector.broadcast %squeeze3A_1516 : f32 to vector<16xf32>
    %gt3A_1525 = arith.cmpf ogt, %gt3A_1524, %add3A_17 : vector<16xf32>
    %select_n3A_1526 = arith.select %gt3A_1525, %broadcast_in_dim3A_29, %broadcast_in_dim3A_31 : vector<16xi1>, vector<16xi32>
    %add3A_1527 = arith.addi %add3A_1499, %select_n3A_1526 : vector<16xi32>
    %gt3A_1528 = vector.broadcast %squeeze3A_1516 : f32 to vector<16xf32>
    %gt3A_1529 = arith.cmpf ogt, %gt3A_1528, %add3A_22 : vector<16xf32>
    %select_n3A_1530 = arith.select %gt3A_1529, %broadcast_in_dim3A_29, %broadcast_in_dim3A_31 : vector<16xi1>, vector<16xi32>
    %add3A_1531 = arith.addi %add3A_1507, %select_n3A_1530 : vector<16xi32>
    %gt3A_1532 = vector.broadcast %squeeze3A_1516 : f32 to vector<16xf32>
    %gt3A_1533 = arith.cmpf ogt, %gt3A_1532, %add3A_27 : vector<16xf32>
    %eq3A_1534 = vector.broadcast %squeeze3A_1516 : f32 to vector<16xf32>
    %eq3A_1535 = arith.cmpf oeq, %eq3A_1534, %add3A_27 : vector<16xf32>
    %and3A_1536 = arith.andi %eq3A_1535, %gt3A_1519 : vector<16xi1>
    %or3A_1537 = arith.ori %gt3A_1533, %and3A_1536 : vector<16xi1>
    %select_n3A_1538 = arith.select %or3A_1537, %broadcast_in_dim3A_29, %broadcast_in_dim3A_31 : vector<16xi1>, vector<16xi32>
    %add3A_1539 = arith.addi %add3A_1514, %select_n3A_1538 : vector<16xi32>
    %slice3A_1540 = vector.extract_strided_slice %add3A_27 {offsets = [1], sizes = [1], strides = [1]} : vector<16xf32> to vector<1xf32>
    %squeeze3A_1541 = vector.extract %slice3A_1540[0] : f32 from vector<1xf32>
    %gt3A_1542 = arith.constant 1 : i32
    %gt3A_1543 = vector.broadcast %gt3A_1542 : i32 to vector<16xi32>
    %gt3A_1544 = arith.cmpi sgt, %iota3A, %gt3A_1543 : vector<16xi32>
    %gt3A_1545 = vector.broadcast %squeeze3A_1541 : f32 to vector<16xf32>
    %gt3A_1546 = arith.cmpf ogt, %gt3A_1545, %add3A_12 : vector<16xf32>
    %select_n3A_1547 = arith.select %gt3A_1546, %broadcast_in_dim3A_29, %broadcast_in_dim3A_31 : vector<16xi1>, vector<16xi32>
    %add3A_1548 = arith.addi %add3A_1523, %select_n3A_1547 : vector<16xi32>
    %gt3A_1549 = vector.broadcast %squeeze3A_1541 : f32 to vector<16xf32>
    %gt3A_1550 = arith.cmpf ogt, %gt3A_1549, %add3A_17 : vector<16xf32>
    %select_n3A_1551 = arith.select %gt3A_1550, %broadcast_in_dim3A_29, %broadcast_in_dim3A_31 : vector<16xi1>, vector<16xi32>
    %add3A_1552 = arith.addi %add3A_1527, %select_n3A_1551 : vector<16xi32>
    %gt3A_1553 = vector.broadcast %squeeze3A_1541 : f32 to vector<16xf32>
    %gt3A_1554 = arith.cmpf ogt, %gt3A_1553, %add3A_22 : vector<16xf32>
    %select_n3A_1555 = arith.select %gt3A_1554, %broadcast_in_dim3A_29, %broadcast_in_dim3A_31 : vector<16xi1>, vector<16xi32>
    %add3A_1556 = arith.addi %add3A_1531, %select_n3A_1555 : vector<16xi32>
    %gt3A_1557 = vector.broadcast %squeeze3A_1541 : f32 to vector<16xf32>
    %gt3A_1558 = arith.cmpf ogt, %gt3A_1557, %add3A_27 : vector<16xf32>
    %eq3A_1559 = vector.broadcast %squeeze3A_1541 : f32 to vector<16xf32>
    %eq3A_1560 = arith.cmpf oeq, %eq3A_1559, %add3A_27 : vector<16xf32>
    %and3A_1561 = arith.andi %eq3A_1560, %gt3A_1544 : vector<16xi1>
    %or3A_1562 = arith.ori %gt3A_1558, %and3A_1561 : vector<16xi1>
    %select_n3A_1563 = arith.select %or3A_1562, %broadcast_in_dim3A_29, %broadcast_in_dim3A_31 : vector<16xi1>, vector<16xi32>
    %add3A_1564 = arith.addi %add3A_1539, %select_n3A_1563 : vector<16xi32>
    %slice3A_1565 = vector.extract_strided_slice %add3A_27 {offsets = [2], sizes = [1], strides = [1]} : vector<16xf32> to vector<1xf32>
    %squeeze3A_1566 = vector.extract %slice3A_1565[0] : f32 from vector<1xf32>
    %gt3A_1567 = arith.constant 2 : i32
    %gt3A_1568 = vector.broadcast %gt3A_1567 : i32 to vector<16xi32>
    %gt3A_1569 = arith.cmpi sgt, %iota3A, %gt3A_1568 : vector<16xi32>
    %gt3A_1570 = vector.broadcast %squeeze3A_1566 : f32 to vector<16xf32>
    %gt3A_1571 = arith.cmpf ogt, %gt3A_1570, %add3A_12 : vector<16xf32>
    %select_n3A_1572 = arith.select %gt3A_1571, %broadcast_in_dim3A_29, %broadcast_in_dim3A_31 : vector<16xi1>, vector<16xi32>
    %add3A_1573 = arith.addi %add3A_1548, %select_n3A_1572 : vector<16xi32>
    %gt3A_1574 = vector.broadcast %squeeze3A_1566 : f32 to vector<16xf32>
    %gt3A_1575 = arith.cmpf ogt, %gt3A_1574, %add3A_17 : vector<16xf32>
    %select_n3A_1576 = arith.select %gt3A_1575, %broadcast_in_dim3A_29, %broadcast_in_dim3A_31 : vector<16xi1>, vector<16xi32>
    %add3A_1577 = arith.addi %add3A_1552, %select_n3A_1576 : vector<16xi32>
    %gt3A_1578 = vector.broadcast %squeeze3A_1566 : f32 to vector<16xf32>
    %gt3A_1579 = arith.cmpf ogt, %gt3A_1578, %add3A_22 : vector<16xf32>
    %select_n3A_1580 = arith.select %gt3A_1579, %broadcast_in_dim3A_29, %broadcast_in_dim3A_31 : vector<16xi1>, vector<16xi32>
    %add3A_1581 = arith.addi %add3A_1556, %select_n3A_1580 : vector<16xi32>
    %gt3A_1582 = vector.broadcast %squeeze3A_1566 : f32 to vector<16xf32>
    %gt3A_1583 = arith.cmpf ogt, %gt3A_1582, %add3A_27 : vector<16xf32>
    %eq3A_1584 = vector.broadcast %squeeze3A_1566 : f32 to vector<16xf32>
    %eq3A_1585 = arith.cmpf oeq, %eq3A_1584, %add3A_27 : vector<16xf32>
    %and3A_1586 = arith.andi %eq3A_1585, %gt3A_1569 : vector<16xi1>
    %or3A_1587 = arith.ori %gt3A_1583, %and3A_1586 : vector<16xi1>
    %select_n3A_1588 = arith.select %or3A_1587, %broadcast_in_dim3A_29, %broadcast_in_dim3A_31 : vector<16xi1>, vector<16xi32>
    %add3A_1589 = arith.addi %add3A_1564, %select_n3A_1588 : vector<16xi32>
    %slice3A_1590 = vector.extract_strided_slice %add3A_27 {offsets = [3], sizes = [1], strides = [1]} : vector<16xf32> to vector<1xf32>
    %squeeze3A_1591 = vector.extract %slice3A_1590[0] : f32 from vector<1xf32>
    %gt3A_1592 = arith.constant 3 : i32
    %gt3A_1593 = vector.broadcast %gt3A_1592 : i32 to vector<16xi32>
    %gt3A_1594 = arith.cmpi sgt, %iota3A, %gt3A_1593 : vector<16xi32>
    %gt3A_1595 = vector.broadcast %squeeze3A_1591 : f32 to vector<16xf32>
    %gt3A_1596 = arith.cmpf ogt, %gt3A_1595, %add3A_12 : vector<16xf32>
    %select_n3A_1597 = arith.select %gt3A_1596, %broadcast_in_dim3A_29, %broadcast_in_dim3A_31 : vector<16xi1>, vector<16xi32>
    %add3A_1598 = arith.addi %add3A_1573, %select_n3A_1597 : vector<16xi32>
    %gt3A_1599 = vector.broadcast %squeeze3A_1591 : f32 to vector<16xf32>
    %gt3A_1600 = arith.cmpf ogt, %gt3A_1599, %add3A_17 : vector<16xf32>
    %select_n3A_1601 = arith.select %gt3A_1600, %broadcast_in_dim3A_29, %broadcast_in_dim3A_31 : vector<16xi1>, vector<16xi32>
    %add3A_1602 = arith.addi %add3A_1577, %select_n3A_1601 : vector<16xi32>
    %gt3A_1603 = vector.broadcast %squeeze3A_1591 : f32 to vector<16xf32>
    %gt3A_1604 = arith.cmpf ogt, %gt3A_1603, %add3A_22 : vector<16xf32>
    %select_n3A_1605 = arith.select %gt3A_1604, %broadcast_in_dim3A_29, %broadcast_in_dim3A_31 : vector<16xi1>, vector<16xi32>
    %add3A_1606 = arith.addi %add3A_1581, %select_n3A_1605 : vector<16xi32>
    %gt3A_1607 = vector.broadcast %squeeze3A_1591 : f32 to vector<16xf32>
    %gt3A_1608 = arith.cmpf ogt, %gt3A_1607, %add3A_27 : vector<16xf32>
    %eq3A_1609 = vector.broadcast %squeeze3A_1591 : f32 to vector<16xf32>
    %eq3A_1610 = arith.cmpf oeq, %eq3A_1609, %add3A_27 : vector<16xf32>
    %and3A_1611 = arith.andi %eq3A_1610, %gt3A_1594 : vector<16xi1>
    %or3A_1612 = arith.ori %gt3A_1608, %and3A_1611 : vector<16xi1>
    %select_n3A_1613 = arith.select %or3A_1612, %broadcast_in_dim3A_29, %broadcast_in_dim3A_31 : vector<16xi1>, vector<16xi32>
    %add3A_1614 = arith.addi %add3A_1589, %select_n3A_1613 : vector<16xi32>
    %slice3A_1615 = vector.extract_strided_slice %add3A_27 {offsets = [4], sizes = [1], strides = [1]} : vector<16xf32> to vector<1xf32>
    %squeeze3A_1616 = vector.extract %slice3A_1615[0] : f32 from vector<1xf32>
    %gt3A_1617 = arith.constant 4 : i32
    %gt3A_1618 = vector.broadcast %gt3A_1617 : i32 to vector<16xi32>
    %gt3A_1619 = arith.cmpi sgt, %iota3A, %gt3A_1618 : vector<16xi32>
    %gt3A_1620 = vector.broadcast %squeeze3A_1616 : f32 to vector<16xf32>
    %gt3A_1621 = arith.cmpf ogt, %gt3A_1620, %add3A_12 : vector<16xf32>
    %select_n3A_1622 = arith.select %gt3A_1621, %broadcast_in_dim3A_29, %broadcast_in_dim3A_31 : vector<16xi1>, vector<16xi32>
    %add3A_1623 = arith.addi %add3A_1598, %select_n3A_1622 : vector<16xi32>
    %gt3A_1624 = vector.broadcast %squeeze3A_1616 : f32 to vector<16xf32>
    %gt3A_1625 = arith.cmpf ogt, %gt3A_1624, %add3A_17 : vector<16xf32>
    %select_n3A_1626 = arith.select %gt3A_1625, %broadcast_in_dim3A_29, %broadcast_in_dim3A_31 : vector<16xi1>, vector<16xi32>
    %add3A_1627 = arith.addi %add3A_1602, %select_n3A_1626 : vector<16xi32>
    %gt3A_1628 = vector.broadcast %squeeze3A_1616 : f32 to vector<16xf32>
    %gt3A_1629 = arith.cmpf ogt, %gt3A_1628, %add3A_22 : vector<16xf32>
    %select_n3A_1630 = arith.select %gt3A_1629, %broadcast_in_dim3A_29, %broadcast_in_dim3A_31 : vector<16xi1>, vector<16xi32>
    %add3A_1631 = arith.addi %add3A_1606, %select_n3A_1630 : vector<16xi32>
    %gt3A_1632 = vector.broadcast %squeeze3A_1616 : f32 to vector<16xf32>
    %gt3A_1633 = arith.cmpf ogt, %gt3A_1632, %add3A_27 : vector<16xf32>
    %eq3A_1634 = vector.broadcast %squeeze3A_1616 : f32 to vector<16xf32>
    %eq3A_1635 = arith.cmpf oeq, %eq3A_1634, %add3A_27 : vector<16xf32>
    %and3A_1636 = arith.andi %eq3A_1635, %gt3A_1619 : vector<16xi1>
    %or3A_1637 = arith.ori %gt3A_1633, %and3A_1636 : vector<16xi1>
    %select_n3A_1638 = arith.select %or3A_1637, %broadcast_in_dim3A_29, %broadcast_in_dim3A_31 : vector<16xi1>, vector<16xi32>
    %add3A_1639 = arith.addi %add3A_1614, %select_n3A_1638 : vector<16xi32>
    %slice3A_1640 = vector.extract_strided_slice %add3A_27 {offsets = [5], sizes = [1], strides = [1]} : vector<16xf32> to vector<1xf32>
    %squeeze3A_1641 = vector.extract %slice3A_1640[0] : f32 from vector<1xf32>
    %gt3A_1642 = arith.constant 5 : i32
    %gt3A_1643 = vector.broadcast %gt3A_1642 : i32 to vector<16xi32>
    %gt3A_1644 = arith.cmpi sgt, %iota3A, %gt3A_1643 : vector<16xi32>
    %gt3A_1645 = vector.broadcast %squeeze3A_1641 : f32 to vector<16xf32>
    %gt3A_1646 = arith.cmpf ogt, %gt3A_1645, %add3A_12 : vector<16xf32>
    %select_n3A_1647 = arith.select %gt3A_1646, %broadcast_in_dim3A_29, %broadcast_in_dim3A_31 : vector<16xi1>, vector<16xi32>
    %add3A_1648 = arith.addi %add3A_1623, %select_n3A_1647 : vector<16xi32>
    %gt3A_1649 = vector.broadcast %squeeze3A_1641 : f32 to vector<16xf32>
    %gt3A_1650 = arith.cmpf ogt, %gt3A_1649, %add3A_17 : vector<16xf32>
    %select_n3A_1651 = arith.select %gt3A_1650, %broadcast_in_dim3A_29, %broadcast_in_dim3A_31 : vector<16xi1>, vector<16xi32>
    %add3A_1652 = arith.addi %add3A_1627, %select_n3A_1651 : vector<16xi32>
    %gt3A_1653 = vector.broadcast %squeeze3A_1641 : f32 to vector<16xf32>
    %gt3A_1654 = arith.cmpf ogt, %gt3A_1653, %add3A_22 : vector<16xf32>
    %select_n3A_1655 = arith.select %gt3A_1654, %broadcast_in_dim3A_29, %broadcast_in_dim3A_31 : vector<16xi1>, vector<16xi32>
    %add3A_1656 = arith.addi %add3A_1631, %select_n3A_1655 : vector<16xi32>
    %gt3A_1657 = vector.broadcast %squeeze3A_1641 : f32 to vector<16xf32>
    %gt3A_1658 = arith.cmpf ogt, %gt3A_1657, %add3A_27 : vector<16xf32>
    %eq3A_1659 = vector.broadcast %squeeze3A_1641 : f32 to vector<16xf32>
    %eq3A_1660 = arith.cmpf oeq, %eq3A_1659, %add3A_27 : vector<16xf32>
    %and3A_1661 = arith.andi %eq3A_1660, %gt3A_1644 : vector<16xi1>
    %or3A_1662 = arith.ori %gt3A_1658, %and3A_1661 : vector<16xi1>
    %select_n3A_1663 = arith.select %or3A_1662, %broadcast_in_dim3A_29, %broadcast_in_dim3A_31 : vector<16xi1>, vector<16xi32>
    %add3A_1664 = arith.addi %add3A_1639, %select_n3A_1663 : vector<16xi32>
    %slice3A_1665 = vector.extract_strided_slice %add3A_27 {offsets = [6], sizes = [1], strides = [1]} : vector<16xf32> to vector<1xf32>
    %squeeze3A_1666 = vector.extract %slice3A_1665[0] : f32 from vector<1xf32>
    %gt3A_1667 = arith.constant 6 : i32
    %gt3A_1668 = vector.broadcast %gt3A_1667 : i32 to vector<16xi32>
    %gt3A_1669 = arith.cmpi sgt, %iota3A, %gt3A_1668 : vector<16xi32>
    %gt3A_1670 = vector.broadcast %squeeze3A_1666 : f32 to vector<16xf32>
    %gt3A_1671 = arith.cmpf ogt, %gt3A_1670, %add3A_12 : vector<16xf32>
    %select_n3A_1672 = arith.select %gt3A_1671, %broadcast_in_dim3A_29, %broadcast_in_dim3A_31 : vector<16xi1>, vector<16xi32>
    %add3A_1673 = arith.addi %add3A_1648, %select_n3A_1672 : vector<16xi32>
    %gt3A_1674 = vector.broadcast %squeeze3A_1666 : f32 to vector<16xf32>
    %gt3A_1675 = arith.cmpf ogt, %gt3A_1674, %add3A_17 : vector<16xf32>
    %select_n3A_1676 = arith.select %gt3A_1675, %broadcast_in_dim3A_29, %broadcast_in_dim3A_31 : vector<16xi1>, vector<16xi32>
    %add3A_1677 = arith.addi %add3A_1652, %select_n3A_1676 : vector<16xi32>
    %gt3A_1678 = vector.broadcast %squeeze3A_1666 : f32 to vector<16xf32>
    %gt3A_1679 = arith.cmpf ogt, %gt3A_1678, %add3A_22 : vector<16xf32>
    %select_n3A_1680 = arith.select %gt3A_1679, %broadcast_in_dim3A_29, %broadcast_in_dim3A_31 : vector<16xi1>, vector<16xi32>
    %add3A_1681 = arith.addi %add3A_1656, %select_n3A_1680 : vector<16xi32>
    %gt3A_1682 = vector.broadcast %squeeze3A_1666 : f32 to vector<16xf32>
    %gt3A_1683 = arith.cmpf ogt, %gt3A_1682, %add3A_27 : vector<16xf32>
    %eq3A_1684 = vector.broadcast %squeeze3A_1666 : f32 to vector<16xf32>
    %eq3A_1685 = arith.cmpf oeq, %eq3A_1684, %add3A_27 : vector<16xf32>
    %and3A_1686 = arith.andi %eq3A_1685, %gt3A_1669 : vector<16xi1>
    %or3A_1687 = arith.ori %gt3A_1683, %and3A_1686 : vector<16xi1>
    %select_n3A_1688 = arith.select %or3A_1687, %broadcast_in_dim3A_29, %broadcast_in_dim3A_31 : vector<16xi1>, vector<16xi32>
    %add3A_1689 = arith.addi %add3A_1664, %select_n3A_1688 : vector<16xi32>
    %slice3A_1690 = vector.extract_strided_slice %add3A_27 {offsets = [7], sizes = [1], strides = [1]} : vector<16xf32> to vector<1xf32>
    %squeeze3A_1691 = vector.extract %slice3A_1690[0] : f32 from vector<1xf32>
    %gt3A_1692 = arith.constant 7 : i32
    %gt3A_1693 = vector.broadcast %gt3A_1692 : i32 to vector<16xi32>
    %gt3A_1694 = arith.cmpi sgt, %iota3A, %gt3A_1693 : vector<16xi32>
    %gt3A_1695 = vector.broadcast %squeeze3A_1691 : f32 to vector<16xf32>
    %gt3A_1696 = arith.cmpf ogt, %gt3A_1695, %add3A_12 : vector<16xf32>
    %select_n3A_1697 = arith.select %gt3A_1696, %broadcast_in_dim3A_29, %broadcast_in_dim3A_31 : vector<16xi1>, vector<16xi32>
    %add3A_1698 = arith.addi %add3A_1673, %select_n3A_1697 : vector<16xi32>
    %gt3A_1699 = vector.broadcast %squeeze3A_1691 : f32 to vector<16xf32>
    %gt3A_1700 = arith.cmpf ogt, %gt3A_1699, %add3A_17 : vector<16xf32>
    %select_n3A_1701 = arith.select %gt3A_1700, %broadcast_in_dim3A_29, %broadcast_in_dim3A_31 : vector<16xi1>, vector<16xi32>
    %add3A_1702 = arith.addi %add3A_1677, %select_n3A_1701 : vector<16xi32>
    %gt3A_1703 = vector.broadcast %squeeze3A_1691 : f32 to vector<16xf32>
    %gt3A_1704 = arith.cmpf ogt, %gt3A_1703, %add3A_22 : vector<16xf32>
    %select_n3A_1705 = arith.select %gt3A_1704, %broadcast_in_dim3A_29, %broadcast_in_dim3A_31 : vector<16xi1>, vector<16xi32>
    %add3A_1706 = arith.addi %add3A_1681, %select_n3A_1705 : vector<16xi32>
    %gt3A_1707 = vector.broadcast %squeeze3A_1691 : f32 to vector<16xf32>
    %gt3A_1708 = arith.cmpf ogt, %gt3A_1707, %add3A_27 : vector<16xf32>
    %eq3A_1709 = vector.broadcast %squeeze3A_1691 : f32 to vector<16xf32>
    %eq3A_1710 = arith.cmpf oeq, %eq3A_1709, %add3A_27 : vector<16xf32>
    %and3A_1711 = arith.andi %eq3A_1710, %gt3A_1694 : vector<16xi1>
    %or3A_1712 = arith.ori %gt3A_1708, %and3A_1711 : vector<16xi1>
    %select_n3A_1713 = arith.select %or3A_1712, %broadcast_in_dim3A_29, %broadcast_in_dim3A_31 : vector<16xi1>, vector<16xi32>
    %add3A_1714 = arith.addi %add3A_1689, %select_n3A_1713 : vector<16xi32>
    %slice3A_1715 = vector.extract_strided_slice %add3A_27 {offsets = [8], sizes = [1], strides = [1]} : vector<16xf32> to vector<1xf32>
    %squeeze3A_1716 = vector.extract %slice3A_1715[0] : f32 from vector<1xf32>
    %gt3A_1717 = arith.constant 8 : i32
    %gt3A_1718 = vector.broadcast %gt3A_1717 : i32 to vector<16xi32>
    %gt3A_1719 = arith.cmpi sgt, %iota3A, %gt3A_1718 : vector<16xi32>
    %gt3A_1720 = vector.broadcast %squeeze3A_1716 : f32 to vector<16xf32>
    %gt3A_1721 = arith.cmpf ogt, %gt3A_1720, %add3A_12 : vector<16xf32>
    %select_n3A_1722 = arith.select %gt3A_1721, %broadcast_in_dim3A_29, %broadcast_in_dim3A_31 : vector<16xi1>, vector<16xi32>
    %add3A_1723 = arith.addi %add3A_1698, %select_n3A_1722 : vector<16xi32>
    %gt3A_1724 = vector.broadcast %squeeze3A_1716 : f32 to vector<16xf32>
    %gt3A_1725 = arith.cmpf ogt, %gt3A_1724, %add3A_17 : vector<16xf32>
    %select_n3A_1726 = arith.select %gt3A_1725, %broadcast_in_dim3A_29, %broadcast_in_dim3A_31 : vector<16xi1>, vector<16xi32>
    %add3A_1727 = arith.addi %add3A_1702, %select_n3A_1726 : vector<16xi32>
    %gt3A_1728 = vector.broadcast %squeeze3A_1716 : f32 to vector<16xf32>
    %gt3A_1729 = arith.cmpf ogt, %gt3A_1728, %add3A_22 : vector<16xf32>
    %select_n3A_1730 = arith.select %gt3A_1729, %broadcast_in_dim3A_29, %broadcast_in_dim3A_31 : vector<16xi1>, vector<16xi32>
    %add3A_1731 = arith.addi %add3A_1706, %select_n3A_1730 : vector<16xi32>
    %gt3A_1732 = vector.broadcast %squeeze3A_1716 : f32 to vector<16xf32>
    %gt3A_1733 = arith.cmpf ogt, %gt3A_1732, %add3A_27 : vector<16xf32>
    %eq3A_1734 = vector.broadcast %squeeze3A_1716 : f32 to vector<16xf32>
    %eq3A_1735 = arith.cmpf oeq, %eq3A_1734, %add3A_27 : vector<16xf32>
    %and3A_1736 = arith.andi %eq3A_1735, %gt3A_1719 : vector<16xi1>
    %or3A_1737 = arith.ori %gt3A_1733, %and3A_1736 : vector<16xi1>
    %select_n3A_1738 = arith.select %or3A_1737, %broadcast_in_dim3A_29, %broadcast_in_dim3A_31 : vector<16xi1>, vector<16xi32>
    %add3A_1739 = arith.addi %add3A_1714, %select_n3A_1738 : vector<16xi32>
    %slice3A_1740 = vector.extract_strided_slice %add3A_27 {offsets = [9], sizes = [1], strides = [1]} : vector<16xf32> to vector<1xf32>
    %squeeze3A_1741 = vector.extract %slice3A_1740[0] : f32 from vector<1xf32>
    %gt3A_1742 = arith.constant 9 : i32
    %gt3A_1743 = vector.broadcast %gt3A_1742 : i32 to vector<16xi32>
    %gt3A_1744 = arith.cmpi sgt, %iota3A, %gt3A_1743 : vector<16xi32>
    %gt3A_1745 = vector.broadcast %squeeze3A_1741 : f32 to vector<16xf32>
    %gt3A_1746 = arith.cmpf ogt, %gt3A_1745, %add3A_12 : vector<16xf32>
    %select_n3A_1747 = arith.select %gt3A_1746, %broadcast_in_dim3A_29, %broadcast_in_dim3A_31 : vector<16xi1>, vector<16xi32>
    %add3A_1748 = arith.addi %add3A_1723, %select_n3A_1747 : vector<16xi32>
    %gt3A_1749 = vector.broadcast %squeeze3A_1741 : f32 to vector<16xf32>
    %gt3A_1750 = arith.cmpf ogt, %gt3A_1749, %add3A_17 : vector<16xf32>
    %select_n3A_1751 = arith.select %gt3A_1750, %broadcast_in_dim3A_29, %broadcast_in_dim3A_31 : vector<16xi1>, vector<16xi32>
    %add3A_1752 = arith.addi %add3A_1727, %select_n3A_1751 : vector<16xi32>
    %gt3A_1753 = vector.broadcast %squeeze3A_1741 : f32 to vector<16xf32>
    %gt3A_1754 = arith.cmpf ogt, %gt3A_1753, %add3A_22 : vector<16xf32>
    %select_n3A_1755 = arith.select %gt3A_1754, %broadcast_in_dim3A_29, %broadcast_in_dim3A_31 : vector<16xi1>, vector<16xi32>
    %add3A_1756 = arith.addi %add3A_1731, %select_n3A_1755 : vector<16xi32>
    %gt3A_1757 = vector.broadcast %squeeze3A_1741 : f32 to vector<16xf32>
    %gt3A_1758 = arith.cmpf ogt, %gt3A_1757, %add3A_27 : vector<16xf32>
    %eq3A_1759 = vector.broadcast %squeeze3A_1741 : f32 to vector<16xf32>
    %eq3A_1760 = arith.cmpf oeq, %eq3A_1759, %add3A_27 : vector<16xf32>
    %and3A_1761 = arith.andi %eq3A_1760, %gt3A_1744 : vector<16xi1>
    %or3A_1762 = arith.ori %gt3A_1758, %and3A_1761 : vector<16xi1>
    %select_n3A_1763 = arith.select %or3A_1762, %broadcast_in_dim3A_29, %broadcast_in_dim3A_31 : vector<16xi1>, vector<16xi32>
    %add3A_1764 = arith.addi %add3A_1739, %select_n3A_1763 : vector<16xi32>
    %slice3A_1765 = vector.extract_strided_slice %add3A_27 {offsets = [10], sizes = [1], strides = [1]} : vector<16xf32> to vector<1xf32>
    %squeeze3A_1766 = vector.extract %slice3A_1765[0] : f32 from vector<1xf32>
    %gt3A_1767 = arith.constant 10 : i32
    %gt3A_1768 = vector.broadcast %gt3A_1767 : i32 to vector<16xi32>
    %gt3A_1769 = arith.cmpi sgt, %iota3A, %gt3A_1768 : vector<16xi32>
    %gt3A_1770 = vector.broadcast %squeeze3A_1766 : f32 to vector<16xf32>
    %gt3A_1771 = arith.cmpf ogt, %gt3A_1770, %add3A_12 : vector<16xf32>
    %select_n3A_1772 = arith.select %gt3A_1771, %broadcast_in_dim3A_29, %broadcast_in_dim3A_31 : vector<16xi1>, vector<16xi32>
    %add3A_1773 = arith.addi %add3A_1748, %select_n3A_1772 : vector<16xi32>
    %gt3A_1774 = vector.broadcast %squeeze3A_1766 : f32 to vector<16xf32>
    %gt3A_1775 = arith.cmpf ogt, %gt3A_1774, %add3A_17 : vector<16xf32>
    %select_n3A_1776 = arith.select %gt3A_1775, %broadcast_in_dim3A_29, %broadcast_in_dim3A_31 : vector<16xi1>, vector<16xi32>
    %add3A_1777 = arith.addi %add3A_1752, %select_n3A_1776 : vector<16xi32>
    %gt3A_1778 = vector.broadcast %squeeze3A_1766 : f32 to vector<16xf32>
    %gt3A_1779 = arith.cmpf ogt, %gt3A_1778, %add3A_22 : vector<16xf32>
    %select_n3A_1780 = arith.select %gt3A_1779, %broadcast_in_dim3A_29, %broadcast_in_dim3A_31 : vector<16xi1>, vector<16xi32>
    %add3A_1781 = arith.addi %add3A_1756, %select_n3A_1780 : vector<16xi32>
    %gt3A_1782 = vector.broadcast %squeeze3A_1766 : f32 to vector<16xf32>
    %gt3A_1783 = arith.cmpf ogt, %gt3A_1782, %add3A_27 : vector<16xf32>
    %eq3A_1784 = vector.broadcast %squeeze3A_1766 : f32 to vector<16xf32>
    %eq3A_1785 = arith.cmpf oeq, %eq3A_1784, %add3A_27 : vector<16xf32>
    %and3A_1786 = arith.andi %eq3A_1785, %gt3A_1769 : vector<16xi1>
    %or3A_1787 = arith.ori %gt3A_1783, %and3A_1786 : vector<16xi1>
    %select_n3A_1788 = arith.select %or3A_1787, %broadcast_in_dim3A_29, %broadcast_in_dim3A_31 : vector<16xi1>, vector<16xi32>
    %add3A_1789 = arith.addi %add3A_1764, %select_n3A_1788 : vector<16xi32>
    %slice3A_1790 = vector.extract_strided_slice %add3A_27 {offsets = [11], sizes = [1], strides = [1]} : vector<16xf32> to vector<1xf32>
    %squeeze3A_1791 = vector.extract %slice3A_1790[0] : f32 from vector<1xf32>
    %gt3A_1792 = arith.constant 11 : i32
    %gt3A_1793 = vector.broadcast %gt3A_1792 : i32 to vector<16xi32>
    %gt3A_1794 = arith.cmpi sgt, %iota3A, %gt3A_1793 : vector<16xi32>
    %gt3A_1795 = vector.broadcast %squeeze3A_1791 : f32 to vector<16xf32>
    %gt3A_1796 = arith.cmpf ogt, %gt3A_1795, %add3A_12 : vector<16xf32>
    %select_n3A_1797 = arith.select %gt3A_1796, %broadcast_in_dim3A_29, %broadcast_in_dim3A_31 : vector<16xi1>, vector<16xi32>
    %add3A_1798 = arith.addi %add3A_1773, %select_n3A_1797 : vector<16xi32>
    %gt3A_1799 = vector.broadcast %squeeze3A_1791 : f32 to vector<16xf32>
    %gt3A_1800 = arith.cmpf ogt, %gt3A_1799, %add3A_17 : vector<16xf32>
    %select_n3A_1801 = arith.select %gt3A_1800, %broadcast_in_dim3A_29, %broadcast_in_dim3A_31 : vector<16xi1>, vector<16xi32>
    %add3A_1802 = arith.addi %add3A_1777, %select_n3A_1801 : vector<16xi32>
    %gt3A_1803 = vector.broadcast %squeeze3A_1791 : f32 to vector<16xf32>
    %gt3A_1804 = arith.cmpf ogt, %gt3A_1803, %add3A_22 : vector<16xf32>
    %select_n3A_1805 = arith.select %gt3A_1804, %broadcast_in_dim3A_29, %broadcast_in_dim3A_31 : vector<16xi1>, vector<16xi32>
    %add3A_1806 = arith.addi %add3A_1781, %select_n3A_1805 : vector<16xi32>
    %gt3A_1807 = vector.broadcast %squeeze3A_1791 : f32 to vector<16xf32>
    %gt3A_1808 = arith.cmpf ogt, %gt3A_1807, %add3A_27 : vector<16xf32>
    %eq3A_1809 = vector.broadcast %squeeze3A_1791 : f32 to vector<16xf32>
    %eq3A_1810 = arith.cmpf oeq, %eq3A_1809, %add3A_27 : vector<16xf32>
    %and3A_1811 = arith.andi %eq3A_1810, %gt3A_1794 : vector<16xi1>
    %or3A_1812 = arith.ori %gt3A_1808, %and3A_1811 : vector<16xi1>
    %select_n3A_1813 = arith.select %or3A_1812, %broadcast_in_dim3A_29, %broadcast_in_dim3A_31 : vector<16xi1>, vector<16xi32>
    %add3A_1814 = arith.addi %add3A_1789, %select_n3A_1813 : vector<16xi32>
    %slice3A_1815 = vector.extract_strided_slice %add3A_27 {offsets = [12], sizes = [1], strides = [1]} : vector<16xf32> to vector<1xf32>
    %squeeze3A_1816 = vector.extract %slice3A_1815[0] : f32 from vector<1xf32>
    %gt3A_1817 = arith.constant 12 : i32
    %gt3A_1818 = vector.broadcast %gt3A_1817 : i32 to vector<16xi32>
    %gt3A_1819 = arith.cmpi sgt, %iota3A, %gt3A_1818 : vector<16xi32>
    %gt3A_1820 = vector.broadcast %squeeze3A_1816 : f32 to vector<16xf32>
    %gt3A_1821 = arith.cmpf ogt, %gt3A_1820, %add3A_12 : vector<16xf32>
    %select_n3A_1822 = arith.select %gt3A_1821, %broadcast_in_dim3A_29, %broadcast_in_dim3A_31 : vector<16xi1>, vector<16xi32>
    %add3A_1823 = arith.addi %add3A_1798, %select_n3A_1822 : vector<16xi32>
    %gt3A_1824 = vector.broadcast %squeeze3A_1816 : f32 to vector<16xf32>
    %gt3A_1825 = arith.cmpf ogt, %gt3A_1824, %add3A_17 : vector<16xf32>
    %select_n3A_1826 = arith.select %gt3A_1825, %broadcast_in_dim3A_29, %broadcast_in_dim3A_31 : vector<16xi1>, vector<16xi32>
    %add3A_1827 = arith.addi %add3A_1802, %select_n3A_1826 : vector<16xi32>
    %gt3A_1828 = vector.broadcast %squeeze3A_1816 : f32 to vector<16xf32>
    %gt3A_1829 = arith.cmpf ogt, %gt3A_1828, %add3A_22 : vector<16xf32>
    %select_n3A_1830 = arith.select %gt3A_1829, %broadcast_in_dim3A_29, %broadcast_in_dim3A_31 : vector<16xi1>, vector<16xi32>
    %add3A_1831 = arith.addi %add3A_1806, %select_n3A_1830 : vector<16xi32>
    %gt3A_1832 = vector.broadcast %squeeze3A_1816 : f32 to vector<16xf32>
    %gt3A_1833 = arith.cmpf ogt, %gt3A_1832, %add3A_27 : vector<16xf32>
    %eq3A_1834 = vector.broadcast %squeeze3A_1816 : f32 to vector<16xf32>
    %eq3A_1835 = arith.cmpf oeq, %eq3A_1834, %add3A_27 : vector<16xf32>
    %and3A_1836 = arith.andi %eq3A_1835, %gt3A_1819 : vector<16xi1>
    %or3A_1837 = arith.ori %gt3A_1833, %and3A_1836 : vector<16xi1>
    %select_n3A_1838 = arith.select %or3A_1837, %broadcast_in_dim3A_29, %broadcast_in_dim3A_31 : vector<16xi1>, vector<16xi32>
    %add3A_1839 = arith.addi %add3A_1814, %select_n3A_1838 : vector<16xi32>
    %slice3A_1840 = vector.extract_strided_slice %add3A_27 {offsets = [13], sizes = [1], strides = [1]} : vector<16xf32> to vector<1xf32>
    %squeeze3A_1841 = vector.extract %slice3A_1840[0] : f32 from vector<1xf32>
    %gt3A_1842 = arith.constant 13 : i32
    %gt3A_1843 = vector.broadcast %gt3A_1842 : i32 to vector<16xi32>
    %gt3A_1844 = arith.cmpi sgt, %iota3A, %gt3A_1843 : vector<16xi32>
    %gt3A_1845 = vector.broadcast %squeeze3A_1841 : f32 to vector<16xf32>
    %gt3A_1846 = arith.cmpf ogt, %gt3A_1845, %add3A_12 : vector<16xf32>
    %select_n3A_1847 = arith.select %gt3A_1846, %broadcast_in_dim3A_29, %broadcast_in_dim3A_31 : vector<16xi1>, vector<16xi32>
    %add3A_1848 = arith.addi %add3A_1823, %select_n3A_1847 : vector<16xi32>
    %gt3A_1849 = vector.broadcast %squeeze3A_1841 : f32 to vector<16xf32>
    %gt3A_1850 = arith.cmpf ogt, %gt3A_1849, %add3A_17 : vector<16xf32>
    %select_n3A_1851 = arith.select %gt3A_1850, %broadcast_in_dim3A_29, %broadcast_in_dim3A_31 : vector<16xi1>, vector<16xi32>
    %add3A_1852 = arith.addi %add3A_1827, %select_n3A_1851 : vector<16xi32>
    %gt3A_1853 = vector.broadcast %squeeze3A_1841 : f32 to vector<16xf32>
    %gt3A_1854 = arith.cmpf ogt, %gt3A_1853, %add3A_22 : vector<16xf32>
    %select_n3A_1855 = arith.select %gt3A_1854, %broadcast_in_dim3A_29, %broadcast_in_dim3A_31 : vector<16xi1>, vector<16xi32>
    %add3A_1856 = arith.addi %add3A_1831, %select_n3A_1855 : vector<16xi32>
    %gt3A_1857 = vector.broadcast %squeeze3A_1841 : f32 to vector<16xf32>
    %gt3A_1858 = arith.cmpf ogt, %gt3A_1857, %add3A_27 : vector<16xf32>
    %eq3A_1859 = vector.broadcast %squeeze3A_1841 : f32 to vector<16xf32>
    %eq3A_1860 = arith.cmpf oeq, %eq3A_1859, %add3A_27 : vector<16xf32>
    %and3A_1861 = arith.andi %eq3A_1860, %gt3A_1844 : vector<16xi1>
    %or3A_1862 = arith.ori %gt3A_1858, %and3A_1861 : vector<16xi1>
    %select_n3A_1863 = arith.select %or3A_1862, %broadcast_in_dim3A_29, %broadcast_in_dim3A_31 : vector<16xi1>, vector<16xi32>
    %add3A_1864 = arith.addi %add3A_1839, %select_n3A_1863 : vector<16xi32>
    %slice3A_1865 = vector.extract_strided_slice %add3A_27 {offsets = [14], sizes = [1], strides = [1]} : vector<16xf32> to vector<1xf32>
    %squeeze3A_1866 = vector.extract %slice3A_1865[0] : f32 from vector<1xf32>
    %gt3A_1867 = arith.constant 14 : i32
    %gt3A_1868 = vector.broadcast %gt3A_1867 : i32 to vector<16xi32>
    %gt3A_1869 = arith.cmpi sgt, %iota3A, %gt3A_1868 : vector<16xi32>
    %gt3A_1870 = vector.broadcast %squeeze3A_1866 : f32 to vector<16xf32>
    %gt3A_1871 = arith.cmpf ogt, %gt3A_1870, %add3A_12 : vector<16xf32>
    %select_n3A_1872 = arith.select %gt3A_1871, %broadcast_in_dim3A_29, %broadcast_in_dim3A_31 : vector<16xi1>, vector<16xi32>
    %add3A_1873 = arith.addi %add3A_1848, %select_n3A_1872 : vector<16xi32>
    %gt3A_1874 = vector.broadcast %squeeze3A_1866 : f32 to vector<16xf32>
    %gt3A_1875 = arith.cmpf ogt, %gt3A_1874, %add3A_17 : vector<16xf32>
    %select_n3A_1876 = arith.select %gt3A_1875, %broadcast_in_dim3A_29, %broadcast_in_dim3A_31 : vector<16xi1>, vector<16xi32>
    %add3A_1877 = arith.addi %add3A_1852, %select_n3A_1876 : vector<16xi32>
    %gt3A_1878 = vector.broadcast %squeeze3A_1866 : f32 to vector<16xf32>
    %gt3A_1879 = arith.cmpf ogt, %gt3A_1878, %add3A_22 : vector<16xf32>
    %select_n3A_1880 = arith.select %gt3A_1879, %broadcast_in_dim3A_29, %broadcast_in_dim3A_31 : vector<16xi1>, vector<16xi32>
    %add3A_1881 = arith.addi %add3A_1856, %select_n3A_1880 : vector<16xi32>
    %gt3A_1882 = vector.broadcast %squeeze3A_1866 : f32 to vector<16xf32>
    %gt3A_1883 = arith.cmpf ogt, %gt3A_1882, %add3A_27 : vector<16xf32>
    %eq3A_1884 = vector.broadcast %squeeze3A_1866 : f32 to vector<16xf32>
    %eq3A_1885 = arith.cmpf oeq, %eq3A_1884, %add3A_27 : vector<16xf32>
    %and3A_1886 = arith.andi %eq3A_1885, %gt3A_1869 : vector<16xi1>
    %or3A_1887 = arith.ori %gt3A_1883, %and3A_1886 : vector<16xi1>
    %select_n3A_1888 = arith.select %or3A_1887, %broadcast_in_dim3A_29, %broadcast_in_dim3A_31 : vector<16xi1>, vector<16xi32>
    %add3A_1889 = arith.addi %add3A_1864, %select_n3A_1888 : vector<16xi32>
    %slice3A_1890 = vector.extract_strided_slice %add3A_27 {offsets = [15], sizes = [1], strides = [1]} : vector<16xf32> to vector<1xf32>
    %squeeze3A_1891 = vector.extract %slice3A_1890[0] : f32 from vector<1xf32>
    %gt3A_1892 = arith.constant 15 : i32
    %gt3A_1893 = vector.broadcast %gt3A_1892 : i32 to vector<16xi32>
    %gt3A_1894 = arith.cmpi sgt, %iota3A, %gt3A_1893 : vector<16xi32>
    %gt3A_1895 = vector.broadcast %squeeze3A_1891 : f32 to vector<16xf32>
    %gt3A_1896 = arith.cmpf ogt, %gt3A_1895, %add3A_12 : vector<16xf32>
    %select_n3A_1897 = arith.select %gt3A_1896, %broadcast_in_dim3A_29, %broadcast_in_dim3A_31 : vector<16xi1>, vector<16xi32>
    %add3A_1898 = arith.addi %add3A_1873, %select_n3A_1897 : vector<16xi32>
    %gt3A_1899 = vector.broadcast %squeeze3A_1891 : f32 to vector<16xf32>
    %gt3A_1900 = arith.cmpf ogt, %gt3A_1899, %add3A_17 : vector<16xf32>
    %select_n3A_1901 = arith.select %gt3A_1900, %broadcast_in_dim3A_29, %broadcast_in_dim3A_31 : vector<16xi1>, vector<16xi32>
    %add3A_1902 = arith.addi %add3A_1877, %select_n3A_1901 : vector<16xi32>
    %gt3A_1903 = vector.broadcast %squeeze3A_1891 : f32 to vector<16xf32>
    %gt3A_1904 = arith.cmpf ogt, %gt3A_1903, %add3A_22 : vector<16xf32>
    %select_n3A_1905 = arith.select %gt3A_1904, %broadcast_in_dim3A_29, %broadcast_in_dim3A_31 : vector<16xi1>, vector<16xi32>
    %add3A_1906 = arith.addi %add3A_1881, %select_n3A_1905 : vector<16xi32>
    %gt3A_1907 = vector.broadcast %squeeze3A_1891 : f32 to vector<16xf32>
    %gt3A_1908 = arith.cmpf ogt, %gt3A_1907, %add3A_27 : vector<16xf32>
    %eq3A_1909 = vector.broadcast %squeeze3A_1891 : f32 to vector<16xf32>
    %eq3A_1910 = arith.cmpf oeq, %eq3A_1909, %add3A_27 : vector<16xf32>
    %and3A_1911 = arith.andi %eq3A_1910, %gt3A_1894 : vector<16xi1>
    %or3A_1912 = arith.ori %gt3A_1908, %and3A_1911 : vector<16xi1>
    %select_n3A_1913 = arith.select %or3A_1912, %broadcast_in_dim3A_29, %broadcast_in_dim3A_31 : vector<16xi1>, vector<16xi32>
    %add3A_1914 = arith.addi %add3A_1889, %select_n3A_1913 : vector<16xi32>
    %scan3A_1915 = arith.constant 0 : i32
    %scan3A_1916 = arith.constant 0 : i32
    %scan3A_1917 = arith.constant 128 : i32
    %scan3A_1918 = arith.addi %scan3A_1916, %scan3A_1917 : i32
    %scan3A_1919 = arith.constant 1 : i32
    scf.for %scan3A_1921 = %scan3A_1916 to %scan3A_1918 step %scan3A_1919  : i32 {
      %broadcast_in_dim3A_1922 = vector.broadcast %scan3A_1921 : i32 to vector<16xi32>
      %mul3A_1923 = arith.constant 64 : i32
      %mul3A_1924 = arith.muli %scan3A_1921, %mul3A_1923 : i32
      %add3A_1925 = arith.constant 0 : i32
      %add3A_1926 = arith.addi %mul3A_1924, %add3A_1925 : i32
      %get3A_1927 = arith.index_cast %add3A_1926 : i32 to index
      %get3A_1928 = tpu.vector_load %arg5[%get3A_1927] {strides = array<i32>} : memref<8192xf32, #tpu.memory_space<vmem>>, vector<16xf32>,
      tpu.vector_store_idx %arg7[%add3A_1898, %broadcast_in_dim3A_1922], %get3A_1928 : memref<64x128xf32, #tpu.memory_space<vmem>>[vector<16xi32>, vector<16xi32>], vector<16xf32>,
      %add3A_1929 = arith.constant 16 : i32
      %add3A_1930 = arith.addi %mul3A_1924, %add3A_1929 : i32
      %get3A_1931 = arith.index_cast %add3A_1930 : i32 to index
      %get3A_1932 = tpu.vector_load %arg5[%get3A_1931] {strides = array<i32>} : memref<8192xf32, #tpu.memory_space<vmem>>, vector<16xf32>,
      tpu.vector_store_idx %arg7[%add3A_1902, %broadcast_in_dim3A_1922], %get3A_1932 : memref<64x128xf32, #tpu.memory_space<vmem>>[vector<16xi32>, vector<16xi32>], vector<16xf32>,
      %add3A_1933 = arith.constant 32 : i32
      %add3A_1934 = arith.addi %mul3A_1924, %add3A_1933 : i32
      %get3A_1935 = arith.index_cast %add3A_1934 : i32 to index
      %get3A_1936 = tpu.vector_load %arg5[%get3A_1935] {strides = array<i32>} : memref<8192xf32, #tpu.memory_space<vmem>>, vector<16xf32>,
      tpu.vector_store_idx %arg7[%add3A_1906, %broadcast_in_dim3A_1922], %get3A_1936 : memref<64x128xf32, #tpu.memory_space<vmem>>[vector<16xi32>, vector<16xi32>], vector<16xf32>,
      %add3A_1937 = arith.constant 48 : i32
      %add3A_1938 = arith.addi %mul3A_1924, %add3A_1937 : i32
      %get3A_1939 = arith.index_cast %add3A_1938 : i32 to index
      %get3A_1940 = tpu.vector_load %arg5[%get3A_1939] {strides = array<i32>} : memref<8192xf32, #tpu.memory_space<vmem>>, vector<16xf32>,
      tpu.vector_store_idx %arg7[%add3A_1914, %broadcast_in_dim3A_1922], %get3A_1940 : memref<64x128xf32, #tpu.memory_space<vmem>>[vector<16xi32>, vector<16xi32>], vector<16xf32>,
    }
    %scan3A_1920 = arith.constant 128 : i32
    "tpu.region"() ({
      %run_scoped3A = tpu.sem_alloc : memref<!tpu.dma_semaphore, #tpu.memory_space<semaphore_mem>>
      %dma_start3A = arith.constant 0 : i32
      %dma_start3A_1921 = arith.constant 0 : i32
      %dma_start3A_1922 = tpu.memref_slice %arg4[%add3A, %dma_start3A, %dma_start3A_1921] : memref<32x64x128xf32, #tpu.memory_space<hbm>> -> memref<1x64x128xf32, #tpu.memory_space<hbm>>
      %dma_start3A_1923 = tpu.memref_squeeze %dma_start3A_1922 : memref<1x64x128xf32, #tpu.memory_space<hbm>> -> memref<64x128xf32, #tpu.memory_space<hbm>>
      %dma_start3A_1924 = arith.constant 0 : i32
      %dma_start3A_1925 = arith.constant 0 : i32
      %dma_start3A_1926 = tpu.memref_slice %arg4[%add3A, %dma_start3A_1924, %dma_start3A_1925] : memref<32x64x128xf32, #tpu.memory_space<hbm>> -> memref<1x64x128xf32, #tpu.memory_space<hbm>>
      %dma_start3A_1927 = tpu.memref_squeeze %dma_start3A_1926 : memref<1x64x128xf32, #tpu.memory_space<hbm>> -> memref<64x128xf32, #tpu.memory_space<hbm>>
      tpu.enqueue_dma source(%arg7 : memref<64x128xf32, #tpu.memory_space<vmem>>) target(%dma_start3A_1927 : memref<64x128xf32, #tpu.memory_space<hbm>>) target_semaphore(%run_scoped3A : memref<!tpu.dma_semaphore, #tpu.memory_space<semaphore_mem>>)
      %dma_wait3A = arith.constant 0 : i32
      %dma_wait3A_1928 = arith.constant 0 : i32
      %dma_wait3A_1929 = tpu.memref_slice %arg4[%add3A, %dma_wait3A, %dma_wait3A_1928] : memref<32x64x128xf32, #tpu.memory_space<hbm>> -> memref<1x64x128xf32, #tpu.memory_space<hbm>>
      %dma_wait3A_1930 = tpu.memref_squeeze %dma_wait3A_1929 : memref<1x64x128xf32, #tpu.memory_space<hbm>> -> memref<64x128xf32, #tpu.memory_space<hbm>>
      %dma_wait3A_1931 = arith.constant 0 : i32
      %dma_wait3A_1932 = arith.constant 0 : i32
      %dma_wait3A_1933 = tpu.memref_slice %arg4[%add3A, %dma_wait3A_1931, %dma_wait3A_1932] : memref<32x64x128xf32, #tpu.memory_space<hbm>> -> memref<1x64x128xf32, #tpu.memory_space<hbm>>
      %dma_wait3A_1934 = tpu.memref_squeeze %dma_wait3A_1933 : memref<1x64x128xf32, #tpu.memory_space<hbm>> -> memref<64x128xf32, #tpu.memory_space<hbm>>
      tpu.wait_dma2 semaphore(%run_scoped3A : memref<!tpu.dma_semaphore, #tpu.memory_space<semaphore_mem>>) src(%arg7 : memref<64x128xf32, #tpu.memory_space<vmem>>) dst(%dma_wait3A_1934 : memref<64x128xf32, #tpu.memory_space<hbm>>)
      tpu.yield
    }) : () -> ()
    return
  }
}

</mosaic_0001>

<sc_bundles>
// kernel: patch_selector_sc.3.cloned.1.call-start
scs
__scs_entry_jumppad:
0x0: {  	(pc) =	sbr.rel $0x88, $3  }
0x1: {  	(tag) =	ssettag $0x0;
	lr =	simm.s32 $0x1  }
0x2: {  	[smem:$0x3F9D] =	sst lr;
	_ =	strace $0xD0000000  }
0x3: {  	_ = 	snop  }
0x4: {  	_ = 	snop  }
0x5: {  	_ = 	snop  }
0x6: {  	_ = 	snop  }
0x7: {  	_ = 	snop  }
__scs_overlays_trampoline_lowered:
0x8: {  	[smem:$0x3FAC] =	sst s0  }
0x9: {  	[smem:$0x3FAD] =	sst s1  }
0xa: {  	[smem:$0x3FAE] =	sst s2  }
0xb: {  	[smem:$0x3FAF] =	sst s3  }
0xc: {  	[smem:$0x3FB0] =	sst s4  }
0xd: {  	[smem:$0x3FB1] =	sst s5  }
0xe: {  	[smem:$0x3FB2] =	sst s6  }
0xf: {  	[smem:$0x3FB3] =	sst s7  }
0x10: {  	[smem:$0x3FB4] =	sst s8  }
0x11: {  	[smem:$0x3FB5] =	sst s9;
	s0 =	simm.s32 @!p0 $0x0  }
0x12: {  	s1 =	sld [smem:$0x3F9B];
	s0 =	simm.s32 @p0 $0x1  }
0x13: {  	[smem:$0x3FB6] =	sst s0;
	s0 =	simm.s32 @!p1 $0x0  }
0x14: {  	s2 =	sld [smem:$0x3F9A];
	s0 =	simm.s32 @p1 $0x1  }
0x15: {  	[smem:$0x3FB7] =	sst s0;
	s0 =	simm.s32 @!p2 $0x0  }
0x16: {  	s3 =	sld [smem:$0x3FDB];
	s0 =	simm.s32 @p2 $0x1  }
0x17: {  	s4 =	simm.s32 $0x1BF5;
	[smem:$0x3FB9] =	sst s0  }
0x18: {  	s0 =	sld [smem:$0x3F9C];
	_ =	swait.ge [sflag:s4], $0x0  }
0x19: {  	s7 =	sld [smem:$0x3F9D]  }
0x1a: {  	s8 =	sadd.s32 $0xFFFFE003, lr  }
0x1b: {  	s9 =	sadd.s32 $0xFFFFFEF7, lr;
	s5 =	simm.s32 $0xFFFFFFFF;
	p2 =	slt.u32 s8, $0xFFFFF086  }
0x1c: {  	p1 =	slt.u32 s9, $0xF7A;
	s5 =	simm.s32 @!p2 $0x0  }
0x1d: {  	s5 =	simm.s32 @p1 $0x1;
	p0 =	seq.s32 s7, s2  }
0x1e: {  	s7 =	smul.u32 @!p0 $0xF7A, s2;
	p2 =	seq.s32 @!p0 s5, $0x0  }
0x1f: {  	s9 =	smul.u32 $0xF7A, s1;
	s8 =	simm.s32 @!p0 $0x1BF5;
	p2 =	por !p2, p0  }
0x20: {  	[sflag:s8] =	ssyncset.s32 @!p0 $0xFFFFF086;
	s6 =	sadd.s32 @!p0 s3, s7;
	s7 =	simm.s32 @!p0 $0x108  }
0x21: {  	s3 =	sadd.s32 s3, s9;
	s6 =	sadd.s32 @!p0 $0x88, s6;
	s7 =	simm.s32 @p2 $0x1082  }
0x22: {  	[simem:s7], [sflag:s8] =	dma.local @!p0 [hbm:s6], $0xF7A  }
0x23: {  	s9 =	sor.u32 $0xD0000000, s2;
	s6 =	simm.s32 $0x108;
	_ =	swait.ge @!p0 [sflag:s8], $0x0  }
0x24: {  	s3 =	sadd.s32 $0x88, s3;
	s6 =	simm.s32 @!p1 $0x1082;
	[sflag:s4] =	ssyncset.s32 $0xFFFFF086  }
0x25: {  	[simem:s6], [sflag:s4] =	dma.local [hbm:s3], $0xF7A  }
0x26: {  	[smem:$0x3F9D] =	sst s1;
	(tag) =	ssettag s2;
	_ =	strace s9  }
0x27: {  	s1 =	sld [smem:$0x3FAD]  }
0x28: {  	s2 =	sld [smem:$0x3FAE]  }
0x29: {  	s4 =	sld [smem:$0x3FB0]  }
0x2a: {  	p0 =	seq.s32 s5, $0x0;
	s5 =	sld [smem:$0x3FB1]  }
0x2b: {  	s6 =	sld [smem:$0x3FB2]  }
0x2c: {  	s7 =	sld [smem:$0x3FB3]  }
0x2d: {  	s3 =	simm.s32 $0x108;
	s8 =	sld [smem:$0x3FB4]  }
0x2e: {  	s3 =	simm.s32 @!p0 $0x1082;
	s9 =	sld [smem:$0x3FB5]  }
0x2f: {  	lr =	sadd.s32 s0, s3;
	s0 =	sld [smem:$0x3FAC]  }
0x30: {  	s3 =	sld [smem:$0x3FAF]  }
0x31: {  	[smem:$0x3FB8] =	sst s10  }
0x32: {  	s10 =	sld [smem:$0x3FB6];
	_ =	sdelay $0x3  }
0x33: {  	p0 =	seq.s32 s10, $0x1;
	s10 =	sld [smem:$0x3FB8];
	_ =	sdelay $0x3  }
0x34: {  	[smem:$0x3FB8] =	sst s10  }
0x35: {  	s10 =	sld [smem:$0x3FB7];
	_ =	sdelay $0x3  }
0x36: {  	p1 =	seq.s32 s10, $0x1;
	s10 =	sld [smem:$0x3FB8];
	_ =	sdelay $0x3  }
0x37: {  	[smem:$0x3FB8] =	sst s10  }
0x38: {  	s10 =	sld [smem:$0x3FB9]  }
0x39: {  	_ = 	snop;
	(pc) =	sbr.ind lr, $3  }
0x3a: {  	_ = 	snop  }
0x3b: {  	_ = 	snop  }
0x3c: {  	p2 =	seq.s32 s10, $0x1;
	s10 =	sld [smem:$0x3FB8]  }
0x3d: {  	_ =	shalt  }
0x3e: {  	_ =	shalt  }
0x3f: {  	_ =	shalt  }
0x40: {  	_ =	shalt  }
0x41: {  	_ =	shalt  }
0x42: {  	_ =	shalt  }
0x43: {  	_ =	shalt  }
0x44: {  	_ =	shalt  }
0x45: {  	_ =	shalt  }
0x46: {  	_ =	shalt  }
0x47: {  	_ =	shalt  }
0x48: {  	_ =	shalt  }
0x49: {  	_ =	shalt  }
0x4a: {  	_ =	shalt  }
0x4b: {  	_ =	shalt  }
0x4c: {  	_ =	shalt  }
0x4d: {  	_ =	shalt  }
0x4e: {  	_ =	shalt  }
0x4f: {  	_ =	shalt  }
0x50: {  	_ =	shalt  }
0x51: {  	_ =	shalt  }
0x52: {  	_ =	shalt  }
0x53: {  	_ =	shalt  }
0x54: {  	_ =	shalt  }
0x55: {  	_ =	shalt  }
0x56: {  	_ =	shalt  }
0x57: {  	_ =	shalt  }
0x58: {  	_ =	shalt  }
0x59: {  	_ =	shalt  }
0x5a: {  	_ =	shalt  }
0x5b: {  	_ =	shalt  }
0x5c: {  	_ =	shalt  }
0x5d: {  	_ =	shalt  }
0x5e: {  	_ =	shalt  }
0x5f: {  	_ =	shalt  }
0x60: {  	_ =	shalt  }
0x61: {  	_ =	shalt  }
0x62: {  	_ =	shalt  }
0x63: {  	_ =	shalt  }
0x64: {  	_ =	shalt  }
0x65: {  	_ =	shalt  }
0x66: {  	_ =	shalt  }
0x67: {  	_ =	shalt  }
0x68: {  	_ =	shalt  }
0x69: {  	_ =	shalt  }
0x6a: {  	_ =	shalt  }
0x6b: {  	_ =	shalt  }
0x6c: {  	_ =	shalt  }
0x6d: {  	_ =	shalt  }
0x6e: {  	_ =	shalt  }
0x6f: {  	_ =	shalt  }
0x70: {  	_ =	shalt  }
0x71: {  	_ =	shalt  }
0x72: {  	_ =	shalt  }
0x73: {  	_ =	shalt  }
0x74: {  	_ =	shalt  }
0x75: {  	_ =	shalt  }
0x76: {  	_ =	shalt  }
0x77: {  	_ =	shalt  }
0x78: {  	_ =	shalt  }
0x79: {  	_ =	shalt  }
0x7a: {  	_ =	shalt  }
0x7b: {  	_ =	shalt  }
0x7c: {  	_ =	shalt  }
0x7d: {  	_ =	shalt  }
0x7e: {  	_ =	shalt  }
0x7f: {  	_ =	shalt  }
0x80: {  	_ =	shalt  }
0x81: {  	_ =	shalt  }
0x82: {  	_ =	shalt  }
0x83: {  	_ =	shalt  }
0x84: {  	_ =	shalt  }
0x85: {  	_ =	shalt  }
0x86: {  	_ =	shalt  }
0x87: {  	_ =	shalt  }
.Lfunc_end0:
.L_simem_size_0:
called_computation_lowered:
.L_overlay_start_0:
0x88: {  	s2 =	sld [smem:$0x3FD9]  }
0x89: {  	s3 =	sld [smem:$0x3FFE];
	_ =	sdelay $0x1  }
0x8a: {  	s1 =	srdreg.scid  }
0x8b: {  	s0 =	sand.u32 $0x1, s1  }
0x8c: {  	s17 =	sshll.u32 s0, $0xA;
	s2 =	sadd.s32 s3, s2  }
0x8d: {  	s2 =	sadd.s32 s2, s17  }
0x8e: {  	[smem:$0x3FC4] =	sst s2  }
0x8f: {  	_ = 	snop  }
0x90: {  	s2 =	sld [smem:$0x3FD0];
	(tm) =	ssettm $0x1  }
0x91: {  	s18 =	sld [smem:$0x3FFB];
	_ =	sdelay $0x3  }
0x92: {  	_ =	strace s18  }
0x93: {  	s3 =	sld [smem:$0x3FFC];
	_ =	sdelay $0x3  }
0x94: {  	_ =	strace s3  }
0x95: {  	s3 =	sld [smem:$0x3FFD];
	_ =	sdelay $0x3  }
0x96: {  	_ =	strace s3  }
0x97: {  	_ =	strace $0x8FFFFFFF  }
0x98: {  	s19 =	sld [smem:$0x3FDB];
	_ =	sdelay $0x1  }
0x99: {  	s4 =	simm.s32 $_scs_section_size  }
0x9a: {  	s5 =	simm.s32 $_size__tile_overlayer_lowered;
	s6 =	simm.s32 $_tile_overlayer_lowered  }
0x9b: {  	s22 =	simm.s32 $0x1BFF;
	s21 =	sshll.u32 s6, $0x1;
	s3 =	sadd.s32 s4, s19  }
0x9c: {  	s7 =	simm.s32 $0x0;
	s20 =	sshll.u32 s5, $0x1;
	s5 =	sadd.s32 s21, s3  }
0x9d: {  	[timem:s7], [sflag:s22] =	dma.local [hbm:s5], s20  }
0x9e: {  	_ =	swait.ge [sflag:s22], s20  }
0x9f: {  	s4 =	ssub.s32 $0x0, s20;
	[sflag:s22] =	ssyncset.done $0x0  }
0xa0: {  	[sflag:s22] =	ssyncadd.s32 s4;
	_ =	sdelay $0x1  }
0xa1: {  	s23 =	simm.s32 $0x1B8B  }
0xa2: {  	_ =	swait.ge [sflag:s23], $0x1  }
0xa3: {  	[sflag:s23] =	ssyncset.done $0x0  }
0xa4: {  	s25 =	simm.s32 $0x1B8E;
	s24 =	sld [smem:$0x3FFE];
	[sflag:s23] =	ssyncadd.s32 $0xFFFFFFFF  }
0xa5: {  	s26 =	simm.s32 $execute0_lowered;
	[smem:$0x3FD2] =	sst s25  }
0xa6: {  	s5 =	sshll.u32 s26, $0x1;
	_ =	strace $0x80000046;
	[dreg:$0x1] =	wrdreg $0xFFFFFFFF  }
0xa7: {  	s28 =	simm.s32 $_size_execute0_lowered;
	s3 =	sadd.s32 s3, s5;
	[dreg:$0x0] =	wrdreg $0x0  }
0xa8: {  	s5 =	sshll.u32 s28, $0x1;
	[dreg:$0x2] =	wrdreg s3  }
0xa9: {  	[dreg:$0x3] =	wrdreg s5  }
0xaa: {  	[dreg:$0x4] =	wrdreg $0xC0  }
0xab: {  	_ =	task [dreg:s7], $0x5FFFF  }
0xac: {  	[dreg:$0x1] =	wrdreg $0xFFFFFFFF  }
0xad: {  	[dreg:$0x0] =	wrdreg $0x60  }
0xae: {  	[dreg:$0x2] =	wrdreg s24  }
0xaf: {  	[dreg:$0x3] =	wrdreg s2  }
0xb0: {  	[dreg:$0x4] =	wrdreg $0x9  }
0xb1: {  	_ =	task.clear_ibuf [dreg:s7], $0x5FFFF;
	_ =	strace $0x90000046  }
0xb2: {  	s29 =	simm.s32 $0x9;
	_ =	strace $0x80000048  }
0xb3: {  	_ =	swait.ge [sflag:s29], $0x1  }
0xb4: {  	[sflag:s29] =	ssyncadd.s32 $0xFFFFFFFF  }
0xb5: {  	_ =	strace $0x90000048  }
0xb6: {  	_ =	sfence  }
0xb7: {  	s30 =	sld [smem:$0x0];
	_ =	sdelay $0x2  }
0xb8: {  	s31 =	sshll.u32 s1, $0xD;
	s1 =	sshrl.u32 s1, $0x2  }
0xb9: {  	s3 =	sand.u32 $0x4000, s31;
	s1 =	sadd.s32 s1, s30  }
0xba: {  	s0 =	sor.u32 s3, s0;
	s1 =	sshll.u32 s1, $0x11  }
0xbb: {  	s0 =	sor.u32 s1, s0  }
0xbc: {  	s0 =	sadd.s32 $0x8F2B, s0  }
0xbd: {  	[sflag:s0] =	ssyncadd.remote.s32 $0x1  }
0xbe: {  	_ =	sfence.sel $0xFFFF  }
0xbf: {  	[dreg:$0x0] =	wrdreg $0xFFFFFFFF;
	(pc) =	sbr.abs _section_cstart, $3  }
0xc0: {  	[dreg:$0x1] =	wrdreg $0xFFFFFFFF  }
0xc1: {  	_ =	task.clear_ibuf [dreg:s7], $0x2FFFF;
	_ =	strace $0x9FFFFFFF  }
0xc2: {  	(tm) =	ssettm $0x7FFFFFFF  }
0xc3: {  	_ =	shalt  }
tec
execute0_lowered:
.L_overlay_start_1:
0x0: {  	(tag) =	ssettag $0x1  }
0x1: {  	s3 =	rddreg [dreg:$0x0]  }
0x2: {  	s5 =	rddreg [dreg:$0x1]  }
0x3: {  	s0 =	rddreg [dreg:$0x2];
	s2 =	simm.s32 $0x0  }
0x4: {  	s1 =	stileid.u32;
	s4 =	srdreg.scid;
	s10 =	simm.s32 $0x400  }
0x5: {  	s11 =	simm.s32 $0x2100;
	s12 =	simm.s32 $0x0;
	[smem:$0x7FF] =	sst s2  }
0x6: {  	s6 =	sshll.u32 s1, $0xB;
	s4 =	sand.u32 $0x1, s4;
	s7 =	sshll.u32 s1, $0x1  }
0x7: {  	_ =	strace $0x80000047;
	s6 =	sand.u32 $0x6000, s6;
	s7 =	sor.u32 s4, s7  }
0x8: {  	s4 =	ssub.s32 $0x2, s4;
	s6 =	sadd.s32 s6, s3;
	s8 =	sshll.u32 s7, $0x4  }
0x9: {  	s3 =	sadd.s32 $0x8400, s3;
	s9 =	sshrl.u32 s4, $0x1;
	s31 =	sshll.u32 s7, $0xA  }
0xa: {  	s7 =	simm.s32 $0x2000;
	s8 =	sand.u32 $0x70, s8;
	s9 =	ssub.s32 s4, s9  }
0xb: {  	s5 =	sadd.s32 s5, s31;
	s30 =	sadd.s32 s8, s6;
	s6 =	smax.u32 s9, $0x1  }
0xc: {  	s8 =	simm.s32 $0x1;
	s9 =	simm.s32 $0x80;
	s4 =	sadd.s32 $0x400, s30  }
.LBB2_1:
0xd: {  	[tilespmem:s7], [sflag:$0x1] =	stream.linear.gather [hbm4b:s3+s2], $0x81, $0x38;
	[tilespmem:$0x4100] =	vst v63  }
0xe: {  	_ =	swait.ge [sflag:s8], $0x81  }
0xf: {  	[sflag:s8] =	ssyncset.done $0x0  }
0x10: {  	[sflag:s8] =	ssyncadd.s32 $0xFFFFFF7F  }
0x11: {  	[tilespmem:s2], [sflag:$0x1] =	stream.strided.gather [hbm4b:s4+s9], $0x2000, s10, s9, $0x38;
	[tilespmem:$0x4100] =	vst v63  }
0x12: {  	_ =	swait.ge [sflag:s8], $0x2000  }
0x13: {  	[sflag:s8] =	ssyncset.done $0x0  }
0x14: {  	s13 =	simm.s32 $0x100;
	[sflag:s8] =	ssyncadd.s32 $0xFFFFE000  }
0x15: {  	v2 =	vld [tilespmem:s13+$0xC0]  }
0x16: {  	v3 =	vld [tilespmem:s13+$0xD0]  }
0x17: {  	v4 =	vld [tilespmem:s13+$0xE0]  }
0x18: {  	v5 =	vld [tilespmem:s13+$0xF0]  }
0x19: {  	v6 =	vld [tilespmem:s13+$0x80]  }
0x1a: {  	v7 =	vld [tilespmem:s13+$0x90]  }
0x1b: {  	v8 =	vld [tilespmem:s13+$0xA0]  }
0x1c: {  	v9 =	vld [tilespmem:s13+$0xB0]  }
0x1d: {  	v10 =	vld [tilespmem:s13+$0x40]  }
0x1e: {  	v11 =	vld [tilespmem:s13+$0x50]  }
0x1f: {  	v12 =	vld [tilespmem:s13+$0x60]  }
0x20: {  	v13 =	vld [tilespmem:s13+$0x70]  }
0x21: {  	v14 =	vld [tilespmem:s13+$0x0]  }
0x22: {  	v15 =	vld [tilespmem:s13+$0x10]  }
0x23: {  	v16 =	vld [tilespmem:s13+$0x20]  }
0x24: {  	v17 =	vld [tilespmem:s13+$0x30]  }
0x25: {  	v18 =	vld [tilespmem:s13+$0xFFFFFFC0]  }
0x26: {  	v50 =	vld [tilespmem:s13+$0xFFFFFF60]  }
0x27: {  	v0 =	vimm.f32 $0.0e+00;
	s14 =	simm.s32 $0x0;
	v52 =	vld [tilespmem:s13+$0xFFFFFF20];
	v19 =	vshrl.u32 v2, $0x10;
	v20 =	vshrl.u32 v3, $0x10  }
0x28: {  	v53 =	vld [tilespmem:s14+$0x2000];
	v21 =	vshrl.u32 v6, $0x10;
	v22 =	vshrl.u32 v4, $0x10;
	v23 =	vshrl.u32 v5, $0x10  }
0x29: {  	v24 =	vshrl.u32 v7, $0x10;
	v25 =	vshrl.u32 v8, $0x10;
	v26 =	vshrl.u32 v9, $0x10  }
0x2a: {  	v28 =	vshrl.u32 v10, $0x10;
	v29 =	vshrl.u32 v11, $0x10;
	v30 =	vshrl.u32 v12, $0x10  }
0x2b: {  	v32 =	vshrl.u32 v14, $0x10;
	v33 =	vshrl.u32 v15, $0x10;
	v34 =	vshrl.u32 v13, $0x10  }
0x2c: {  	v35 =	vshrl.u32 v18, $0x10;
	v36 =	vshrl.u32 v16, $0x10;
	v37 =	vshrl.u32 v17, $0x10  }
0x2d: {  	v54 =	vshrl.u32 v50, $0x10;
	v57 =	vshrl.u32 v52, $0x10;
	v59 =	vshrl.u32 v53, $0x10  }
0x2e: {  	v19 =	vand.u32 $0x1, v19;
	v20 =	vand.u32 $0x1, v20;
	v21 =	vand.u32 $0x1, v21  }
0x2f: {  	v27 =	vld [tilespmem:s13+$0xFFFFFFD0];
	v22 =	vand.u32 $0x1, v22;
	v23 =	vand.u32 $0x1, v23;
	v24 =	vand.u32 $0x1, v24  }
0x30: {  	v31 =	vld [tilespmem:s13+$0xFFFFFFE0];
	v25 =	vand.u32 $0x1, v25;
	v26 =	vand.u32 $0x1, v26;
	v28 =	vand.u32 $0x1, v28  }
0x31: {  	v38 =	vld [tilespmem:s13+$0xFFFFFFF0];
	v29 =	vand.u32 $0x1, v29;
	v30 =	vand.u32 $0x1, v30;
	v32 =	vand.u32 $0x1, v32  }
0x32: {  	v33 =	vand.u32 $0x1, v33;
	v34 =	vand.u32 $0x1, v34;
	v35 =	vand.u32 $0x1, v35  }
0x33: {  	v36 =	vand.u32 $0x1, v36;
	v37 =	vand.u32 $0x1, v37;
	v2 =	vadd.s32 v19, v2  }
0x34: {  	v3 =	vadd.s32 v20, v3;
	v20 =	vshrl.u32 v27, $0x10;
	v6 =	vadd.s32 v21, v6  }
0x35: {  	v4 =	vadd.s32 v22, v4;
	v22 =	vshrl.u32 v31, $0x10;
	v5 =	vadd.s32 v23, v5  }
0x36: {  	v7 =	vadd.s32 v24, v7;
	v24 =	vshrl.u32 v38, $0x10;
	v8 =	vadd.s32 v25, v8  }
0x37: {  	v9 =	vadd.s32 v26, v9;
	v10 =	vadd.s32 v28, v10;
	v11 =	vadd.s32 v29, v11  }
0x38: {  	v12 =	vadd.s32 v30, v12;
	v14 =	vadd.s32 v32, v14;
	v15 =	vadd.s32 v33, v15  }
0x39: {  	v13 =	vadd.s32 v34, v13;
	v18 =	vadd.s32 v35, v18;
	v16 =	vadd.s32 v36, v16  }
0x3a: {  	v17 =	vadd.s32 v37, v17;
	v35 =	vand.u32 $0x1, v57;
	v20 =	vand.u32 $0x1, v20  }
0x3b: {  	v22 =	vand.u32 $0x1, v22;
	v24 =	vand.u32 $0x1, v24;
	v35 =	vadd.s32 v35, v52  }
0x3c: {  	v19 =	vld [tilespmem:s13+$0xFFFFFF80];
	v2 =	vadd.s32 $0x7FFF, v2;
	v3 =	vadd.s32 $0x7FFF, v3;
	v6 =	vadd.s32 $0x7FFF, v6  }
0x3d: {  	v21 =	vld [tilespmem:s13+$0xFFFFFF90];
	v4 =	vadd.s32 $0x7FFF, v4;
	v5 =	vadd.s32 $0x7FFF, v5;
	v60 =	vadd.s32 $0x7FFF, v7  }
0x3e: {  	v23 =	vld [tilespmem:s13+$0xFFFFFFA0];
	v8 =	vadd.s32 $0x7FFF, v8;
	v61 =	vadd.s32 $0x7FFF, v9;
	v62 =	vadd.s32 $0x7FFF, v10  }
0x3f: {  	v25 =	vld [tilespmem:s13+$0xFFFFFF40];
	v39 =	vadd.s32 $0x7FFF, v11;
	v40 =	vadd.s32 $0x7FFF, v12;
	v41 =	vadd.s32 $0x7FFF, v14  }
0x40: {  	v26 =	vld [tilespmem:s13+$0xFFFFFF50];
	v42 =	vadd.s32 $0x7FFF, v15;
	v43 =	vadd.s32 $0x7FFF, v13;
	v44 =	vadd.s32 $0x7FFF, v18  }
0x41: {  	v30 =	vld [tilespmem:s13+$0xFFFFFFB0];
	v45 =	vadd.s32 $0x7FFF, v16;
	v20 =	vadd.s32 v20, v27;
	v22 =	vadd.s32 v22, v31  }
0x42: {  	v24 =	vadd.s32 v24, v38;
	v13 =	vand.u32 $0xFFFF0000, v3;
	v7 =	vand.u32 $0xFFFF0000, v4  }
0x43: {  	v9 =	vand.u32 $0xFFFF0000, v8;
	v8 =	vand.u32 $0xFFFF0000, v61;
	v16 =	vand.u32 $0xFFFF0000, v43  }
0x44: {  	v61 =	vimm.f32 $0.0e+00;
	v28 =	vshrl.u32 v19, $0x10;
	v29 =	vshrl.u32 v21, $0x10  }
0x45: {  	v49 =	vld [tilespmem:s13+$0xFFFFFF00];
	v46 =	vshrl.u32 v23, $0x10;
	v47 =	vshrl.u32 v25, $0x10;
	v48 =	vshrl.u32 v26, $0x10  }
0x46: {  	v27 =	vld [tilespmem:s13+$0xFFFFFF70];
	v51 =	vshrl.u32 v30, $0x10;
	v28 =	vand.u32 $0x1, v28;
	v29 =	vand.u32 $0x1, v29  }
0x47: {  	v31 =	vld [tilespmem:s13+$0xFFFFFF10];
	v32 =	vand.u32 $0x1, v46;
	v33 =	vand.u32 $0x1, v47;
	v34 =	vand.u32 $0x1, v48  }
0x48: {  	v37 =	vand.u32 $0x1, v51;
	v46 =	vadd.s32 $0x7FFF, v17;
	v47 =	vadd.s32 $0x7FFF, v20  }
0x49: {  	v48 =	vadd.s32 $0x7FFF, v22;
	v17 =	vand.u32 $0xFFFF0000, v40;
	v19 =	vadd.s32 v28, v19  }
0x4a: {  	v21 =	vadd.s32 v29, v21;
	v29 =	vshrl.u32 v49, $0x10;
	v23 =	vadd.s32 v32, v23  }
0x4b: {  	v25 =	vadd.s32 v33, v25;
	v26 =	vadd.s32 v34, v26;
	v55 =	vshrl.u32 v27, $0x10  }
0x4c: {  	v30 =	vadd.s32 v37, v30;
	v56 =	vshrl.u32 v31, $0x10;
	v33 =	vand.u32 $0x1, v54  }
0x4d: {  	v38 =	vand.u32 $0xFFFF0000, v47;
	v29 =	vand.u32 $0x1, v29;
	v33 =	vadd.s32 v33, v50  }
0x4e: {  	v34 =	vand.u32 $0x1, v55;
	v37 =	vand.u32 $0x1, v56;
	v10 =	vadd.s32 $0x7FFF, v19  }
0x4f: {  	v11 =	vadd.s32 $0x7FFF, v21;
	v12 =	vadd.s32 $0x7FFF, v23;
	v14 =	vadd.s32 $0x7FFF, v25  }
0x50: {  	v15 =	vadd.s32 $0x7FFF, v26;
	v25 =	vadd.s32 $0x7FFF, v30;
	v21 =	vadd.s32 $0x7FFF, v35  }
0x51: {  	v35 =	vand.u32 $0xFFFF0000, v39;
	v26 =	vand.u32 $0xFFFF0000, v45;
	v29 =	vadd.s32 v29, v49  }
0x52: {  	v28 =	vld [tilespmem:s13+$0xFFFFFF30];
	v27 =	vadd.s32 v34, v27;
	v34 =	vand.u32 $0x1, v59;
	v31 =	vadd.s32 v37, v31  }
0x53: {  	v18 =	vadd.s32 $0x7FFF, v33;
	v33 =	vand.u32 $0xFFFF0000, v60;
	v37 =	vand.u32 $0xFFFF0000, v42  }
0x54: {  	v60 =	vimm.f32 $0.0e+00;
	v59 =	vimm.f32 $0.0e+00;
	v32 =	vadd.s32 v34, v53  }
0x55: {  	v63 =	vld [tilespmem:$0x2071];
	v19 =	vadd.s32 $0x7FFF, v29;
	v23 =	vadd.s32 $0x7FFF, v27;
	v20 =	vadd.s32 $0x7FFF, v31  }
0x56: {  	v29 =	vand.u32 $0xFFFF0000, v2;
	v27 =	vand.u32 $0xFFFF0000, v6;
	v6 =	vand.u32 $0xFFFF0000, v5  }
0x57: {  	v34 =	vand.u32 $0xFFFF0000, v62;
	v30 =	vadd.s32 $0x7FFF, v32;
	v58 =	vshrl.u32 v28, $0x10  }
0x58: {  	v31 =	vand.u32 $0xFFFF0000, v44;
	v39 =	vand.u32 $0xFFFF0000, v30;
	v36 =	vand.u32 $0x1, v58  }
0x59: {  	[tilespmem:$0x1FFE0] =	vst v0;
	v30 =	vand.u32 $0xFFFF0000, v48;
	v36 =	vadd.s32 v36, v28;
	v28 =	vadd.s32 $0x7FFF, v24  }
0x5a: {  	s14 =	simm.s32 $0x20;
	[tilespmem:$0x1FFF0] =	vst v63;
	v24 =	vand.u32 $0xFFFF0000, v46;
	v22 =	vadd.s32 $0x7FFF, v36;
	v36 =	vand.u32 $0xFFFF0000, v41  }
.LBB2_2:
0x5b: {  	v41 =	vbroadcast v39, $0x6  }
0x5c: {  	v32 =	vbroadcast v39, $0x7;
	v42 =	vbroadcast v39, $0x4  }
0x5d: {  	v40 =	vand.u32 $0xFFFF0000, v28;
	v43 =	vbroadcast v39, $0x5;
	v44 =	vbroadcast v39, $0x2  }
0x5e: {  	v28 =	vand.u32 $0xFFFF0000, v10;
	v46 =	vbroadcast v39, $0x3;
	v47 =	vbroadcast v39, $0x0  }
0x5f: {  	v45 =	vand.u32 $0xFFFF0000, v11;
	v39 =	vbroadcast v39, $0x1;
	v50 =	vmul.f32 v29, v32  }
0x60: {  	v48 =	vand.u32 $0xFFFF0000, v12;
	v13 =	vmul.f32 v13, v32;
	v52 =	vmul.f32 v27, v41  }
0x61: {  	v49 =	vand.u32 $0xFFFF0000, v25;
	v33 =	vmul.f32 v33, v41;
	v34 =	vmul.f32 v34, v43  }
0x62: {  	v25 =	vand.u32 $0xFFFF0000, v14;
	v35 =	vmul.f32 v35, v43;
	v36 =	vmul.f32 v36, v42  }
0x63: {  	v53 =	vand.u32 $0xFFFF0000, v19;
	v37 =	vmul.f32 v37, v42;
	v54 =	vmul.f32 v31, v46  }
0x64: {  	v27 =	vand.u32 $0xFFFF0000, v15;
	v38 =	vmul.f32 v38, v46;
	v55 =	vmul.f32 v28, v44  }
0x65: {  	v1 =	vld [tilespmem:$0x1FFE0];
	v29 =	vand.u32 $0xFFFF0000, v18;
	v45 =	vmul.f32 v45, v44;
	v56 =	vmul.f32 v25, v39  }
0x66: {  	v31 =	vand.u32 $0xFFFF0000, v20;
	v25 =	vmul.f32 v53, v47;
	v62 =	vmul.f32 v24, v42  }
0x67: {  	s13 =	sadd.s32 $0x200, s13;
	v28 =	vand.u32 $0xFFFF0000, v21;
	v57 =	vmul.f32 v27, v39;
	v27 =	vmul.f32 v31, v47  }
0x68: {  	v10 =	vmovc v6;
	v58 =	vld [tilespmem:s13+$0x90];
	v31 =	vand.u32 $0xFFFF0000, v22;
	v28 =	vmul.f32 v28, v47;
	v29 =	vmul.f32 v29, v39  }
0x69: {  	v53 =	vand.u32 $0xFFFF0000, v23;
	v31 =	vmul.f32 v31, v47;
	v47 =	vmul.f32 v10, v32  }
0x6a: {  	v24 =	vld [tilespmem:s13+$0xFFFFFFF0];
	v1 =	vadd.f32 v25, v1;
	v4 =	vadd.f32 v28, v60;
	v60 =	vmul.f32 v40, v46  }
0x6b: {  	v0 =	vld [tilespmem:s13+$0xC0];
	v5 =	vadd.f32 v27, v61;
	v61 =	vmul.f32 v26, v42;
	v42 =	vmul.f32 v17, v43  }
0x6c: {  	v63 =	vld [tilespmem:s13+$0xF0];
	v43 =	vmul.f32 v16, v43;
	v3 =	vadd.f32 v31, v59;
	v31 =	vmul.f32 v53, v39  }
0x6d: {  	v6 =	vld [tilespmem:s13+$0xA0];
	v59 =	vmul.f32 v30, v46;
	v40 =	vshrl.u32 v58, $0x10;
	v1 =	vadd.f32 v56, v1  }
0x6e: {  	v28 =	vld [tilespmem:s13+$0x20];
	v5 =	vadd.f32 v57, v5;
	v57 =	vmul.f32 v48, v44;
	v4 =	vadd.f32 v29, v4  }
0x6f: {  	v26 =	vld [tilespmem:s13+$0xFFFFFFE0];
	v10 =	vmovc v58;
	v58 =	vshrl.u32 v24, $0x10;
	v40 =	vand.u32 $0x1, v40;
	v3 =	vadd.f32 v31, v3  }
0x70: {  	v17 =	vld [tilespmem:s13+$0xFFFFFF80];
	v31 =	vmul.f32 v49, v44;
	v44 =	vmul.f32 v9, v41;
	v1 =	vadd.f32 v55, v1  }
0x71: {  	v16 =	vld [tilespmem:s13+$0xFFFFFF90];
	v9 =	vmovc v7;
	v58 =	vand.u32 $0x1, v58;
	v5 =	vadd.f32 v45, v5;
	v4 =	vadd.f32 v57, v4  }
0x72: {  	v29 =	vld [tilespmem:s13+$0x30];
	v45 =	vmul.f32 v8, v41;
	v46 =	vmul.f32 v9, v32;
	v41 =	vshrl.u32 v6, $0x10  }
0x73: {  	v51 =	vld [tilespmem:s13+$0xD0];
	v24 =	vadd.s32 v58, v24;
	v3 =	vadd.f32 v31, v3;
	v53 =	vshrl.u32 v28, $0x10  }
0x74: {  	v12 =	vld [tilespmem:s13+$0xE0];
	v57 =	vshrl.u32 v26, $0x10;
	v41 =	vand.u32 $0x1, v41;
	v1 =	vadd.f32 v54, v1  }
0x75: {  	v2 =	vld [tilespmem:s13+$0xFFFFFFB0];
	v5 =	vadd.f32 v38, v5;
	v4 =	vadd.f32 v59, v4;
	v38 =	vshrl.u32 v63, $0x10  }
0x76: {  	v7 =	vld [tilespmem:s13+$0xFFFFFFA0];
	v59 =	vshrl.u32 v17, $0x10;
	v53 =	vand.u32 $0x1, v53;
	v57 =	vand.u32 $0x1, v57  }
0x77: {  	s15 =	sshra.s32 s14, $0x2;
	v8 =	vld [tilespmem:s13+$0xFFFFFF40];
	v3 =	vadd.f32 v60, v3;
	v54 =	vshrl.u32 v29, $0x10;
	v60 =	vshrl.u32 v16, $0x10  }
0x78: {  	v55 =	vld [tilespmem:s15+$0x2000];
	v38 =	vand.u32 $0x1, v38;
	v59 =	vand.u32 $0x1, v59;
	v28 =	vadd.s32 v53, v28  }
0x79: {  	v14 =	vld [tilespmem:s13+$0x80];
	v26 =	vadd.s32 v57, v26;
	v1 =	vadd.f32 v36, v1;
	v5 =	vadd.f32 v37, v5  }
0x7a: {  	v19 =	vld [tilespmem:s13+$0xB0];
	v4 =	vadd.f32 v61, v4;
	v36 =	vshrl.u32 v51, $0x10;
	v37 =	vshrl.u32 v12, $0x10  }
0x7b: {  	v39 =	vld [tilespmem:s13+$0xFFFFFF00];
	v61 =	vshrl.u32 v7, $0x10;
	v54 =	vand.u32 $0x1, v54;
	v60 =	vand.u32 $0x1, v60  }
0x7c: {  	v31 =	vld [tilespmem:s13+$0xFFFFFFD0];
	[tilespmem:$0x1FFA0] =	vst v7;
	v17 =	vadd.s32 v59, v17;
	v3 =	vadd.f32 v62, v3;
	v62 =	vshrl.u32 v8, $0x10  }
0x7d: {  	[tilespmem:$0x1FFC0] =	vst v8;
	v8 =	vshrl.u32 v2, $0x10;
	v7 =	vshrl.u32 v55, $0x10;
	v36 =	vand.u32 $0x1, v36  }
0x7e: {  	v37 =	vand.u32 $0x1, v37;
	v61 =	vand.u32 $0x1, v61;
	v29 =	vadd.s32 v54, v29  }
0x7f: {  	v16 =	vadd.s32 v60, v16;
	v1 =	vadd.f32 v34, v1;
	v5 =	vadd.f32 v35, v5  }
0x80: {  	v4 =	vadd.f32 v42, v4;
	v35 =	vshrl.u32 v0, $0x10;
	v34 =	vshrl.u32 v14, $0x10  }
0x81: {  	v18 =	vmovc v0;
	v42 =	vshrl.u32 v19, $0x10;
	v56 =	vshrl.u32 v31, $0x10;
	v0 =	vshrl.u32 v39, $0x10  }
0x82: {  	v20 =	vld [tilespmem:s13+$0x40];
	[tilespmem:$0x1FFD0] =	vst v2;
	v15 =	vmovc v51;
	v62 =	vand.u32 $0x1, v62;
	v2 =	vand.u32 $0x1, v8;
	v7 =	vand.u32 $0x1, v7  }
0x83: {  	v30 =	vld [tilespmem:s13+$0xFFFFFFC0];
	v36 =	vadd.s32 v36, v15;
	v12 =	vadd.s32 v37, v12;
	v15 =	vadd.s32 v40, v10  }
0x84: {  	v57 =	vadd.s32 $0x7FFF, v29;
	v3 =	vadd.f32 v43, v3;
	v35 =	vand.u32 $0x1, v35  }
0x85: {  	v34 =	vand.u32 $0x1, v34;
	v42 =	vand.u32 $0x1, v42;
	v56 =	vand.u32 $0x1, v56  }
0x86: {  	v21 =	vld [tilespmem:s13+$0x50];
	v0 =	vand.u32 $0x1, v0;
	v7 =	vadd.s32 v7, v55;
	v1 =	vadd.f32 v52, v1  }
0x87: {  	v5 =	vadd.f32 v33, v5;
	v4 =	vadd.f32 v44, v4;
	v44 =	vshrl.u32 v20, $0x10  }
0x88: {  	v11 =	vld [tilespmem:s13+$0xFFFFFF50];
	v9 =	vmovc v6;
	v52 =	vshrl.u32 v30, $0x10;
	v35 =	vadd.s32 v35, v18;
	v14 =	vadd.s32 v34, v14  }
0x89: {  	v22 =	vld [tilespmem:s13+$0x60];
	v18 =	vadd.s32 v41, v9;
	v19 =	vadd.s32 v42, v19;
	v31 =	vadd.s32 v56, v31  }
0x8a: {  	v32 =	vld [tilespmem:s13+$0xFFFFFF60];
	v0 =	vadd.s32 v0, v39;
	v56 =	vadd.s32 $0x7FFF, v28;
	v28 =	vadd.s32 $0x7FFF, v24  }
0x8b: {  	v24 =	vand.u32 $0xFFFF0000, v57;
	v3 =	vadd.f32 v45, v3;
	v45 =	vshrl.u32 v21, $0x10  }
0x8c: {  	v23 =	vld [tilespmem:s13+$0x70];
	v44 =	vand.u32 $0x1, v44;
	v52 =	vand.u32 $0x1, v52;
	v39 =	vadd.s32 $0x7FFF, v18  }
0x8d: {  	v8 =	vld [tilespmem:$0x1FFA0];
	v40 =	vadd.s32 $0x7FFF, v19;
	v58 =	vadd.s32 $0x7FFF, v31;
	v48 =	vadd.f32 v50, v1  }
0x8e: {  	v10 =	vld [tilespmem:$0x1FFD0];
	v19 =	vadd.s32 $0x7FFF, v0;
	v49 =	vadd.f32 v13, v5;
	v50 =	vadd.f32 v46, v4  }
0x8f: {  	v25 =	vld [tilespmem:s13+$0x0];
	v13 =	vmovc v63;
	v46 =	vshrl.u32 v22, $0x10;
	v63 =	vshrl.u32 v11, $0x10;
	v1 =	vshrl.u32 v32, $0x10  }
0x90: {  	v27 =	vld [tilespmem:s13+$0x10];
	v45 =	vand.u32 $0x1, v45;
	v20 =	vadd.s32 v44, v20;
	v30 =	vadd.s32 v52, v30  }
0x91: {  	v43 =	vld [tilespmem:s13+$0xFFFFFF10];
	v51 =	vadd.f32 v47, v3;
	v46 =	vand.u32 $0x1, v46;
	v63 =	vand.u32 $0x1, v63  }
0x92: {  	v1 =	vand.u32 $0x1, v1;
	v13 =	vadd.s32 v38, v13;
	v21 =	vadd.s32 v45, v21  }
0x93: {  	v33 =	vld [tilespmem:s13+$0xFFFFFF70];
	v34 =	vadd.s32 v61, v8;
	v2 =	vadd.s32 v2, v10;
	v38 =	vadd.s32 $0x7FFF, v15;
	[tilespmem:$0x1FFE0] =	vst v48  }
0x94: {  	v41 =	vadd.s32 $0x7FFF, v20;
	v30 =	vadd.s32 $0x7FFF, v30;
	v10 =	vadd.s32 $0x7FFF, v17;
	[tilespmem:$0x1FFB0] =	vst v49  }
0x95: {  	[tilespmem:$0x1FF90] =	vst v50;
	v48 =	vshrl.u32 v25, $0x10;
	v49 =	vshrl.u32 v27, $0x10;
	v50 =	vshrl.u32 v23, $0x10  }
0x96: {  	v4 =	vshrl.u32 v43, $0x10;
	v22 =	vadd.s32 v46, v22;
	v1 =	vadd.s32 v1, v32  }
0x97: {  	v32 =	vadd.s32 $0x7FFF, v35;
	v35 =	vadd.s32 $0x7FFF, v14;
	v37 =	vadd.s32 $0x7FFF, v13  }
0x98: {  	v42 =	vadd.s32 $0x7FFF, v21;
	v31 =	vand.u32 $0xFFFF0000, v30;
	v3 =	vshrl.u32 v33, $0x10  }
0x99: {  	v48 =	vand.u32 $0x1, v48;
	v49 =	vand.u32 $0x1, v49;
	v50 =	vand.u32 $0x1, v50  }
0x9a: {  	v4 =	vand.u32 $0x1, v4;
	v52 =	vadd.s32 $0x7FFF, v22;
	v18 =	vadd.s32 $0x7FFF, v1  }
0x9b: {  	v47 =	vld [tilespmem:s13+$0xFFFFFF20];
	v29 =	vand.u32 $0xFFFF0000, v32;
	v3 =	vand.u32 $0x1, v3;
	v25 =	vadd.s32 v48, v25  }
0x9c: {  	v8 =	vld [tilespmem:$0x1FFC0];
	v27 =	vadd.s32 v49, v27;
	v23 =	vadd.s32 v50, v23;
	v4 =	vadd.s32 v4, v43  }
0x9d: {  	v17 =	vand.u32 $0xFFFF0000, v52;
	v3 =	vadd.s32 v3, v33;
	v33 =	vadd.s32 $0x7FFF, v36  }
0x9e: {  	v36 =	vadd.s32 $0x7FFF, v12;
	v53 =	vadd.s32 $0x7FFF, v25;
	v54 =	vadd.s32 $0x7FFF, v27  }
0x9f: {  	v55 =	vadd.s32 $0x7FFF, v23;
	v12 =	vadd.s32 $0x7FFF, v34;
	v25 =	vadd.s32 $0x7FFF, v2  }
0xa0: {  	v20 =	vadd.s32 $0x7FFF, v4;
	v27 =	vand.u32 $0xFFFF0000, v35;
	v34 =	vand.u32 $0xFFFF0000, v41  }
0xa1: {  	v35 =	vand.u32 $0xFFFF0000, v42;
	v5 =	vshrl.u32 v47, $0x10;
	v9 =	vadd.s32 v62, v8  }
0xa2: {  	[tilespmem:$0x1FF80] =	vst v51;
	v51 =	vld [tilespmem:s13+$0xFFFFFF30];
	v8 =	vadd.s32 v63, v11;
	v62 =	vadd.s32 $0x7FFF, v26;
	v11 =	vadd.s32 $0x7FFF, v16  }
0xa3: {  	v23 =	vadd.s32 $0x7FFF, v3;
	v63 =	vadd.s32 $0x7FFF, v7;
	v13 =	vand.u32 $0xFFFF0000, v33  }
0xa4: {  	v7 =	vand.u32 $0xFFFF0000, v36;
	v33 =	vand.u32 $0xFFFF0000, v38;
	v36 =	vand.u32 $0xFFFF0000, v53  }
0xa5: {  	p0 =	sne.s32 s14, $0x1E0;
	v16 =	vand.u32 $0xFFFF0000, v55;
	v26 =	vand.u32 $0xFFFF0000, v56;
	v38 =	vand.u32 $0xFFFF0000, v58  }
.Ltmp0:
0xa6: {  	v5 =	vand.u32 $0x1, v5;
	v14 =	vadd.s32 $0x7FFF, v9;
	v15 =	vadd.s32 $0x7FFF, v8;
	(pc) =	sbr.rel @p0 .LBB2_2-.Ltmp0, $4  }
0xa7: {  	v9 =	vand.u32 $0xFFFF0000, v39;
	v8 =	vand.u32 $0xFFFF0000, v40;
	v6 =	vshrl.u32 v51, $0x10  }
0xa8: {  	v60 =	vld [tilespmem:$0x1FF90];
	v39 =	vand.u32 $0xFFFF0000, v63;
	v5 =	vadd.s32 v5, v47;
	v6 =	vand.u32 $0x1, v6  }
0xa9: {  	v61 =	vld [tilespmem:$0x1FFB0];
	v30 =	vand.u32 $0xFFFF0000, v62;
	v21 =	vadd.s32 $0x7FFF, v5;
	v6 =	vadd.s32 v6, v51  }
0xaa: {  	s14 =	sadd.s32 $0x20, s14;
	v59 =	vld [tilespmem:$0x1FF80];
	v22 =	vadd.s32 $0x7FFF, v6;
	v6 =	vand.u32 $0xFFFF0000, v37;
	v37 =	vand.u32 $0xFFFF0000, v54  }
0xab: {  	v0 =	vbroadcast v39, $0x6  }
0xac: {  	v1 =	vbroadcast v39, $0x7;
	v2 =	vand.u32 $0xFFFF0000, v28;
	v3 =	vbroadcast v39, $0x4  }
0xad: {  	v4 =	vbroadcast v39, $0x5;
	v5 =	vand.u32 $0xFFFF0000, v10;
	v56 =	vbroadcast v39, $0x2  }
0xae: {  	v57 =	vbroadcast v39, $0x3;
	v11 =	vand.u32 $0xFFFF0000, v11;
	v32 =	vbroadcast v39, $0x0  }
0xaf: {  	v58 =	vbroadcast v39, $0x1;
	v12 =	vand.u32 $0xFFFF0000, v12;
	v25 =	vand.u32 $0xFFFF0000, v25  }
0xb0: {  	v14 =	vand.u32 $0xFFFF0000, v14;
	v29 =	vmul.f32 v29, v1;
	v27 =	vmul.f32 v27, v0  }
0xb1: {  	v15 =	vand.u32 $0xFFFF0000, v15;
	v33 =	vmul.f32 v33, v0;
	v34 =	vmul.f32 v34, v4  }
0xb2: {  	v19 =	vand.u32 $0xFFFF0000, v19;
	v40 =	vld [tilespmem:$0x1FFE0];
	v35 =	vmul.f32 v35, v4;
	v36 =	vmul.f32 v36, v3  }
0xb3: {  	v18 =	vand.u32 $0xFFFF0000, v18;
	v37 =	vmul.f32 v37, v3;
	v31 =	vmul.f32 v31, v57  }
0xb4: {  	v20 =	vand.u32 $0xFFFF0000, v20;
	v19 =	vmul.f32 v19, v32;
	v38 =	vmul.f32 v38, v57  }
0xb5: {  	v21 =	vand.u32 $0xFFFF0000, v21;
	v5 =	vmul.f32 v5, v56;
	v11 =	vmul.f32 v11, v56  }
0xb6: {  	v22 =	vand.u32 $0xFFFF0000, v22;
	v14 =	vmul.f32 v14, v58;
	v15 =	vmul.f32 v15, v58  }
0xb7: {  	v20 =	vmul.f32 v20, v32;
	v62 =	vmul.f32 v22, v32;
	v19 =	vadd.f32 v19, v40  }
0xb8: {  	v63 =	vand.u32 $0xFFFF0000, v23;
	v21 =	vmul.f32 v21, v32;
	v18 =	vmul.f32 v18, v58  }
0xb9: {  	v32 =	vadd.f32 v62, v59;
	v40 =	vmul.f32 v63, v58;
	v14 =	vadd.f32 v14, v19  }
0xba: {  	v12 =	vmul.f32 v12, v56;
	v10 =	vmul.f32 v25, v56;
	v20 =	vadd.f32 v20, v61  }
0xbb: {  	v41 =	vmul.f32 v30, v57;
	v5 =	vadd.f32 v5, v14;
	v14 =	vadd.f32 v40, v32  }
0xbc: {  	v2 =	vmul.f32 v2, v57;
	v21 =	vadd.f32 v21, v60;
	v15 =	vadd.f32 v15, v20  }
0xbd: {  	v42 =	vmul.f32 v26, v3;
	v5 =	vadd.f32 v31, v5;
	v10 =	vadd.f32 v10, v14  }
0xbe: {  	v3 =	vmul.f32 v24, v3;
	v18 =	vadd.f32 v18, v21;
	v11 =	vadd.f32 v11, v15  }
0xbf: {  	v45 =	vld [tilespmem:$0x1FFF0];
	v44 =	vmul.f32 v17, v4;
	v5 =	vadd.f32 v36, v5;
	v2 =	vadd.f32 v2, v10  }
0xc0: {  	v9 =	vmul.f32 v9, v0;
	v12 =	vadd.f32 v12, v18;
	v11 =	vadd.f32 v38, v11  }
0xc1: {  	v5 =	vadd.f32 v34, v5;
	v2 =	vadd.f32 v3, v2;
	v3 =	vmul.f32 v16, v4  }
0xc2: {  	v0 =	vmul.f32 v8, v0;
	v12 =	vadd.f32 v41, v12;
	v43 =	vadd.f32 v37, v11  }
0xc3: {  	v7 =	vmul.f32 v7, v1;
	v5 =	vadd.f32 v27, v5;
	v2 =	vadd.f32 v3, v2  }
0xc4: {  	v12 =	vadd.f32 v42, v12;
	v10 =	vbroadcast v45, $0xF;
	v3 =	vmul.f32 v13, v1  }
0xc5: {  	v1 =	vmul.f32 v6, v1;
	v5 =	vadd.f32 v29, v5;
	v0 =	vadd.f32 v0, v2  }
0xc6: {  	v11 =	vadd.f32 v44, v12;
	v4 =	vadd.f32 v35, v43  }
0xc7: {  	v5 =	vadd.f32 v5, v10;
	v0 =	vadd.f32 v1, v0  }
0xc8: {  	v8 =	vadd.f32 v9, v11;
	v4 =	vadd.f32 v33, v4  }
0xc9: {  	vm4 =	vcmask $0x3F04;
	v2 =	vadd.f32 $1.000000000e+06, v5;
	v0 =	vadd.f32 v0, v10  }
0xca: {  	vm5 =	vcmask $0x3F08;
	v3 =	vadd.f32 v3, v4;
	v4 =	vadd.f32 v7, v8  }
0xcb: {  	v5 =	vbroadcast v2, $0x0;
	v9 =	vadd.f32 $1.000000000e+06, v0;
	v0 =	vbroadcast v2, $0x1  }
0xcc: {  	v1 =	vadd.f32 v3, v10;
	v46 =	vbroadcast v2, $0x2;
	v48 =	vbroadcast v2, $0x4  }
0xcd: {  	v4 =	vadd.f32 v4, v10;
	v49 =	vbroadcast v2, $0x6;
	v50 =	vbroadcast v2, $0x8  }
0xce: {  	v3 =	vadd.f32 $1.000000000e+06, v1;
	v51 =	vbroadcast v2, $0xA;
	v52 =	vbroadcast v2, $0xC  }
0xcf: {  	vm3 =	vcmask $0x3F28;
	v53 =	vbroadcast v2, $0xE;
	v54 =	vbroadcast v2, $0xF  }
0xd0: {  	v4 =	vadd.f32 $1.000000000e+06, v4;
	v55 =	vbroadcast v3, $0x0;
	v57 =	vbroadcast v3, $0x3  }
0xd1: {  	vm2 =	vcmask $0x3F38;
	v28 =	vbroadcast v3, $0x7;
	v40 =	vbroadcast v3, $0xA  }
0xd2: {  	v1 =	vimm.s32 $0x0;
	v60 =	vbroadcast v4, $0x1;
	v62 =	vbroadcast v4, $0x2  }
0xd3: {  	vm0 =	veq.f32 v5, v2;
	vm1 =	vgt.f32 v5, v2;
	vm6 =	vge.f32 v5, v3  }
0xd4: {  	vm7 =	vge.f32 v5, v4;
	vm8 =	veq.f32 v0, v2;
	vm9 =	vge.f32 v5, v9  }
0xd5: {  	vm15 =	vgt.f32 v0, v2;
	vm10 =	vge.f32 v0, v3;
	vm11 =	vge.f32 v0, v4  }
0xd6: {  	vm12 =	vge.f32 v0, v9;
	vm13 =	veq.f32 v46, v2;
	vm14 =	vgt.f32 v46, v2  }
0xd7: {  	vm0 =	vmand vm0, vm4;
	v7 =	vsel vm7, $0x1, v1;
	v5 =	vsel vm9, $0x1, v1  }
0xd8: {  	v8 =	vsel vm10, $0x1, v1;
	v0 =	vsel vm12, $0x1, v1;
	vm0 =	vmor vm1, vm0  }
0xd9: {  	vm7 =	vge.f32 v46, v4;
	v0 =	vadd.s32 v0, v5;
	v6 =	vsel vm0, $0x1, v1  }
0xda: {  	vm0 =	vmand vm8, vm5;
	vm8 =	vge.f32 v46, v9;
	[tilespmem:$0x1FEF0] =	vst v6;
	v6 =	vsel vm6, $0x1, v1  }
0xdb: {  	vm0 =	vmor vm15, vm0;
	vm6 =	vcmask $0x3F0C;
	vm15 =	vge.f32 v46, v3  }
0xdc: {  	v47 =	vsel vm0, $0x1, v1;
	v6 =	vadd.s32 v8, v6;
	v8 =	vsel vm11, $0x1, v1  }
0xdd: {  	vm1 =	vmand vm13, vm6;
	v5 =	vsel vm15, $0x1, v1;
	vm15 =	vgt.f32 v48, v2  }
0xde: {  	v7 =	vadd.s32 v8, v7;
	vm0 =	vmor vm14, vm1;
	v8 =	vbroadcast v2, $0x3  }
0xdf: {  	v5 =	vadd.s32 v5, v6;
	v6 =	vsel vm7, $0x1, v1;
	vm7 =	vcmask $0x3F10  }
0xe0: {  	vm14 =	veq.f32 v48, v2;
	v59 =	vsel vm0, $0x1, v1;
	v6 =	vadd.s32 v6, v7  }
0xe1: {  	v7 =	vsel vm8, $0x1, v1;
	vm8 =	vcmask $0x3F14;
	vm9 =	veq.f32 v8, v2  }
0xe2: {  	vm10 =	vgt.f32 v8, v2;
	v0 =	vadd.s32 v7, v0;
	vm11 =	vge.f32 v8, v3  }
0xe3: {  	vm12 =	vge.f32 v8, v4;
	vm13 =	vge.f32 v8, v9;
	v8 =	vbroadcast v2, $0x5  }
0xe4: {  	vm1 =	vmand vm9, vm7;
	v7 =	vsel vm11, $0x1, v1;
	vm11 =	vge.f32 v48, v3  }
0xe5: {  	vm9 =	vcmask $0x3F18;
	vm0 =	vmor vm10, vm1;
	v5 =	vadd.s32 v7, v5  }
0xe6: {  	v7 =	vsel vm12, $0x1, v1;
	vm1 =	vmand vm14, vm8;
	vm12 =	vge.f32 v48, v4  }
0xe7: {  	vm14 =	veq.f32 v8, v2;
	vm10 =	vcmask $0x3F1C;
	v12 =	vsel vm0, $0x1, v1  }
0xe8: {  	v6 =	vadd.s32 v7, v6;
	v7 =	vsel vm13, $0x1, v1;
	vm0 =	vmor vm15, vm1  }
0xe9: {  	vm13 =	vge.f32 v48, v9;
	vm15 =	vgt.f32 v8, v2;
	vm1 =	vmand vm14, vm9  }
0xea: {  	vm14 =	veq.f32 v49, v2;
	vm9 =	vge.f32 v49, v3;
	v0 =	vadd.s32 v7, v0  }
0xeb: {  	v7 =	vsel vm11, $0x1, v1;
	v14 =	vsel vm0, $0x1, v1;
	vm0 =	vmor vm15, vm1  }
0xec: {  	vm11 =	vge.f32 v8, v3;
	vm15 =	vgt.f32 v49, v2;
	vm1 =	vmand vm14, vm10  }
0xed: {  	vm10 =	vge.f32 v49, v4;
	v5 =	vadd.s32 v7, v5;
	v7 =	vsel vm12, $0x1, v1  }
0xee: {  	vm12 =	vge.f32 v8, v4;
	v16 =	vsel vm0, $0x1, v1;
	vm0 =	vmor vm15, vm1  }
0xef: {  	v6 =	vadd.s32 v7, v6;
	v7 =	vsel vm13, $0x1, v1;
	vm13 =	vge.f32 v8, v9  }
0xf0: {  	v8 =	vbroadcast v2, $0x7;
	v0 =	vadd.s32 v7, v0;
	v7 =	vsel vm11, $0x1, v1  }
0xf1: {  	v18 =	vsel vm0, $0x1, v1;
	vm11 =	vge.f32 v49, v9;
	v5 =	vadd.s32 v7, v5  }
0xf2: {  	v7 =	vsel vm12, $0x1, v1;
	vm12 =	veq.f32 v8, v2;
	vm14 =	vge.f32 v8, v3  }
0xf3: {  	vm15 =	vge.f32 v8, v4;
	v6 =	vadd.s32 v7, v6;
	v7 =	vsel vm13, $0x1, v1  }
0xf4: {  	vm13 =	vgt.f32 v8, v2;
	v0 =	vadd.s32 v7, v0;
	v7 =	vsel vm9, $0x1, v1  }
0xf5: {  	vm9 =	vge.f32 v8, v9;
	v5 =	vadd.s32 v7, v5;
	v7 =	vsel vm10, $0x1, v1  }
0xf6: {  	v6 =	vadd.s32 v7, v6;
	v7 =	vsel vm11, $0x1, v1;
	vm11 =	vcmask $0x3F20  }
0xf7: {  	v8 =	vbroadcast v2, $0x9;
	vm10 =	veq.f32 v50, v2;
	vm1 =	vmand vm12, vm11  }
0xf8: {  	v0 =	vadd.s32 v7, v0;
	v7 =	vsel vm14, $0x1, v1;
	vm11 =	vgt.f32 v50, v2  }
0xf9: {  	vm12 =	vcmask $0x3F24;
	vm14 =	vge.f32 v8, v3;
	vm0 =	vmor vm13, vm1  }
0xfa: {  	v5 =	vadd.s32 v7, v5;
	v7 =	vsel vm15, $0x1, v1;
	vm1 =	vmand vm10, vm12  }
0xfb: {  	vm10 =	vge.f32 v50, v4;
	vm12 =	veq.f32 v8, v2;
	vm13 =	vgt.f32 v8, v2  }
0xfc: {  	vm15 =	vge.f32 v8, v4;
	v19 =	vsel vm0, $0x1, v1;
	v6 =	vadd.s32 v7, v6  }
0xfd: {  	v7 =	vsel vm9, $0x1, v1;
	vm0 =	vmor vm11, vm1;
	vm9 =	vge.f32 v50, v3  }
0xfe: {  	vm11 =	vge.f32 v50, v9;
	vm1 =	vmand vm12, vm3;
	vm12 =	vcmask $0x3F34  }
0xff: {  	v0 =	vadd.s32 v7, v0;
	v7 =	vsel vm9, $0x1, v1;
	v23 =	vsel vm0, $0x1, v1  }
0x100: {  	vm0 =	vmor vm13, vm1;
	vm9 =	vge.f32 v8, v9;
	vm13 =	vge.f32 v51, v3  }
0x101: {  	v8 =	vbroadcast v2, $0xB;
	v5 =	vadd.s32 v7, v5;
	v7 =	vsel vm10, $0x1, v1  }
0x102: {  	v25 =	vsel vm0, $0x1, v1;
	v6 =	vadd.s32 v7, v6;
	v7 =	vsel vm11, $0x1, v1  }
0x103: {  	vm10 =	veq.f32 v51, v2;
	v0 =	vadd.s32 v7, v0;
	v7 =	vsel vm14, $0x1, v1  }
0x104: {  	vm11 =	vgt.f32 v51, v2;
	vm14 =	vcmask $0x3F2C;
	v5 =	vadd.s32 v7, v5  }
0x105: {  	v7 =	vsel vm15, $0x1, v1;
	vm1 =	vmand vm10, vm14;
	vm15 =	vge.f32 v51, v4  }
0x106: {  	vm10 =	veq.f32 v8, v2;
	v6 =	vadd.s32 v7, v6;
	v7 =	vsel vm9, $0x1, v1  }
0x107: {  	vm0 =	vmor vm11, vm1;
	vm9 =	vge.f32 v51, v9;
	vm11 =	vgt.f32 v8, v2  }
0x108: {  	v0 =	vadd.s32 v7, v0;
	v7 =	vsel vm13, $0x1, v1;
	v27 =	vsel vm0, $0x1, v1  }
0x109: {  	vm13 =	vcmask $0x3F30;
	v5 =	vadd.s32 v7, v5;
	v7 =	vsel vm15, $0x1, v1  }
0x10a: {  	vm1 =	vmand vm10, vm13;
	vm15 =	vge.f32 v8, v3;
	vm10 =	vge.f32 v8, v9  }
0x10b: {  	v6 =	vadd.s32 v7, v6;
	v7 =	vsel vm9, $0x1, v1;
	vm0 =	vmor vm11, vm1  }
0x10c: {  	vm9 =	vge.f32 v8, v4;
	vm11 =	veq.f32 v52, v2;
	v8 =	vbroadcast v2, $0xD  }
0x10d: {  	v0 =	vadd.s32 v7, v0;
	v7 =	vsel vm15, $0x1, v1;
	v29 =	vsel vm0, $0x1, v1  }
0x10e: {  	vm1 =	vmand vm11, vm12;
	vm11 =	vge.f32 v52, v4;
	vm15 =	vge.f32 v52, v9  }
0x10f: {  	v5 =	vadd.s32 v7, v5;
	v7 =	vsel vm9, $0x1, v1;
	vm9 =	vgt.f32 v52, v2  }
0x110: {  	v6 =	vadd.s32 v7, v6;
	v7 =	vsel vm10, $0x1, v1;
	vm0 =	vmor vm9, vm1  }
0x111: {  	vm10 =	vge.f32 v52, v3;
	vm9 =	veq.f32 v8, v2;
	v0 =	vadd.s32 v7, v0  }
0x112: {  	v7 =	vsel vm10, $0x1, v1;
	v30 =	vsel vm0, $0x1, v1;
	vm10 =	vgt.f32 v8, v2  }
0x113: {  	vm1 =	vmand vm9, vm2;
	vm9 =	vge.f32 v8, v9;
	v5 =	vadd.s32 v7, v5  }
0x114: {  	v7 =	vsel vm11, $0x1, v1;
	vm0 =	vmor vm10, vm1;
	vm11 =	vge.f32 v8, v3  }
0x115: {  	vm10 =	veq.f32 v53, v2;
	v6 =	vadd.s32 v7, v6;
	v7 =	vsel vm15, $0x1, v1  }
0x116: {  	vm15 =	vge.f32 v8, v4;
	v0 =	vadd.s32 v7, v0;
	v7 =	vsel vm11, $0x1, v1  }
0x117: {  	v31 =	vsel vm0, $0x1, v1;
	v5 =	vadd.s32 v7, v5;
	v7 =	vsel vm15, $0x1, v1  }
0x118: {  	vm11 =	vgt.f32 v53, v2;
	vm15 =	vcmask $0x3F3C;
	v6 =	vadd.s32 v7, v6  }
0x119: {  	v7 =	vsel vm9, $0x1, v1;
	vm1 =	vmand vm10, vm15;
	vm9 =	vge.f32 v53, v3  }
0x11a: {  	vm10 =	vge.f32 v53, v4;
	vm15 =	vgt.f32 v54, v2;
	v0 =	vadd.s32 v7, v0  }
0x11b: {  	vm0 =	vmor vm11, vm1;
	v7 =	vsel vm9, $0x1, v1;
	v8 =	vsel vm10, $0x1, v1  }
0x11c: {  	vm11 =	vge.f32 v53, v9;
	vm9 =	vge.f32 v54, v3;
	v33 =	vsel vm15, $0x1, v1  }
0x11d: {  	vm10 =	vge.f32 v54, v4;
	vm15 =	vgt.f32 v55, v2;
	v32 =	vsel vm0, $0x1, v1  }
0x11e: {  	v5 =	vadd.s32 v7, v5;
	v6 =	vadd.s32 v8, v6;
	v7 =	vsel vm11, $0x1, v1  }
0x11f: {  	v8 =	vsel vm10, $0x1, v1;
	vm11 =	vge.f32 v54, v9;
	v34 =	vsel vm15, $0x1, v1  }
0x120: {  	vm10 =	vgt.f32 v55, v3;
	v0 =	vadd.s32 v7, v0;
	v7 =	vsel vm9, $0x1, v1  }
0x121: {  	vm15 =	vge.f32 v55, v9;
	vm9 =	veq.f32 v55, v3;
	v20 =	vadd.s32 v7, v5  }
0x122: {  	v5 =	vadd.s32 v8, v6;
	v6 =	vsel vm11, $0x1, v1;
	vm1 =	vmand vm9, vm4  }
0x123: {  	vm11 =	vge.f32 v55, v4;
	v7 =	vbroadcast v3, $0x1;
	vm9 =	vgt.f32 v57, v3  }
0x124: {  	v0 =	vadd.s32 v6, v0;
	vm0 =	vmor vm10, vm1;
	v8 =	vsel vm11, $0x1, v1  }
0x125: {  	vm11 =	vmmov vm5;
	v6 =	vsel vm0, $0x1, v1;
	v5 =	vadd.s32 v8, v5  }
0x126: {  	v8 =	vsel vm15, $0x1, v1;
	vm0 =	veq.f32 v7, v3;
	vm1 =	vgt.f32 v7, v2  }
0x127: {  	vm4 =	vgt.f32 v7, v3;
	vm10 =	vge.f32 v7, v4;
	vm2 =	vge.f32 v7, v9  }
0x128: {  	v7 =	vbroadcast v3, $0x2;
	vm0 =	vmand vm0, vm5;
	v0 =	vadd.s32 v8, v0  }
0x129: {  	v58 =	vsel vm1, $0x1, v1;
	v8 =	vsel vm10, $0x1, v1;
	v56 =	vsel vm2, $0x1, v1  }
0x12a: {  	vm10 =	vmmov vm6;
	vm0 =	vmor vm4, vm0;
	v5 =	vadd.s32 v8, v5  }
0x12b: {  	v0 =	vadd.s32 v56, v0;
	vm4 =	vgt.f32 v7, v2;
	vm5 =	vgt.f32 v7, v3  }
0x12c: {  	[tilespmem:$0x1FF00] =	vst v6;
	vm15 =	vge.f32 v7, v4;
	v6 =	vsel vm0, $0x1, v1;
	vm0 =	veq.f32 v7, v3  }
0x12d: {  	v61 =	vsel vm4, $0x1, v1;
	v8 =	vsel vm15, $0x1, v1;
	vm4 =	vge.f32 v7, v9  }
0x12e: {  	vm15 =	vge.f32 v57, v4;
	vm0 =	vmand vm0, vm6;
	v5 =	vadd.s32 v8, v5  }
0x12f: {  	v8 =	vsel vm4, $0x1, v1;
	vm6 =	veq.f32 v57, v3;
	v11 =	vsel vm15, $0x1, v1  }
0x130: {  	vm4 =	vge.f32 v57, v9;
	vm0 =	vmor vm5, vm0;
	v0 =	vadd.s32 v8, v0  }
0x131: {  	vm5 =	vgt.f32 v57, v2;
	vm1 =	vmand vm6, vm7;
	v8 =	vbroadcast v3, $0x4  }
0x132: {  	[tilespmem:$0x1FF10] =	vst v6;
	v5 =	vadd.s32 v11, v5;
	v13 =	vsel vm4, $0x1, v1;
	v6 =	vsel vm0, $0x1, v1  }
0x133: {  	v63 =	vsel vm5, $0x1, v1;
	vm0 =	vmor vm9, vm1;
	vm9 =	vmmov vm8  }
0x134: {  	v0 =	vadd.s32 v13, v0;
	[tilespmem:$0x1FF20] =	vst v6;
	v6 =	vsel vm0, $0x1, v1;
	vm5 =	veq.f32 v8, v3  }
0x135: {  	vm6 =	vgt.f32 v8, v2;
	vm7 =	vgt.f32 v8, v3;
	vm4 =	vge.f32 v8, v9  }
0x136: {  	vm0 =	vmand vm5, vm8;
	v41 =	vsel vm6, $0x1, v1;
	vm8 =	vge.f32 v8, v4  }
0x137: {  	v8 =	vbroadcast v3, $0x5;
	v22 =	vsel vm4, $0x1, v1;
	vm0 =	vmor vm7, vm0  }
0x138: {  	v21 =	vsel vm8, $0x1, v1;
	v0 =	vadd.s32 v22, v0;
	vm8 =	vcmask $0x3F18  }
0x139: {  	[tilespmem:$0x1FF30] =	vst v6;
	v6 =	vsel vm0, $0x1, v1;
	v5 =	vadd.s32 v21, v5;
	vm0 =	veq.f32 v8, v3  }
0x13a: {  	vm5 =	vgt.f32 v8, v2;
	vm4 =	vgt.f32 v8, v3;
	vm6 =	vge.f32 v8, v9  }
0x13b: {  	vm0 =	vmand vm0, vm8;
	v45 =	vsel vm5, $0x1, v1;
	vm5 =	vge.f32 v8, v4  }
0x13c: {  	v8 =	vbroadcast v3, $0x6;
	v26 =	vsel vm6, $0x1, v1;
	vm0 =	vmor vm4, vm0  }
0x13d: {  	v24 =	vsel vm5, $0x1, v1;
	v0 =	vadd.s32 v26, v0;
	vm4 =	vge.f32 v28, v4  }
0x13e: {  	[tilespmem:$0x1FF40] =	vst v6;
	vm5 =	vge.f32 v28, v9;
	v6 =	vsel vm0, $0x1, v1;
	v5 =	vadd.s32 v24, v5  }
0x13f: {  	vm7 =	vgt.f32 v8, v2;
	vm1 =	veq.f32 v8, v3;
	vm15 =	vgt.f32 v8, v3  }
0x140: {  	vm6 =	vge.f32 v8, v4;
	v36 =	vsel vm4, $0x1, v1;
	v37 =	vsel vm5, $0x1, v1  }
0x141: {  	vm5 =	vcmask $0x3F24;
	v46 =	vsel vm7, $0x1, v1;
	vm7 =	vcmask $0x3F1C  }
0x142: {  	v35 =	vsel vm6, $0x1, v1;
	vm6 =	vcmask $0x3F20;
	vm1 =	vmand vm1, vm7  }
0x143: {  	v5 =	vadd.s32 v35, v5;
	v35 =	vbroadcast v4, $0x3;
	vm0 =	vmor vm15, vm1  }
0x144: {  	vm15 =	vge.f32 v8, v9;
	vm1 =	vgt.f32 v28, v2;
	v5 =	vadd.s32 v36, v5  }
0x145: {  	[tilespmem:$0x1FF50] =	vst v6;
	v36 =	vbroadcast v4, $0x4;
	v6 =	vsel vm0, $0x1, v1;
	v8 =	vsel vm15, $0x1, v1  }
0x146: {  	[tilespmem:$0x1FEE0] =	vst v47;
	vm0 =	veq.f32 v28, v3;
	vm15 =	vgt.f32 v28, v3;
	v47 =	vsel vm1, $0x1, v1  }
0x147: {  	vm0 =	vmand vm0, vm6;
	v0 =	vadd.s32 v8, v0;
	v8 =	vbroadcast v3, $0x8  }
0x148: {  	vm0 =	vmor vm15, vm0;
	v0 =	vadd.s32 v37, v0;
	v37 =	vbroadcast v4, $0x5  }
0x149: {  	v21 =	vsel vm0, $0x1, v1;
	vm0 =	veq.f32 v8, v3;
	vm1 =	vgt.f32 v8, v2  }
0x14a: {  	vm15 =	vgt.f32 v8, v3;
	vm4 =	vge.f32 v8, v9;
	vm0 =	vmand vm0, vm5  }
0x14b: {  	v48 =	vsel vm1, $0x1, v1;
	v39 =	vsel vm4, $0x1, v1;
	vm0 =	vmor vm15, vm0  }
0x14c: {  	vm15 =	vge.f32 v8, v4;
	v8 =	vbroadcast v3, $0x9;
	v0 =	vadd.s32 v39, v0  }
0x14d: {  	v39 =	vbroadcast v3, $0xD;
	v38 =	vsel vm15, $0x1, v1;
	v22 =	vsel vm0, $0x1, v1  }
0x14e: {  	v5 =	vadd.s32 v38, v5;
	vm15 =	vgt.f32 v8, v2;
	vm4 =	veq.f32 v8, v3  }
0x14f: {  	v38 =	vbroadcast v4, $0x6;
	v49 =	vsel vm15, $0x1, v1;
	vm15 =	vgt.f32 v8, v3  }
0x150: {  	vm1 =	vmand vm4, vm3;
	vm4 =	vge.f32 v8, v4;
	vm3 =	vge.f32 v40, v9  }
0x151: {  	vm0 =	vmor vm15, vm1;
	v42 =	vsel vm4, $0x1, v1;
	vm15 =	vge.f32 v8, v9  }
0x152: {  	vm1 =	vgt.f32 v40, v2;
	vm4 =	vmmov vm14;
	v44 =	vsel vm3, $0x1, v1  }
0x153: {  	v24 =	vsel vm0, $0x1, v1;
	v5 =	vadd.s32 v42, v5;
	v8 =	vsel vm15, $0x1, v1  }
0x154: {  	vm0 =	veq.f32 v40, v3;
	vm15 =	vgt.f32 v40, v3;
	v50 =	vsel vm1, $0x1, v1  }
0x155: {  	vm1 =	vge.f32 v40, v4;
	v40 =	vbroadcast v3, $0xE;
	v42 =	vbroadcast v3, $0xF  }
0x156: {  	vm0 =	vmand vm0, vm14;
	v0 =	vadd.s32 v8, v0;
	v43 =	vsel vm1, $0x1, v1  }
0x157: {  	v8 =	vbroadcast v3, $0xB;
	vm0 =	vmor vm15, vm0;
	v5 =	vadd.s32 v43, v5  }
0x158: {  	v0 =	vadd.s32 v44, v0;
	v43 =	vbroadcast v4, $0x0;
	vm2 =	vge.f32 v40, v4  }
0x159: {  	v26 =	vsel vm0, $0x1, v1;
	vm0 =	veq.f32 v8, v3;
	vm1 =	vgt.f32 v8, v2  }
0x15a: {  	vm15 =	vgt.f32 v8, v3;
	vm14 =	vge.f32 v8, v4;
	v44 =	vsel vm2, $0x1, v1  }
0x15b: {  	vm2 =	vge.f32 v42, v4;
	vm0 =	vmand vm0, vm13;
	v52 =	vsel vm1, $0x1, v1  }
0x15c: {  	v51 =	vsel vm14, $0x1, v1;
	vm0 =	vmor vm15, vm0;
	vm15 =	vge.f32 v8, v9  }
0x15d: {  	v8 =	vbroadcast v3, $0xC;
	v5 =	vadd.s32 v51, v5;
	v51 =	vsel vm2, $0x1, v1  }
0x15e: {  	vm2 =	vgt.f32 v39, v2;
	v28 =	vsel vm0, $0x1, v1;
	v53 =	vsel vm15, $0x1, v1  }
0x15f: {  	[tilespmem:$0x1FF60] =	vst v6;
	v6 =	vsel vm2, $0x1, v1;
	vm2 =	vgt.f32 v42, v2;
	v0 =	vadd.s32 v53, v0  }
0x160: {  	vm0 =	vgt.f32 v8, v2;
	vm1 =	vgt.f32 v8, v3;
	vm13 =	vge.f32 v8, v4  }
0x161: {  	vm15 =	veq.f32 v8, v3;
	vm14 =	vge.f32 v8, v9;
	v8 =	vsel vm13, $0x1, v1  }
0x162: {  	v54 =	vsel vm14, $0x1, v1;
	vm15 =	vmand vm15, vm12;
	vm14 =	vmmov vm12  }
0x163: {  	vm13 =	vge.f32 v39, v4;
	vm12 =	vge.f32 v39, v9;
	v7 =	vsel vm0, $0x1, v1  }
0x164: {  	v5 =	vadd.s32 v8, v5;
	v0 =	vadd.s32 v54, v0;
	v8 =	vsel vm13, $0x1, v1  }
0x165: {  	v55 =	vsel vm12, $0x1, v1;
	vm13 =	vge.f32 v40, v9;
	vm12 =	vge.f32 v42, v9  }
0x166: {  	v54 =	vbroadcast v4, $0x8;
	vm1 =	vmor vm1, vm15;
	vm15 =	vgt.f32 v39, v3  }
0x167: {  	v5 =	vadd.s32 v8, v5;
	v0 =	vadd.s32 v55, v0;
	v8 =	vsel vm13, $0x1, v1  }
0x168: {  	vm13 =	vge.f32 v43, v9;
	v55 =	vbroadcast v4, $0xB;
	v0 =	vadd.s32 v8, v0  }
0x169: {  	v8 =	vsel vm12, $0x1, v1;
	vm12 =	vge.f32 v60, v9;
	v5 =	vadd.s32 v44, v5  }
0x16a: {  	v0 =	vadd.s32 v8, v0;
	v8 =	vsel vm13, $0x1, v1;
	vm13 =	vge.f32 v62, v9  }
0x16b: {  	v17 =	vadd.s32 v51, v5;
	v0 =	vadd.s32 v8, v0;
	v8 =	vsel vm12, $0x1, v1  }
0x16c: {  	vm12 =	vge.f32 v35, v9;
	v0 =	vadd.s32 v8, v0;
	v8 =	vsel vm13, $0x1, v1  }
0x16d: {  	vm13 =	vge.f32 v36, v9;
	v0 =	vadd.s32 v8, v0;
	v8 =	vsel vm12, $0x1, v1  }
0x16e: {  	vm12 =	vge.f32 v37, v9;
	v0 =	vadd.s32 v8, v0;
	v8 =	vsel vm13, $0x1, v1  }
0x16f: {  	vm13 =	vge.f32 v38, v9;
	v0 =	vadd.s32 v8, v0;
	v8 =	vbroadcast v4, $0x7  }
0x170: {  	v56 =	vsel vm12, $0x1, v1;
	v57 =	vsel vm13, $0x1, v1;
	vm13 =	vge.f32 v54, v9  }
0x171: {  	v0 =	vadd.s32 v56, v0;
	v56 =	vbroadcast v4, $0x9;
	vm12 =	vge.f32 v8, v9  }
0x172: {  	v0 =	vadd.s32 v57, v0;
	v57 =	vbroadcast v4, $0xA;
	v10 =	vsel vm12, $0x1, v1  }
0x173: {  	v11 =	vsel vm13, $0x1, v1;
	vm12 =	vge.f32 v56, v9;
	v0 =	vadd.s32 v10, v0  }
0x174: {  	v53 =	vsel vm12, $0x1, v1;
	vm13 =	vge.f32 v57, v9;
	v44 =	vadd.s32 v11, v0  }
0x175: {  	vm12 =	vge.f32 v55, v9;
	v5 =	vadd.s32 v53, v44;
	v53 =	vbroadcast v4, $0xC  }
0x176: {  	v13 =	vsel vm13, $0x1, v1;
	v15 =	vsel vm12, $0x1, v1;
	vm12 =	vcmask $0x3F38  }
0x177: {  	v5 =	vadd.s32 v13, v5;
	v13 =	vsel vm2, $0x1, v1;
	vm3 =	vge.f32 v53, v9  }
0x178: {  	vm2 =	vgt.f32 v43, v4;
	v5 =	vadd.s32 v15, v5;
	v51 =	vsel vm3, $0x1, v1  }
0x179: {  	vm3 =	veq.f32 v39, v3;
	v39 =	vsel vm1, $0x1, v1;
	vm1 =	veq.f32 v40, v3  }
0x17a: {  	vm13 =	vmand vm3, vm12;
	v51 =	vadd.s32 v51, v5;
	vm3 =	vgt.f32 v40, v2  }
0x17b: {  	v5 =	vadd.s32 v33, v34;
	vm0 =	vmor vm15, vm13;
	vm15 =	vgt.f32 v40, v3  }
0x17c: {  	vm13 =	vcmask $0x3F3C;
	v0 =	vsel vm3, $0x1, v1;
	v5 =	vadd.s32 v58, v5  }
0x17d: {  	vm3 =	veq.f32 v43, v4;
	vm1 =	vmand vm1, vm13;
	v5 =	vadd.s32 v61, v5  }
0x17e: {  	vm1 =	vmor vm15, vm1;
	vm15 =	vgt.f32 v42, v3;
	v42 =	vsel vm0, $0x1, v1  }
0x17f: {  	vm0 =	vgt.f32 v43, v2;
	v5 =	vadd.s32 v63, v5;
	v40 =	vsel vm1, $0x1, v1  }
0x180: {  	vm1 =	vgt.f32 v43, v3;
	v43 =	vsel vm15, $0x1, v1;
	v58 =	vsel vm0, $0x1, v1  }
0x181: {  	v5 =	vadd.s32 v41, v5;
	vm15 =	vcmask $0x3F04;
	v44 =	vsel vm1, $0x1, v1  }
0x182: {  	vm0 =	vmand vm3, vm15;
	vm1 =	vgt.f32 v60, v2;
	vm3 =	vgt.f32 v60, v4  }
0x183: {  	vm15 =	veq.f32 v60, v4;
	v5 =	vadd.s32 v45, v5;
	vm0 =	vmor vm2, vm0  }
0x184: {  	vm2 =	vgt.f32 v60, v3;
	v61 =	vsel vm1, $0x1, v1;
	vm15 =	vmand vm15, vm11  }
0x185: {  	v5 =	vadd.s32 v46, v5;
	vm1 =	vgt.f32 v62, v2;
	v63 =	vsel vm0, $0x1, v1  }
0x186: {  	v45 =	vsel vm2, $0x1, v1;
	vm0 =	vmor vm3, vm15;
	vm2 =	vgt.f32 v62, v3  }
0x187: {  	vm3 =	vgt.f32 v62, v4;
	vm15 =	veq.f32 v62, v4;
	v5 =	vadd.s32 v47, v5  }
0x188: {  	[tilespmem:$0x1FF70] =	vst v63;
	v34 =	vsel vm0, $0x1, v1;
	v63 =	vsel vm1, $0x1, v1;
	vm15 =	vmand vm15, vm10  }
0x189: {  	v5 =	vadd.s32 v48, v5;
	v46 =	vsel vm2, $0x1, v1;
	vm1 =	vgt.f32 v35, v2  }
0x18a: {  	vm2 =	vgt.f32 v35, v3;
	vm0 =	vmor vm3, vm15;
	vm3 =	vgt.f32 v35, v4  }
0x18b: {  	vm15 =	veq.f32 v35, v4;
	v15 =	vadd.s32 v49, v5;
	v10 =	vsel vm1, $0x1, v1  }
0x18c: {  	v47 =	vsel vm2, $0x1, v1;
	vm1 =	vgt.f32 v36, v2;
	vm2 =	vgt.f32 v36, v3  }
0x18d: {  	v35 =	vsel vm0, $0x1, v1;
	v41 =	vadd.s32 v50, v15;
	vm0 =	vcmask $0x3F10  }
0x18e: {  	v48 =	vsel vm1, $0x1, v1;
	v11 =	vsel vm2, $0x1, v1;
	vm1 =	vgt.f32 v37, v2  }
0x18f: {  	vm2 =	vgt.f32 v37, v3;
	vm0 =	vmand vm15, vm0;
	vm15 =	veq.f32 v36, v4  }
0x190: {  	v41 =	vadd.s32 v52, v41;
	v49 =	vsel vm2, $0x1, v1;
	vm2 =	vgt.f32 v38, v3  }
0x191: {  	vm0 =	vmor vm3, vm0;
	vm3 =	vgt.f32 v36, v4;
	vm15 =	vmand vm15, vm9  }
0x192: {  	v41 =	vadd.s32 v7, v41;
	v50 =	vsel vm2, $0x1, v1;
	vm2 =	vgt.f32 v8, v3  }
0x193: {  	v36 =	vsel vm0, $0x1, v1;
	vm0 =	vmor vm3, vm15;
	vm3 =	vgt.f32 v37, v4  }
0x194: {  	vm15 =	veq.f32 v37, v4;
	v6 =	vadd.s32 v6, v41;
	v41 =	vsel vm1, $0x1, v1  }
0x195: {  	vm1 =	vgt.f32 v38, v2;
	v52 =	vsel vm2, $0x1, v1;
	vm2 =	vgt.f32 v54, v3  }
0x196: {  	v37 =	vsel vm0, $0x1, v1;
	vm15 =	vmand vm15, vm8;
	v6 =	vadd.s32 v0, v6  }
0x197: {  	v0 =	vld [tilespmem:$0x1FEE0];
	vm0 =	vmor vm3, vm15;
	vm3 =	vgt.f32 v38, v4;
	vm15 =	veq.f32 v38, v4  }
0x198: {  	v6 =	vadd.s32 v13, v6;
	v38 =	vsel vm1, $0x1, v1;
	vm1 =	vgt.f32 v8, v2  }
0x199: {  	v33 =	vsel vm0, $0x1, v1;
	vm15 =	vmand vm15, vm7;
	v7 =	vsel vm1, $0x1, v1  }
0x19a: {  	vm1 =	vgt.f32 v54, v2;
	vm0 =	vmor vm3, vm15;
	vm15 =	veq.f32 v8, v4  }
0x19b: {  	vm3 =	vgt.f32 v8, v4;
	v15 =	vsel vm0, $0x1, v1;
	vm15 =	vmand vm15, vm6  }
0x19c: {  	v6 =	vadd.s32 v0, v6;
	v0 =	vld [tilespmem:$0x1FEF0];
	vm0 =	vmor vm3, vm15;
	vm3 =	vgt.f32 v54, v4  }
0x19d: {  	vm15 =	veq.f32 v54, v4;
	v54 =	vsel vm1, $0x1, v1;
	vm1 =	vgt.f32 v56, v2  }
0x19e: {  	v13 =	vsel vm0, $0x1, v1;
	vm15 =	vmand vm15, vm5;
	v5 =	vsel vm1, $0x1, v1  }
0x19f: {  	vm1 =	vgt.f32 v57, v2;
	vm0 =	vmor vm3, vm15;
	vm3 =	vgt.f32 v56, v4  }
0x1a0: {  	vm15 =	veq.f32 v56, v4;
	v8 =	vsel vm0, $0x1, v1;
	vm0 =	vcmask $0x3F28  }
0x1a1: {  	vm0 =	vmand vm15, vm0;
	vm15 =	veq.f32 v57, v4;
	v6 =	vadd.s32 v0, v6  }
0x1a2: {  	vm0 =	vmor vm3, vm0;
	vm3 =	vgt.f32 v57, v4;
	v6 =	vadd.s32 v59, v6  }
0x1a3: {  	v0 =	vsel vm1, $0x1, v1;
	vm15 =	vmand vm15, vm4;
	v6 =	vadd.s32 v12, v6  }
0x1a4: {  	v12 =	vadd.s32 v14, v6;
	v6 =	vsel vm2, $0x1, v1;
	vm2 =	vgt.f32 v56, v3  }
0x1a5: {  	vm1 =	vgt.f32 v55, v2;
	v12 =	vadd.s32 v16, v12;
	v56 =	vsel vm2, $0x1, v1  }
0x1a6: {  	vm2 =	vgt.f32 v57, v3;
	v18 =	vadd.s32 v18, v12;
	v12 =	vsel vm0, $0x1, v1  }
0x1a7: {  	v57 =	vsel vm2, $0x1, v1;
	vm0 =	vmor vm3, vm15;
	vm2 =	vgt.f32 v55, v3  }
0x1a8: {  	vm3 =	vgt.f32 v55, v4;
	vm15 =	veq.f32 v55, v4;
	v55 =	vsel vm1, $0x1, v1  }
0x1a9: {  	vm1 =	vgt.f32 v53, v2;
	v14 =	vadd.s32 v19, v18;
	v59 =	vsel vm2, $0x1, v1  }
0x1aa: {  	vm2 =	vgt.f32 v53, v3;
	v23 =	vadd.s32 v23, v14;
	v14 =	vsel vm0, $0x1, v1  }
0x1ab: {  	vm0 =	vcmask $0x3F30;
	v60 =	vsel vm2, $0x1, v1;
	v16 =	vadd.s32 v25, v23  }
0x1ac: {  	vm0 =	vmand vm15, vm0;
	vm15 =	veq.f32 v53, v4;
	v27 =	vadd.s32 v27, v16  }
0x1ad: {  	vm0 =	vmor vm3, vm0;
	vm3 =	vgt.f32 v53, v4;
	vm15 =	vmand vm15, vm14  }
0x1ae: {  	v53 =	vbroadcast v4, $0xD;
	v16 =	vsel vm0, $0x1, v1;
	v18 =	vadd.s32 v29, v27  }
0x1af: {  	v27 =	vsel vm1, $0x1, v1;
	vm0 =	vmor vm3, vm15;
	v18 =	vadd.s32 v30, v18  }
0x1b0: {  	vm1 =	vgt.f32 v53, v3;
	vm2 =	vgt.f32 v53, v4;
	vm3 =	veq.f32 v53, v4  }
0x1b1: {  	vm15 =	vge.f32 v53, v9;
	v18 =	vadd.s32 v31, v18;
	v62 =	vsel vm1, $0x1, v1  }
0x1b2: {  	v25 =	vadd.s32 v32, v18;
	v18 =	vsel vm0, $0x1, v1;
	vm0 =	vgt.f32 v53, v2  }
0x1b3: {  	v32 =	vsel vm15, $0x1, v1;
	v53 =	vbroadcast v4, $0xE;
	v29 =	vsel vm0, $0x1, v1  }
0x1b4: {  	vm0 =	vmand vm3, vm12;
	v31 =	vadd.s32 v58, v25;
	v23 =	vadd.s32 v32, v51  }
0x1b5: {  	v32 =	vbroadcast v4, $0xF;
	vm0 =	vmor vm2, vm0;
	v19 =	vadd.s32 v61, v31  }
0x1b6: {  	vm1 =	vgt.f32 v53, v3;
	vm2 =	vge.f32 v53, v9;
	vm3 =	vgt.f32 v53, v4  }
0x1b7: {  	vm15 =	veq.f32 v53, v4;
	v58 =	vadd.s32 v63, v19;
	v19 =	vsel vm0, $0x1, v1  }
0x1b8: {  	vm0 =	vgt.f32 v53, v2;
	v61 =	vsel vm2, $0x1, v1;
	vm15 =	vmand vm15, vm13  }
0x1b9: {  	v25 =	vsel vm1, $0x1, v1;
	vm1 =	vgt.f32 v32, v2;
	vm2 =	vgt.f32 v32, v3  }
0x1ba: {  	v63 =	vadd.s32 v61, v23;
	v10 =	vadd.s32 v10, v58;
	v51 =	vsel vm0, $0x1, v1  }
0x1bb: {  	vm0 =	vmor vm3, vm15;
	vm3 =	vgt.f32 v32, v4;
	vm15 =	vge.f32 v32, v9  }
0x1bc: {  	v61 =	vbroadcast v9, $0x0;
	v10 =	vadd.s32 v48, v10;
	v23 =	vsel vm0, $0x1, v1  }
0x1bd: {  	v58 =	vsel vm15, $0x1, v1;
	v53 =	vsel vm3, $0x1, v1;
	v10 =	vadd.s32 v41, v10  }
0x1be: {  	v41 =	vadd.s32 v58, v63;
	v63 =	vsel vm1, $0x1, v1;
	vm0 =	vgt.f32 v61, v2  }
0x1bf: {  	vm1 =	vgt.f32 v61, v3;
	vm3 =	vgt.f32 v61, v9;
	v10 =	vadd.s32 v38, v10  }
0x1c0: {  	vm15 =	veq.f32 v61, v9;
	v17 =	vadd.s32 v53, v17;
	v7 =	vadd.s32 v7, v10  }
0x1c1: {  	v48 =	vsel vm0, $0x1, v1;
	v30 =	vsel vm1, $0x1, v1;
	v7 =	vadd.s32 v54, v7  }
0x1c2: {  	vm0 =	vcmask $0x3F04;
	v10 =	vsel vm2, $0x1, v1;
	v5 =	vadd.s32 v5, v7  }
0x1c3: {  	vm0 =	vmand vm15, vm0;
	v0 =	vadd.s32 v0, v5;
	v5 =	vbroadcast v9, $0x1  }
0x1c4: {  	vm2 =	vgt.f32 v61, v4;
	vm0 =	vmor vm3, vm0;
	v0 =	vadd.s32 v55, v0  }
0x1c5: {  	v55 =	vsel vm2, $0x1, v1;
	vm15 =	vgt.f32 v5, v2;
	v0 =	vadd.s32 v27, v0  }
0x1c6: {  	v27 =	vsel vm0, $0x1, v1;
	vm0 =	vgt.f32 v5, v3;
	vm1 =	vgt.f32 v5, v4  }
0x1c7: {  	vm2 =	vgt.f32 v5, v9;
	v0 =	vadd.s32 v29, v0;
	v7 =	vsel vm15, $0x1, v1  }
0x1c8: {  	vm15 =	veq.f32 v5, v9;
	v32 =	vsel vm0, $0x1, v1;
	v5 =	vbroadcast v9, $0x2  }
0x1c9: {  	v58 =	vsel vm1, $0x1, v1;
	v0 =	vadd.s32 v51, v0;
	vm15 =	vmand vm15, vm11  }
0x1ca: {  	v0 =	vadd.s32 v63, v0;
	vm0 =	vmor vm2, vm15;
	vm1 =	vgt.f32 v5, v3  }
0x1cb: {  	vm2 =	vgt.f32 v5, v4;
	vm3 =	vgt.f32 v5, v9;
	vm11 =	veq.f32 v5, v9  }
0x1cc: {  	v0 =	vadd.s32 v48, v0;
	v29 =	vsel vm0, $0x1, v1;
	vm0 =	vgt.f32 v5, v2  }
0x1cd: {  	v51 =	vsel vm1, $0x1, v1;
	vm10 =	vmand vm11, vm10;
	v5 =	vsel vm0, $0x1, v1  }
0x1ce: {  	v0 =	vadd.s32 v7, v0;
	v7 =	vadd.s32 v43, v20;
	vm0 =	vmor vm3, vm10  }
0x1cf: {  	v0 =	vadd.s32 v5, v0;
	v5 =	vbroadcast v9, $0x3;
	v7 =	vadd.s32 v44, v7  }
0x1d0: {  	v61 =	vsel vm2, $0x1, v1;
	v20 =	vsel vm0, $0x1, v1;
	v7 =	vadd.s32 v45, v7  }
0x1d1: {  	vm11 =	vgt.f32 v5, v2;
	vm1 =	vgt.f32 v5, v3;
	vm2 =	vgt.f32 v5, v4  }
0x1d2: {  	vm3 =	veq.f32 v5, v9;
	vm10 =	vgt.f32 v5, v9;
	v7 =	vadd.s32 v46, v7  }
0x1d3: {  	v5 =	vsel vm11, $0x1, v1;
	vm11 =	vcmask $0x3F10;
	v45 =	vsel vm1, $0x1, v1  }
0x1d4: {  	v7 =	vadd.s32 v47, v7;
	vm0 =	vmand vm3, vm11;
	v0 =	vadd.s32 v5, v0  }
0x1d5: {  	v5 =	vbroadcast v9, $0x4;
	v7 =	vadd.s32 v11, v7;
	vm0 =	vmor vm10, vm0  }
0x1d6: {  	v63 =	vsel vm2, $0x1, v1;
	v7 =	vadd.s32 v49, v7;
	v31 =	vsel vm0, $0x1, v1  }
0x1d7: {  	vm0 =	vgt.f32 v5, v2;
	vm1 =	vgt.f32 v5, v3;
	vm2 =	vgt.f32 v5, v4  }
0x1d8: {  	vm10 =	vgt.f32 v5, v9;
	vm11 =	veq.f32 v5, v9;
	v7 =	vadd.s32 v50, v7  }
0x1d9: {  	v5 =	vsel vm0, $0x1, v1;
	v47 =	vsel vm1, $0x1, v1;
	vm9 =	vmand vm11, vm9  }
0x1da: {  	v11 =	vsel vm2, $0x1, v1;
	v7 =	vadd.s32 v52, v7;
	v0 =	vadd.s32 v5, v0  }
0x1db: {  	v5 =	vbroadcast v9, $0x5;
	vm0 =	vmor vm10, vm9;
	v6 =	vadd.s32 v6, v7  }
0x1dc: {  	v7 =	vbroadcast v9, $0x6;
	v43 =	vsel vm0, $0x1, v1;
	v6 =	vadd.s32 v56, v6  }
0x1dd: {  	vm0 =	vgt.f32 v5, v2;
	vm10 =	vgt.f32 v5, v3;
	vm2 =	vgt.f32 v5, v4  }
0x1de: {  	vm11 =	vgt.f32 v5, v9;
	vm9 =	veq.f32 v5, v9;
	v6 =	vadd.s32 v57, v6  }
0x1df: {  	vm1 =	vgt.f32 v7, v3;
	v5 =	vsel vm0, $0x1, v1;
	v48 =	vsel vm10, $0x1, v1  }
0x1e0: {  	vm10 =	vmand vm9, vm8;
	vm8 =	vgt.f32 v7, v4;
	vm9 =	veq.f32 v7, v9  }
0x1e1: {  	v6 =	vadd.s32 v59, v6;
	vm0 =	vmor vm11, vm10;
	vm11 =	vgt.f32 v7, v2  }
0x1e2: {  	vm10 =	vgt.f32 v7, v9;
	v0 =	vadd.s32 v5, v0;
	v5 =	vbroadcast v9, $0x7  }
0x1e3: {  	v6 =	vadd.s32 v60, v6;
	v50 =	vsel vm8, $0x1, v1;
	v44 =	vsel vm0, $0x1, v1  }
0x1e4: {  	v7 =	vsel vm11, $0x1, v1;
	vm11 =	vmand vm9, vm7;
	v6 =	vadd.s32 v62, v6  }
0x1e5: {  	vm0 =	vmor vm10, vm11;
	vm7 =	vgt.f32 v5, v2;
	vm8 =	vgt.f32 v5, v3  }
0x1e6: {  	vm9 =	vgt.f32 v5, v4;
	vm10 =	vgt.f32 v5, v9;
	vm11 =	veq.f32 v5, v9  }
0x1e7: {  	v6 =	vadd.s32 v25, v6;
	v0 =	vadd.s32 v7, v0;
	v7 =	vbroadcast v9, $0x8  }
0x1e8: {  	v46 =	vsel vm0, $0x1, v1;
	v52 =	vsel vm7, $0x1, v1;
	v5 =	vsel vm8, $0x1, v1  }
0x1e9: {  	vm7 =	vmand vm11, vm6;
	v6 =	vadd.s32 v10, v6;
	v10 =	vsel vm9, $0x1, v1  }
0x1ea: {  	v60 =	vld [tilespmem:$0x1FF00];
	vm0 =	vmor vm10, vm7;
	vm8 =	vgt.f32 v7, v2;
	vm9 =	vgt.f32 v7, v3  }
0x1eb: {  	vm10 =	vgt.f32 v7, v4;
	vm11 =	vgt.f32 v7, v9;
	vm6 =	veq.f32 v7, v9;
	v7 =	vld [tilespmem:$0x1FF10]  }
0x1ec: {  	v17 =	vadd.s32 v55, v17;
	v62 =	vld [tilespmem:$0x1FF20]  }
0x1ed: {  	v17 =	vadd.s32 v58, v17  }
0x1ee: {  	v17 =	vadd.s32 v61, v17  }
0x1ef: {  	v17 =	vadd.s32 v63, v17;
	v25 =	vadd.s32 v60, v6  }
0x1f0: {  	v11 =	vadd.s32 v11, v17;
	v38 =	vsel vm2, $0x1, v1;
	v60 =	vld [tilespmem:$0x1FF30];
	v7 =	vadd.s32 v7, v25  }
0x1f1: {  	v61 =	vbroadcast v9, $0xE;
	v11 =	vadd.s32 v38, v11;
	v7 =	vadd.s32 v62, v7;
	v62 =	vld [tilespmem:$0x1FF40]  }
0x1f2: {  	v56 =	vbroadcast v9, $0x9;
	v49 =	vsel vm1, $0x1, v1;
	v11 =	vadd.s32 v50, v11  }
0x1f3: {  	v10 =	vadd.s32 v10, v11;
	v11 =	vbroadcast v9, $0xF;
	v0 =	vadd.s32 v52, v0  }
0x1f4: {  	v6 =	vsel vm0, $0x1, v1;
	v54 =	vsel vm8, $0x1, v1;
	vm7 =	vmand vm6, vm5  }
0x1f5: {  	v57 =	vsel vm10, $0x1, v1;
	vm8 =	vgt.f32 v56, v2;
	v7 =	vadd.s32 v60, v7;
	v60 =	vld [tilespmem:$0x1FF50]  }
0x1f6: {  	vm10 =	vgt.f32 v56, v4;
	vm5 =	veq.f32 v56, v9;
	v59 =	vadd.s32 v62, v7;
	v62 =	vld [tilespmem:$0x1FF60]  }
0x1f7: {  	vm0 =	vmor vm11, vm7;
	vm11 =	vgt.f32 v56, v9;
	v0 =	vadd.s32 v54, v0  }
0x1f8: {  	v25 =	vsel vm9, $0x1, v1;
	vm9 =	vgt.f32 v56, v3;
	v56 =	vsel vm8, $0x1, v1  }
0x1f9: {  	vm6 =	vcmask $0x3F28;
	v10 =	vadd.s32 v57, v10;
	v0 =	vadd.s32 v56, v0  }
0x1fa: {  	v7 =	vsel vm0, $0x1, v1;
	vm0 =	vmand vm5, vm6;
	v59 =	vadd.s32 v60, v59  }
0x1fb: {  	v60 =	vsel vm9, $0x1, v1;
	v59 =	vadd.s32 v62, v59;
	v62 =	vbroadcast v9, $0xA  }
0x1fc: {  	vm15 =	vmor vm11, vm0;
	v21 =	vadd.s32 v21, v59;
	v59 =	vsel vm10, $0x1, v1  }
0x1fd: {  	vm7 =	vgt.f32 v62, v2;
	v21 =	vadd.s32 v22, v21;
	vm8 =	vgt.f32 v62, v3  }
0x1fe: {  	vm9 =	vgt.f32 v62, v4;
	vm10 =	vgt.f32 v62, v9;
	vm11 =	veq.f32 v62, v9  }
0x1ff: {  	v10 =	vadd.s32 v59, v10;
	v22 =	vsel vm7, $0x1, v1;
	v62 =	vsel vm8, $0x1, v1  }
0x200: {  	vm5 =	vmand vm11, vm4;
	v21 =	vadd.s32 v24, v21;
	v24 =	vbroadcast v9, $0xB  }
0x201: {  	vm11 =	vcmask $0x3F30;
	v21 =	vadd.s32 v26, v21;
	v26 =	vsel vm9, $0x1, v1  }
0x202: {  	vm0 =	vmor vm10, vm5;
	v0 =	vadd.s32 v22, v0;
	vm6 =	vgt.f32 v24, v2  }
0x203: {  	vm7 =	vgt.f32 v24, v3;
	v21 =	vadd.s32 v28, v21;
	vm8 =	veq.f32 v24, v9  }
0x204: {  	vm9 =	vgt.f32 v24, v4;
	vm10 =	vgt.f32 v24, v9;
	v10 =	vadd.s32 v26, v10  }
0x205: {  	v28 =	vsel vm6, $0x1, v1;
	v21 =	vadd.s32 v39, v21;
	v39 =	vsel vm7, $0x1, v1  }
0x206: {  	vm1 =	vmand vm8, vm11;
	v24 =	vsel vm9, $0x1, v1;
	v21 =	vadd.s32 v42, v21  }
0x207: {  	v42 =	vbroadcast v9, $0xC;
	vm1 =	vmor vm10, vm1;
	v10 =	vadd.s32 v24, v10  }
0x208: {  	v0 =	vadd.s32 v28, v0;
	v21 =	vadd.s32 v40, v21;
	v40 =	vbroadcast v9, $0xD  }
0x209: {  	vm6 =	vgt.f32 v42, v2;
	vm7 =	vgt.f32 v42, v3;
	vm8 =	vgt.f32 v42, v4  }
0x20a: {  	v21 =	vadd.s32 v30, v21;
	v53 =	vsel vm6, $0x1, v1;
	v55 =	vsel vm7, $0x1, v1  }
0x20b: {  	v58 =	vsel vm8, $0x1, v1;
	vm9 =	vgt.f32 v40, v2;
	vm10 =	vgt.f32 v40, v3  }
0x20c: {  	vm11 =	vgt.f32 v40, v4;
	vm6 =	vgt.f32 v61, v2;
	vm7 =	vgt.f32 v61, v3  }
0x20d: {  	vm8 =	vgt.f32 v61, v4;
	v21 =	vadd.s32 v32, v21;
	v63 =	vsel vm9, $0x1, v1  }
0x20e: {  	v17 =	vsel vm10, $0x1, v1;
	v38 =	vsel vm11, $0x1, v1;
	v50 =	vsel vm6, $0x1, v1  }
0x20f: {  	v57 =	vsel vm7, $0x1, v1;
	vm9 =	vgt.f32 v11, v2;
	v2 =	vsel vm8, $0x1, v1  }
0x210: {  	v56 =	vld [tilespmem:$0x1FF70];
	vm10 =	vgt.f32 v11, v3;
	vm11 =	vgt.f32 v11, v4;
	vm6 =	vgt.f32 v11, v9  }
0x211: {  	v21 =	vadd.s32 v51, v21;
	v10 =	vadd.s32 v58, v10;
	v0 =	vadd.s32 v53, v0  }
0x212: {  	vm7 =	veq.f32 v42, v9;
	v3 =	vsel vm9, $0x1, v1;
	v10 =	vadd.s32 v38, v10  }
0x213: {  	v59 =	vsel vm11, $0x1, v1;
	v21 =	vadd.s32 v45, v21;
	v2 =	vadd.s32 v2, v10  }
0x214: {  	v11 =	vsel vm6, $0x1, v1;
	v21 =	vadd.s32 v47, v21;
	v2 =	vadd.s32 v59, v2  }
0x215: {  	v0 =	vadd.s32 v63, v0;
	v54 =	vadd.s32 v48, v21;
	v2 =	vadd.s32 v56, v2  }
0x216: {  	v0 =	vadd.s32 v50, v0;
	v10 =	vadd.s32 v49, v54;
	v2 =	vadd.s32 v34, v2  }
0x217: {  	v58 =	vadd.s32 v11, v41;
	v5 =	vadd.s32 v5, v10;
	v2 =	vadd.s32 v35, v2  }
0x218: {  	s13 =	simm.s32 $0x0;
	v0 =	vadd.s32 v3, v0;
	v5 =	vadd.s32 v25, v5;
	v2 =	vadd.s32 v36, v2  }
0x219: {  	v3 =	vadd.s32 v60, v5;
	v5 =	vmov s13;
	v2 =	vadd.s32 v37, v2  }
0x21a: {  	v10 =	vadd.s32 v27, v58;
	v5 =	vand.u32 $0x7F, v5;
	v2 =	vadd.s32 v33, v2  }
0x21b: {  	v3 =	vadd.s32 v62, v3;
	v59 =	vbroadcast v5, $0x0;
	v2 =	vadd.s32 v15, v2  }
0x21c: {  	s13 =	simm.s32 $0x20;
	v3 =	vadd.s32 v39, v3;
	v5 =	vadd.s32 v13, v2;
	v2 =	vshll.u32 v0, $0x7  }
0x21d: {  	v0 =	vadd.s32 v8, v5;
	v5 =	vadd.s32 v29, v10;
	v8 =	vld [tilespmem:s13+$0xFFFFFFE0];
	v60 =	vor.u32 v2, v59  }
0x21e: {  	vm8 =	vgt.f32 v42, v9;
	v3 =	vadd.s32 v55, v3;
	v5 =	vadd.s32 v20, v5  }
0x21f: {  	v4 =	vsel vm10, $0x1, v1;
	v3 =	vadd.s32 v17, v3;
	v5 =	vadd.s32 v31, v5  }
0x220: {  	vm2 =	vmand vm7, vm14;
	v3 =	vadd.s32 v57, v3;
	v5 =	vadd.s32 v43, v5  }
0x221: {  	vm9 =	veq.f32 v40, v9;
	v3 =	vadd.s32 v4, v3;
	v4 =	vadd.s32 v44, v5  }
0x222: {  	v0 =	vadd.s32 v12, v0;
	v3 =	vshll.u32 v3, $0x7;
	[tilespmem:v60+s11+$0x0] =	vst.idx.msk $0xffff, v8;
	v4 =	vadd.s32 v46, v4  }
0x223: {  	v0 =	vadd.s32 v14, v0;
	v4 =	vadd.s32 v6, v4;
	v5 =	vld [tilespmem:s13+$0xFFFFFFF0];
	v6 =	vor.u32 v3, v59  }
0x224: {  	vm10 =	vgt.f32 v40, v9;
	vm14 =	vgt.f32 v61, v9;
	v0 =	vadd.s32 v16, v0  }
0x225: {  	vm11 =	vmand vm9, vm12;
	vm12 =	veq.f32 v61, v9;
	v0 =	vadd.s32 v18, v0  }
0x226: {  	v62 =	vsel vm1, $0x1, v1;
	vm1 =	vmand vm12, vm13;
	v0 =	vadd.s32 v19, v0  }
0x227: {  	v8 =	vsel vm15, $0x1, v1;
	v0 =	vadd.s32 v23, v0;
	v4 =	vadd.s32 v7, v4  }
0x228: {  	v7 =	vsel vm0, $0x1, v1;
	[tilespmem:v6+s11+$0x0] =	vst.idx.msk $0xffff, v5;
	v5 =	vadd.s32 v8, v4;
	v4 =	vshll.u32 v0, $0x7  }
0x229: {  	vm0 =	vmor vm8, vm2;
	v0 =	vadd.s32 v7, v5;
	v5 =	vld [tilespmem:s13+$0x0];
	v6 =	vor.u32 v4, v59  }
0x22a: {  	v63 =	vsel vm0, $0x1, v1;
	vm0 =	vmor vm10, vm11;
	v0 =	vadd.s32 v62, v0  }
0x22b: {  	vm15 =	vmor vm14, vm1;
	v8 =	vsel vm0, $0x1, v1;
	v0 =	vadd.s32 v63, v0  }
0x22c: {  	v7 =	vsel vm15, $0x1, v1;
	v0 =	vadd.s32 v8, v0  }
0x22d: {  	v0 =	vadd.s32 v7, v0  }
0x22e: {  	v1 =	vshll.u32 v0, $0x7;
	[tilespmem:v6+s11+$0x0] =	vst.idx.msk $0xffff, v5  }
0x22f: {  	v5 =	vld [tilespmem:s13+$0x10];
	v6 =	vor.u32 v1, v59  }
0x230: {  	s14 =	simm.s32 $0x1  }
0x231: {  	v7 =	vmov s14;
	s14 =	simm.s32 $0x2  }
.LBB2_4:
0x232: {  	p0 =	sne.s32 s14, $0x7F;
	v0 =	vand.u32 $0x7F, v7  }
0x233: {  	v0 =	vbroadcast v0, $0x0  }
0x234: {  	s13 =	sadd.s32 $0x40, s13;
	[tilespmem:v6+s11+$0x0] =	vst.idx.msk $0xffff, v5  }
0x235: {  	v5 =	vld [tilespmem:s13+$0xFFFFFFE0];
	v6 =	vor.u32 v2, v0;
	_ =	sdelay $0x4  }
0x236: {  	[tilespmem:v6+s11+$0x0] =	vst.idx.msk $0xffff, v5  }
0x237: {  	v6 =	vor.u32 v3, v0;
	v5 =	vld [tilespmem:s13+$0xFFFFFFF0];
	_ =	sdelay $0x4  }
0x238: {  	[tilespmem:v6+s11+$0x0] =	vst.idx.msk $0xffff, v5  }
0x239: {  	v6 =	vor.u32 v4, v0;
	v5 =	vld [tilespmem:s13+$0x0];
	_ =	sdelay $0x3  }
.Ltmp1:
0x23a: {  	(pc) =	sbr.rel @p0 .LBB2_4-.Ltmp1, $3  }
0x23b: {  	[tilespmem:v6+s11+$0x0] =	vst.idx.msk $0xffff, v5  }
0x23c: {  	v6 =	vor.u32 v1, v0;
	v5 =	vld [tilespmem:s13+$0x10];
	_ =	sdelay $0x1  }
0x23d: {  	v7 =	vmov s14;
	s14 =	sadd.s32 $0x1, s14  }
0x23e: {  	_ =	sdelay $0x1  }
0x23f: {  	v0 =	vand.u32 $0x7F, v7  }
0x240: {  	v0 =	vbroadcast v0, $0x0  }
0x241: {  	s13 =	sadd.s32 $0x40, s13;
	[tilespmem:v6+s11+$0x0] =	vst.idx.msk $0xffff, v5  }
0x242: {  	v5 =	vld [tilespmem:s13+$0xFFFFFFE0];
	v2 =	vor.u32 v2, v0;
	_ =	sdelay $0x4  }
0x243: {  	[tilespmem:v2+s11+$0x0] =	vst.idx.msk $0xffff, v5  }
0x244: {  	v3 =	vor.u32 v3, v0;
	v2 =	vld [tilespmem:s13+$0xFFFFFFF0];
	_ =	sdelay $0x4  }
0x245: {  	[tilespmem:v3+s11+$0x0] =	vst.idx.msk $0xffff, v2  }
0x246: {  	v63 =	vor.u32 v4, v0;
	v2 =	vld [tilespmem:s13+$0x0];
	_ =	sdelay $0x4  }
0x247: {  	[tilespmem:v63+s11+$0x0] =	vst.idx.msk $0xffff, v2  }
0x248: {  	v0 =	vor.u32 v1, v0;
	v2 =	vld [tilespmem:s13+$0x10];
	_ =	sdelay $0x2  }
0x249: {  	s12 =	sadd.s32 $0x1, s12  }
0x24a: {  	p0 =	sne.s32 s12, s6  }
.Ltmp2:
0x24b: {  	[tilespmem:v0+s11+$0x0] =	vst.idx.msk $0xffff, v2;
	(pc) =	sbr.rel @p0 .LBB2_1-.Ltmp2, $4  }
0x24c: {  	[hbm4b:s5+s2] =	stream.linear.scatter [tilespmem:s11], [sflag:$0x1], $0x2000, $0x38;
	[tilespmem:$0x4100] =	vst v63  }
0x24d: {  	_ =	swait.ge [sflag:s8], $0x2000  }
0x24e: {  	[sflag:s8] =	ssyncset.done $0x0  }
0x24f: {  	[sflag:s8] =	ssyncadd.s32 $0xFFFFE000  }
0x250: {  	_ =	sfence.sel $0x180000  }
0x251: {  	[bflag:$0x0] =	sbarrier.arrive $0xFFFF  }
0x252: {  	p0 =	sne.s32 s1, $0x0;
	_ =	strace $0x90000047  }
0x253: {  	s0 =	sadd.s32 @!p0 $0x100000, s0;
	[bflag:$0x2] =	sbarrier.arrive $0xFFFF  }
0x254: {  	[sflag:s0] =	ssyncadd.tile.s32 @!p0 $0x1;
	_ =	shalt  }
.Lfunc_end2:
_tile_overlayer_lowered:
.L_overlay_start_2:
0x255: {  	(tag) =	ssettag $0x2  }
0x256: {  	s0 =	rddreg [dreg:$0x0];
	s2 =	stileid.u32  }
0x257: {  	s1 =	rddreg [dreg:$0x1];
	p0 =	sne.s32 s2, $0x0  }
0x258: {  	s3 =	rddreg [dreg:$0x2];
	[bflag:$0x3] =	sbarrier.arrive $0xFFFF;
	s2 =	simm.s32 @!p0 $0x1C01  }
0x259: {  	[timem:s3], [sflag:s2] =	dma.local @!p0 [hbm:s0], s1  }
0x25a: {  	s0 =	simm.s32 @!p0 $0x1  }
0x25b: {  	_ =	swait.ge @!p0 [sflag:s0], s1  }
0x25c: {  	s1 =	ssub.s32 @!p0 $0x0, s1;
	[sflag:s0] =	ssyncset.done @!p0 $0x0  }
0x25d: {  	[sflag:s0] =	ssyncadd.s32 @!p0 s1  }
0x25e: {  	[bflag:$0x3] =	sbarrier.arrive $0xFFFF  }
0x25f: {  	_ =	shalt  }

</sc_bundles>
